<compile_context>
chip_gen: v7x
topology: tpu7x:2x2x1
jax: 0.10.2.dev20260603
libtpu: 0.0.44.dev20260713+nightly
codegen_flags: <defaults>
</compile_context>

<pallas_src>
import functools

import jax
import jax.numpy as jnp
from jax import lax
from jax.experimental import pallas as pl
from jax.experimental.pallas import tpu as pltpu
from jax.experimental.pallas import tpu_sc as plsc

NEG = 0.2
LANES = 16
CHUNK = 64
NSUB = 16
NCORE = 2
NBUF = 3


def _prep_body(x_ref, w_ref, asr_ref, adr_ref, hp_ref, adw_ref):
    h = jnp.dot(x_ref[...], w_ref[...], preferred_element_type=jnp.float32,
                precision=lax.Precision.HIGHEST)
    asrc = jnp.sum(h * asr_ref[...], axis=1)
    adst = jnp.sum(h * adr_ref[...], axis=1)
    n = h.shape[0]
    body = jnp.concatenate(
        [h, jnp.broadcast_to(asrc[:, None], (n, LANES))], axis=1)
    fp = body.shape[1]
    pad = jnp.concatenate(
        [jnp.zeros((8, fp - LANES), jnp.float32),
         jnp.full((8, LANES), -1e30, jnp.float32)], axis=1)
    hp_ref[...] = jnp.concatenate([body, pad], axis=0)
    adw_ref[...] = jnp.broadcast_to(adst[:, None], (n, LANES))


def _finish_body(acc_ref, b_ref, o_ref):
    nf = acc_ref.shape[2] - LANES
    hs = acc_ref[0, :, :nf] + acc_ref[1, :, :nf]
    dn = acc_ref[0, :, nf] + acc_ref[1, :, nf]
    y = hs / dn[:, None] + b_ref[...]
    o_ref[...] = jnp.where(y >= 0.0, y, NEG * y)


def _make_edge_kernel(n_nodes, featp, t_chunks, e_tot):
    mesh = plsc.VectorSubcoreMesh(core_axis_name="c", subcore_axis_name="s")

    @functools.partial(
        pl.kernel,
        mesh=mesh,
        compiler_params=pltpu.CompilerParams(
            needs_layout_passes=False, use_tc_tiling_on_sc=False),
        out_type=jax.ShapeDtypeStruct((NCORE, n_nodes, featp), jnp.float32),
        scratch_types=[
            [pltpu.VMEM((2, CHUNK), jnp.int32) for _ in range(NBUF)],
            [pltpu.VMEM((CHUNK,), jnp.int32) for _ in range(NBUF)],
            [pltpu.VMEM((CHUNK, featp), jnp.float32) for _ in range(NBUF)],
            [pltpu.VMEM((CHUNK, LANES), jnp.float32) for _ in range(NBUF)],
            pltpu.VMEM_SHARED((n_nodes, featp), jnp.float32),
            [pltpu.SemaphoreType.DMA for _ in range(NBUF)],
            [pltpu.SemaphoreType.DMA for _ in range(NBUF)],
            [pltpu.SemaphoreType.DMA for _ in range(NBUF)],
        ],
    )
    def edge_kernel(hp_hbm, adw_hbm, idx_hbm, out_hbm,
                    sd_v, ds_v, r_v, b_v, acc, sem_g, sem_i, sem_s):
        c = lax.axis_index("c")
        s = lax.axis_index("s")

        @plsc.parallel_loop(0, CHUNK, 1, unroll=4)
        def _(i):
            for f in range(featp // LANES):
                r_v[0][i, pl.ds(f * LANES, LANES)] = jnp.zeros(
                    (LANES,), jnp.float32)

        npt = n_nodes // NSUB
        nfull = npt // CHUNK
        nrem = npt - nfull * CHUNK
        row0 = s * npt
        for q in range(nfull):
            pltpu.sync_copy(r_v[0], acc.at[pl.ds(row0 + q * CHUNK, CHUNK)])
        if nrem:
            pltpu.sync_copy(r_v[0].at[pl.ds(0, nrem)],
                            acc.at[pl.ds(row0 + nfull * CHUNK, nrem)])
        plsc.subcore_barrier()


        def issue_gathers(b):
            pltpu.async_copy(hp_hbm.at[sd_v[b].at[0]], r_v[b], sem_g[b])
            pltpu.async_copy(adw_hbm.at[sd_v[b].at[1]], b_v[b], sem_g[b])

        def wait_gathers(b):
            pltpu.make_async_copy(
                hp_hbm.at[sd_v[b].at[0]], r_v[b], sem_g[b]).wait()
            pltpu.make_async_copy(
                adw_hbm.at[sd_v[b].at[1]], b_v[b], sem_g[b]).wait()

        def issue_idx(j, b):
            pltpu.async_copy(idx_hbm.at[:, c, s, j], sd_v[b], sem_i[b])

        def wait_idx(j, b):
            pltpu.make_async_copy(
                idx_hbm.at[:, c, s, j], sd_v[b], sem_i[b]).wait()

        def issue_scatter(b):
            pltpu.async_copy(r_v[b], acc.at[ds_v[b]], sem_s[b], add=True)

        def wait_scatter(b):
            pltpu.make_async_copy(r_v[b], acc.at[ds_v[b]], sem_s[b]).wait()

        def compute(j, b):
            @plsc.parallel_loop(0, CHUNK, 1, unroll=8)
            def _(i):
                e = r_v[b][i, pl.ds(featp - LANES, LANES)] + b_v[b][i]
                e = jnp.where(e >= 0.0, e, NEG * e)
                p = jnp.exp(e)
                for f in range((featp - LANES) // LANES):
                    r_v[b][i, pl.ds(f * LANES, LANES)] = (
                        r_v[b][i, pl.ds(f * LANES, LANES)] * p)
                r_v[b][i, pl.ds(featp - LANES, LANES)] = jnp.where(
                    lax.iota(jnp.int32, LANES) == 0, p, 0.0)

        pltpu.sync_copy(idx_hbm.at[:, c, s, 0], sd_v[0])
        issue_gathers(0)
        issue_idx(1, 1)

        nt = t_chunks // NBUF

        def trio_body(jj, carry):
            for b in range(NBUF):
                pn = (b + 1) % NBUF
                pp = (b + 2) % NBUF
                j = jj * NBUF + b
                if b < NBUF - 1:
                    wait_idx(j + 1, pn)
                else:
                    @pl.when(jj < nt - 1)
                    def _():
                        wait_idx(j + 1, pn)
                if b == 0:
                    @pl.when(jj > 0)
                    def _():
                        wait_scatter(pn)
                elif b == 1:
                    @pl.when(jj > 0)
                    def _():
                        wait_scatter(pn)
                else:
                    wait_scatter(pn)
                if b < NBUF - 1:
                    issue_gathers(pn)
                else:
                    @pl.when(jj < nt - 1)
                    def _():
                        issue_gathers(pn)
                if b == 0:
                    issue_idx(j + 2, pp)
                else:
                    @pl.when(jj < nt - 1)
                    def _():
                        issue_idx(j + 2, pp)
                wait_gathers(b)
                for u in range(CHUNK // LANES):
                    ds_v[b][pl.ds(u * LANES, LANES)] = (
                        sd_v[b][1, pl.ds(u * LANES, LANES)])
                compute(j, b)
                issue_scatter(b)
            return carry

        lax.fori_loop(0, nt, trio_body, 0)
        wait_scatter((t_chunks - 2) % NBUF)
        wait_scatter((t_chunks - 1) % NBUF)
        plsc.subcore_barrier()

        pltpu.sync_copy(acc.at[pl.ds(row0, npt)],
                        out_hbm.at[c, pl.ds(row0, npt)])

    return edge_kernel


def kernel(x, edge_index, W, att_src, att_dst, bias):
    n_nodes, in_f = x.shape
    out_f = W.shape[1]
    featp = out_f + LANES
    n_edges = edge_index.shape[1]
    e_tot = n_edges + n_nodes
    n_workers = NCORE * NSUB
    t_chunks = -(-e_tot // (n_workers * CHUNK))
    t_chunks += (-t_chunks) % NBUF
    e_pad = n_workers * t_chunks * CHUNK

    loop = jnp.arange(n_nodes, dtype=jnp.int32)
    spad = jnp.full((e_pad - e_tot,), n_nodes, jnp.int32)
    zpad = jnp.zeros((e_pad - e_tot,), jnp.int32)
    src = jnp.concatenate([edge_index[0].astype(jnp.int32), loop, spad])
    dst = jnp.concatenate([edge_index[1].astype(jnp.int32), loop, zpad])
    idx = (jnp.stack([src, dst])
           .reshape(2, t_chunks, NSUB, NCORE, CHUNK)
           .transpose(0, 3, 2, 1, 4))

    hp, adw = pl.pallas_call(
        _prep_body,
        out_shape=[
            jax.ShapeDtypeStruct((n_nodes + 8, featp), jnp.float32),
            jax.ShapeDtypeStruct((n_nodes, LANES), jnp.float32),
        ],
    )(x, W, att_src.reshape(1, out_f), att_dst.reshape(1, out_f))

    acc = _make_edge_kernel(n_nodes, featp, t_chunks, e_tot)(hp, adw, idx)

    grid = 10
    rblk = n_nodes // grid
    out = pl.pallas_call(
        _finish_body,
        grid=(grid,),
        in_specs=[
            pl.BlockSpec((NCORE, rblk, featp), lambda i: (0, i, 0)),
            pl.BlockSpec((1, out_f), lambda i: (0, 0)),
        ],
        out_specs=pl.BlockSpec((rblk, out_f), lambda i: (i, 0)),
        out_shape=jax.ShapeDtypeStruct((n_nodes, out_f), jnp.float32),
    )(acc, bias.reshape(1, out_f))
    return out

# --- scband reference (transcript-rebuilt; emitter-appended) ---
"""Pipeline reference for scband-graph-attention-layer-81209241633570 (READ-ONLY COPY).

The authoritative reference and input builder live on the scoring server;
editing this copy changes nothing except your own understanding.
"""

import jax, jax.numpy as jnp
import numpy as np

N_NODES = 10000
IN_F = 128
OUT_F = 128
N_EDGES = 320000
NEG_SLOPE_GAT = 0.2
NEG_SLOPE_OUTER = 0.2


def setup_inputs(seed: int = 0) -> dict:
    key = jax.random.key(seed)
    k1, k2, k3, k4, k5, k6 = jax.random.split(key, 6)
    x = jax.random.normal(k1, (N_NODES, IN_F), dtype=jnp.float32)
    edge_index = jax.random.randint(k2, (2, N_EDGES), 0, N_NODES, dtype=jnp.int64)
    # GATConv parameters (heads=1): lin weight, att_src, att_dst, bias
    W = jax.random.normal(k3, (IN_F, OUT_F), dtype=jnp.float32) * (1.0 / np.sqrt(IN_F))
    att_src = jax.random.normal(k4, (OUT_F,), dtype=jnp.float32) * 0.1
    att_dst = jax.random.normal(k5, (OUT_F,), dtype=jnp.float32) * 0.1
    bias = jnp.zeros((OUT_F,), dtype=jnp.float32)
    return {"x": x, "edge_index": edge_index, "W": W, "att_src": att_src, "att_dst": att_dst, "bias": bias}


def reference(x, edge_index, W, att_src, att_dst, bias):
    N = x.shape[0]
    # PyG GATConv adds self-loops by default
    loop = jnp.arange(N, dtype=edge_index.dtype)
    src = jnp.concatenate([edge_index[0], loop])
    dst = jnp.concatenate([edge_index[1], loop])
    h = x @ W  # [N, OUT_F]
    a_src = jnp.sum(h * att_src, axis=-1)  # [N]
    a_dst = jnp.sum(h * att_dst, axis=-1)  # [N]
    e = a_src[src] + a_dst[dst]  # [E]
    e = jax.nn.leaky_relu(e, NEG_SLOPE_GAT)
    # softmax over incoming edges per destination node
    e_max = jax.ops.segment_max(e, dst, num_segments=N)
    e_exp = jnp.exp(e - e_max[dst])
    denom = jax.ops.segment_sum(e_exp, dst, num_segments=N)
    alpha = e_exp / (denom[dst] + 1e-16)
    out = jax.ops.segment_sum(h[src] * alpha[:, None], dst, num_segments=N)
    out = out + bias
    # outer module: LeakyReLU(alpha=0.2); dropout is identity at eval
    out = jax.nn.leaky_relu(out, NEG_SLOPE_OUTER)
    return out

if __name__ == "__main__":
    import jax
    _d = setup_inputs()
    print(jax.jit(kernel)(*tuple(_d.values())))

</pallas_src>

<mosaic_0001>
#map = affine_map<(d0, d1) -> (0, 0)>
#map1 = affine_map<(d0, d1) -> (0, 0, 0, 0, 0)>
#map2 = affine_map<(d0, d1) -> (0, 0, 0)>
module attributes {stable_mosaic.version = 14 : i64} {
  func.func @edge_kernel(%arg0: i32, %arg1: i32, %arg2: memref<10008x144xf32, #tpu.memory_space<hbm>>, %arg3: memref<10000x16xf32, #tpu.memory_space<hbm>>, %arg4: memref<2x2x16x162x64xi32, #tpu.memory_space<hbm>>, %arg5: memref<2x10000x144xf32, #tpu.memory_space<hbm>>, %arg6: memref<2x64xi32, #tpu.memory_space<vmem>>, %arg7: memref<2x64xi32, #tpu.memory_space<vmem>>, %arg8: memref<2x64xi32, #tpu.memory_space<vmem>>, %arg9: memref<64xi32, #tpu.memory_space<vmem>>, %arg10: memref<64xi32, #tpu.memory_space<vmem>>, %arg11: memref<64xi32, #tpu.memory_space<vmem>>, %arg12: memref<64x144xf32, #tpu.memory_space<vmem>>, %arg13: memref<64x144xf32, #tpu.memory_space<vmem>>, %arg14: memref<64x144xf32, #tpu.memory_space<vmem>>, %arg15: memref<64x16xf32, #tpu.memory_space<vmem>>, %arg16: memref<64x16xf32, #tpu.memory_space<vmem>>, %arg17: memref<64x16xf32, #tpu.memory_space<vmem>>, %arg18: memref<10000x144xf32, #tpu.memory_space<vmem_shared>>, %arg19: memref<!tpu.dma_semaphore, #tpu.memory_space<semaphore_mem>>, %arg20: memref<!tpu.dma_semaphore, #tpu.memory_space<semaphore_mem>>, %arg21: memref<!tpu.dma_semaphore, #tpu.memory_space<semaphore_mem>>, %arg22: memref<!tpu.dma_semaphore, #tpu.memory_space<semaphore_mem>>, %arg23: memref<!tpu.dma_semaphore, #tpu.memory_space<semaphore_mem>>, %arg24: memref<!tpu.dma_semaphore, #tpu.memory_space<semaphore_mem>>, %arg25: memref<!tpu.dma_semaphore, #tpu.memory_space<semaphore_mem>>, %arg26: memref<!tpu.dma_semaphore, #tpu.memory_space<semaphore_mem>>, %arg27: memref<!tpu.dma_semaphore, #tpu.memory_space<semaphore_mem>>) attributes {dimension_semantics = [#tpu.dimension_semantics<core_parallel>, #tpu.dimension_semantics<subcore_parallel>], iteration_bounds = array<i64: 2, 16>, scalar_prefetch = 0 : i64, scratch_operands = 22 : i64, tpu.core_type = #tpu.core_type<sc_vector_subcore>, window_params = [{transform_indices = #map}, {transform_indices = #map}, {transform_indices = #map1}, {transform_indices = #map2}]} {
    %parallel_loop3A = arith.constant 0 : i32
    %parallel_loop3A_0 = arith.constant 64 : i32
    %parallel_loop3A_1 = arith.constant 1 : i32
    scf.for %parallel_loop3A_55 = %parallel_loop3A to %parallel_loop3A_0 step %parallel_loop3A_1  : i32 {
      %parallel_loop3A_56 = arith.constant 0.000000e+00 : f32
      %parallel_loop3A_57 = vector.broadcast %parallel_loop3A_56 : f32 to vector<16xf32>
      %parallel_loop3A_58 = arith.index_cast %parallel_loop3A_55 : i32 to index
      %parallel_loop3A_59 = arith.constant 0 : index
      %parallel_loop3A_60 = tpu.vector_load %arg12[%parallel_loop3A_58, %parallel_loop3A_59] {strides = array<i32>} : memref<64x144xf32, #tpu.memory_space<vmem>>, vector<16xf32>,
      tpu.vector_store %arg12[%parallel_loop3A_58, %parallel_loop3A_59], %parallel_loop3A_57 {strides = array<i32>} : memref<64x144xf32, #tpu.memory_space<vmem>>, vector<16xf32>,
      %parallel_loop3A_61 = arith.constant 0.000000e+00 : f32
      %parallel_loop3A_62 = vector.broadcast %parallel_loop3A_61 : f32 to vector<16xf32>
      %parallel_loop3A_63 = arith.index_cast %parallel_loop3A_55 : i32 to index
      %parallel_loop3A_64 = arith.constant 16 : index
      %parallel_loop3A_65 = tpu.vector_load %arg12[%parallel_loop3A_63, %parallel_loop3A_64] {strides = array<i32>} : memref<64x144xf32, #tpu.memory_space<vmem>>, vector<16xf32>,
      tpu.vector_store %arg12[%parallel_loop3A_63, %parallel_loop3A_64], %parallel_loop3A_62 {strides = array<i32>} : memref<64x144xf32, #tpu.memory_space<vmem>>, vector<16xf32>,
      %parallel_loop3A_66 = arith.constant 0.000000e+00 : f32
      %parallel_loop3A_67 = vector.broadcast %parallel_loop3A_66 : f32 to vector<16xf32>
      %parallel_loop3A_68 = arith.index_cast %parallel_loop3A_55 : i32 to index
      %parallel_loop3A_69 = arith.constant 32 : index
      %parallel_loop3A_70 = tpu.vector_load %arg12[%parallel_loop3A_68, %parallel_loop3A_69] {strides = array<i32>} : memref<64x144xf32, #tpu.memory_space<vmem>>, vector<16xf32>,
      tpu.vector_store %arg12[%parallel_loop3A_68, %parallel_loop3A_69], %parallel_loop3A_67 {strides = array<i32>} : memref<64x144xf32, #tpu.memory_space<vmem>>, vector<16xf32>,
      %parallel_loop3A_71 = arith.constant 0.000000e+00 : f32
      %parallel_loop3A_72 = vector.broadcast %parallel_loop3A_71 : f32 to vector<16xf32>
      %parallel_loop3A_73 = arith.index_cast %parallel_loop3A_55 : i32 to index
      %parallel_loop3A_74 = arith.constant 48 : index
      %parallel_loop3A_75 = tpu.vector_load %arg12[%parallel_loop3A_73, %parallel_loop3A_74] {strides = array<i32>} : memref<64x144xf32, #tpu.memory_space<vmem>>, vector<16xf32>,
      tpu.vector_store %arg12[%parallel_loop3A_73, %parallel_loop3A_74], %parallel_loop3A_72 {strides = array<i32>} : memref<64x144xf32, #tpu.memory_space<vmem>>, vector<16xf32>,
      %parallel_loop3A_76 = arith.constant 0.000000e+00 : f32
      %parallel_loop3A_77 = vector.broadcast %parallel_loop3A_76 : f32 to vector<16xf32>
      %parallel_loop3A_78 = arith.index_cast %parallel_loop3A_55 : i32 to index
      %parallel_loop3A_79 = arith.constant 64 : index
      %parallel_loop3A_80 = tpu.vector_load %arg12[%parallel_loop3A_78, %parallel_loop3A_79] {strides = array<i32>} : memref<64x144xf32, #tpu.memory_space<vmem>>, vector<16xf32>,
      tpu.vector_store %arg12[%parallel_loop3A_78, %parallel_loop3A_79], %parallel_loop3A_77 {strides = array<i32>} : memref<64x144xf32, #tpu.memory_space<vmem>>, vector<16xf32>,
      %parallel_loop3A_81 = arith.constant 0.000000e+00 : f32
      %parallel_loop3A_82 = vector.broadcast %parallel_loop3A_81 : f32 to vector<16xf32>
      %parallel_loop3A_83 = arith.index_cast %parallel_loop3A_55 : i32 to index
      %parallel_loop3A_84 = arith.constant 80 : index
      %parallel_loop3A_85 = tpu.vector_load %arg12[%parallel_loop3A_83, %parallel_loop3A_84] {strides = array<i32>} : memref<64x144xf32, #tpu.memory_space<vmem>>, vector<16xf32>,
      tpu.vector_store %arg12[%parallel_loop3A_83, %parallel_loop3A_84], %parallel_loop3A_82 {strides = array<i32>} : memref<64x144xf32, #tpu.memory_space<vmem>>, vector<16xf32>,
      %parallel_loop3A_86 = arith.constant 0.000000e+00 : f32
      %parallel_loop3A_87 = vector.broadcast %parallel_loop3A_86 : f32 to vector<16xf32>
      %parallel_loop3A_88 = arith.index_cast %parallel_loop3A_55 : i32 to index
      %parallel_loop3A_89 = arith.constant 96 : index
      %parallel_loop3A_90 = tpu.vector_load %arg12[%parallel_loop3A_88, %parallel_loop3A_89] {strides = array<i32>} : memref<64x144xf32, #tpu.memory_space<vmem>>, vector<16xf32>,
      tpu.vector_store %arg12[%parallel_loop3A_88, %parallel_loop3A_89], %parallel_loop3A_87 {strides = array<i32>} : memref<64x144xf32, #tpu.memory_space<vmem>>, vector<16xf32>,
      %parallel_loop3A_91 = arith.constant 0.000000e+00 : f32
      %parallel_loop3A_92 = vector.broadcast %parallel_loop3A_91 : f32 to vector<16xf32>
      %parallel_loop3A_93 = arith.index_cast %parallel_loop3A_55 : i32 to index
      %parallel_loop3A_94 = arith.constant 112 : index
      %parallel_loop3A_95 = tpu.vector_load %arg12[%parallel_loop3A_93, %parallel_loop3A_94] {strides = array<i32>} : memref<64x144xf32, #tpu.memory_space<vmem>>, vector<16xf32>,
      tpu.vector_store %arg12[%parallel_loop3A_93, %parallel_loop3A_94], %parallel_loop3A_92 {strides = array<i32>} : memref<64x144xf32, #tpu.memory_space<vmem>>, vector<16xf32>,
      %parallel_loop3A_96 = arith.constant 0.000000e+00 : f32
      %parallel_loop3A_97 = vector.broadcast %parallel_loop3A_96 : f32 to vector<16xf32>
      %parallel_loop3A_98 = arith.index_cast %parallel_loop3A_55 : i32 to index
      %parallel_loop3A_99 = arith.constant 128 : index
      %parallel_loop3A_100 = tpu.vector_load %arg12[%parallel_loop3A_98, %parallel_loop3A_99] {strides = array<i32>} : memref<64x144xf32, #tpu.memory_space<vmem>>, vector<16xf32>,
      tpu.vector_store %arg12[%parallel_loop3A_98, %parallel_loop3A_99], %parallel_loop3A_97 {strides = array<i32>} : memref<64x144xf32, #tpu.memory_space<vmem>>, vector<16xf32>,
    } {sc.loop_unroll_factor = 4 : i64, sc.parallel_access}
    %mul3A = arith.constant 625 : i32
    %mul3A_2 = arith.muli %arg1, %mul3A : i32
    %add3A = arith.constant 0 : i32
    %add3A_3 = arith.addi %mul3A_2, %add3A : i32
    "tpu.region"() ({
      %run_scoped3A_55 = tpu.sem_alloc : memref<!tpu.dma_semaphore, #tpu.memory_space<semaphore_mem>>
      %dma_start3A_56 = arith.constant 0 : i32
      %dma_start3A_57 = tpu.memref_slice %arg18[%add3A_3, %dma_start3A_56] : memref<10000x144xf32, #tpu.memory_space<vmem_shared>> -> memref<64x144xf32, #tpu.memory_space<vmem_shared>>
      %dma_start3A_58 = arith.constant 0 : i32
      %dma_start3A_59 = tpu.memref_slice %arg18[%add3A_3, %dma_start3A_58] : memref<10000x144xf32, #tpu.memory_space<vmem_shared>> -> memref<64x144xf32, #tpu.memory_space<vmem_shared>>
      tpu.enqueue_dma source(%arg12 : memref<64x144xf32, #tpu.memory_space<vmem>>) target(%dma_start3A_59 : memref<64x144xf32, #tpu.memory_space<vmem_shared>>) target_semaphore(%run_scoped3A_55 : memref<!tpu.dma_semaphore, #tpu.memory_space<semaphore_mem>>)
      %dma_wait3A_60 = arith.constant 0 : i32
      %dma_wait3A_61 = tpu.memref_slice %arg18[%add3A_3, %dma_wait3A_60] : memref<10000x144xf32, #tpu.memory_space<vmem_shared>> -> memref<64x144xf32, #tpu.memory_space<vmem_shared>>
      %dma_wait3A_62 = arith.constant 0 : i32
      %dma_wait3A_63 = tpu.memref_slice %arg18[%add3A_3, %dma_wait3A_62] : memref<10000x144xf32, #tpu.memory_space<vmem_shared>> -> memref<64x144xf32, #tpu.memory_space<vmem_shared>>
      tpu.wait_dma2 semaphore(%run_scoped3A_55 : memref<!tpu.dma_semaphore, #tpu.memory_space<semaphore_mem>>) src(%arg12 : memref<64x144xf32, #tpu.memory_space<vmem>>) dst(%dma_wait3A_63 : memref<64x144xf32, #tpu.memory_space<vmem_shared>>)
      tpu.yield
    }) : () -> ()
    %add3A_4 = arith.constant 64 : i32
    %add3A_5 = arith.addi %mul3A_2, %add3A_4 : i32
    "tpu.region"() ({
      %run_scoped3A_55 = tpu.sem_alloc : memref<!tpu.dma_semaphore, #tpu.memory_space<semaphore_mem>>
      %dma_start3A_56 = arith.constant 0 : i32
      %dma_start3A_57 = tpu.memref_slice %arg18[%add3A_5, %dma_start3A_56] : memref<10000x144xf32, #tpu.memory_space<vmem_shared>> -> memref<64x144xf32, #tpu.memory_space<vmem_shared>>
      %dma_start3A_58 = arith.constant 0 : i32
      %dma_start3A_59 = tpu.memref_slice %arg18[%add3A_5, %dma_start3A_58] : memref<10000x144xf32, #tpu.memory_space<vmem_shared>> -> memref<64x144xf32, #tpu.memory_space<vmem_shared>>
      tpu.enqueue_dma source(%arg12 : memref<64x144xf32, #tpu.memory_space<vmem>>) target(%dma_start3A_59 : memref<64x144xf32, #tpu.memory_space<vmem_shared>>) target_semaphore(%run_scoped3A_55 : memref<!tpu.dma_semaphore, #tpu.memory_space<semaphore_mem>>)
      %dma_wait3A_60 = arith.constant 0 : i32
      %dma_wait3A_61 = tpu.memref_slice %arg18[%add3A_5, %dma_wait3A_60] : memref<10000x144xf32, #tpu.memory_space<vmem_shared>> -> memref<64x144xf32, #tpu.memory_space<vmem_shared>>
      %dma_wait3A_62 = arith.constant 0 : i32
      %dma_wait3A_63 = tpu.memref_slice %arg18[%add3A_5, %dma_wait3A_62] : memref<10000x144xf32, #tpu.memory_space<vmem_shared>> -> memref<64x144xf32, #tpu.memory_space<vmem_shared>>
      tpu.wait_dma2 semaphore(%run_scoped3A_55 : memref<!tpu.dma_semaphore, #tpu.memory_space<semaphore_mem>>) src(%arg12 : memref<64x144xf32, #tpu.memory_space<vmem>>) dst(%dma_wait3A_63 : memref<64x144xf32, #tpu.memory_space<vmem_shared>>)
      tpu.yield
    }) : () -> ()
    %add3A_6 = arith.constant 128 : i32
    %add3A_7 = arith.addi %mul3A_2, %add3A_6 : i32
    "tpu.region"() ({
      %run_scoped3A_55 = tpu.sem_alloc : memref<!tpu.dma_semaphore, #tpu.memory_space<semaphore_mem>>
      %dma_start3A_56 = arith.constant 0 : i32
      %dma_start3A_57 = tpu.memref_slice %arg18[%add3A_7, %dma_start3A_56] : memref<10000x144xf32, #tpu.memory_space<vmem_shared>> -> memref<64x144xf32, #tpu.memory_space<vmem_shared>>
      %dma_start3A_58 = arith.constant 0 : i32
      %dma_start3A_59 = tpu.memref_slice %arg18[%add3A_7, %dma_start3A_58] : memref<10000x144xf32, #tpu.memory_space<vmem_shared>> -> memref<64x144xf32, #tpu.memory_space<vmem_shared>>
      tpu.enqueue_dma source(%arg12 : memref<64x144xf32, #tpu.memory_space<vmem>>) target(%dma_start3A_59 : memref<64x144xf32, #tpu.memory_space<vmem_shared>>) target_semaphore(%run_scoped3A_55 : memref<!tpu.dma_semaphore, #tpu.memory_space<semaphore_mem>>)
      %dma_wait3A_60 = arith.constant 0 : i32
      %dma_wait3A_61 = tpu.memref_slice %arg18[%add3A_7, %dma_wait3A_60] : memref<10000x144xf32, #tpu.memory_space<vmem_shared>> -> memref<64x144xf32, #tpu.memory_space<vmem_shared>>
      %dma_wait3A_62 = arith.constant 0 : i32
      %dma_wait3A_63 = tpu.memref_slice %arg18[%add3A_7, %dma_wait3A_62] : memref<10000x144xf32, #tpu.memory_space<vmem_shared>> -> memref<64x144xf32, #tpu.memory_space<vmem_shared>>
      tpu.wait_dma2 semaphore(%run_scoped3A_55 : memref<!tpu.dma_semaphore, #tpu.memory_space<semaphore_mem>>) src(%arg12 : memref<64x144xf32, #tpu.memory_space<vmem>>) dst(%dma_wait3A_63 : memref<64x144xf32, #tpu.memory_space<vmem_shared>>)
      tpu.yield
    }) : () -> ()
    %add3A_8 = arith.constant 192 : i32
    %add3A_9 = arith.addi %mul3A_2, %add3A_8 : i32
    "tpu.region"() ({
      %run_scoped3A_55 = tpu.sem_alloc : memref<!tpu.dma_semaphore, #tpu.memory_space<semaphore_mem>>
      %dma_start3A_56 = arith.constant 0 : i32
      %dma_start3A_57 = tpu.memref_slice %arg18[%add3A_9, %dma_start3A_56] : memref<10000x144xf32, #tpu.memory_space<vmem_shared>> -> memref<64x144xf32, #tpu.memory_space<vmem_shared>>
      %dma_start3A_58 = arith.constant 0 : i32
      %dma_start3A_59 = tpu.memref_slice %arg18[%add3A_9, %dma_start3A_58] : memref<10000x144xf32, #tpu.memory_space<vmem_shared>> -> memref<64x144xf32, #tpu.memory_space<vmem_shared>>
      tpu.enqueue_dma source(%arg12 : memref<64x144xf32, #tpu.memory_space<vmem>>) target(%dma_start3A_59 : memref<64x144xf32, #tpu.memory_space<vmem_shared>>) target_semaphore(%run_scoped3A_55 : memref<!tpu.dma_semaphore, #tpu.memory_space<semaphore_mem>>)
      %dma_wait3A_60 = arith.constant 0 : i32
      %dma_wait3A_61 = tpu.memref_slice %arg18[%add3A_9, %dma_wait3A_60] : memref<10000x144xf32, #tpu.memory_space<vmem_shared>> -> memref<64x144xf32, #tpu.memory_space<vmem_shared>>
      %dma_wait3A_62 = arith.constant 0 : i32
      %dma_wait3A_63 = tpu.memref_slice %arg18[%add3A_9, %dma_wait3A_62] : memref<10000x144xf32, #tpu.memory_space<vmem_shared>> -> memref<64x144xf32, #tpu.memory_space<vmem_shared>>
      tpu.wait_dma2 semaphore(%run_scoped3A_55 : memref<!tpu.dma_semaphore, #tpu.memory_space<semaphore_mem>>) src(%arg12 : memref<64x144xf32, #tpu.memory_space<vmem>>) dst(%dma_wait3A_63 : memref<64x144xf32, #tpu.memory_space<vmem_shared>>)
      tpu.yield
    }) : () -> ()
    %add3A_10 = arith.constant 256 : i32
    %add3A_11 = arith.addi %mul3A_2, %add3A_10 : i32
    "tpu.region"() ({
      %run_scoped3A_55 = tpu.sem_alloc : memref<!tpu.dma_semaphore, #tpu.memory_space<semaphore_mem>>
      %dma_start3A_56 = arith.constant 0 : i32
      %dma_start3A_57 = tpu.memref_slice %arg18[%add3A_11, %dma_start3A_56] : memref<10000x144xf32, #tpu.memory_space<vmem_shared>> -> memref<64x144xf32, #tpu.memory_space<vmem_shared>>
      %dma_start3A_58 = arith.constant 0 : i32
      %dma_start3A_59 = tpu.memref_slice %arg18[%add3A_11, %dma_start3A_58] : memref<10000x144xf32, #tpu.memory_space<vmem_shared>> -> memref<64x144xf32, #tpu.memory_space<vmem_shared>>
      tpu.enqueue_dma source(%arg12 : memref<64x144xf32, #tpu.memory_space<vmem>>) target(%dma_start3A_59 : memref<64x144xf32, #tpu.memory_space<vmem_shared>>) target_semaphore(%run_scoped3A_55 : memref<!tpu.dma_semaphore, #tpu.memory_space<semaphore_mem>>)
      %dma_wait3A_60 = arith.constant 0 : i32
      %dma_wait3A_61 = tpu.memref_slice %arg18[%add3A_11, %dma_wait3A_60] : memref<10000x144xf32, #tpu.memory_space<vmem_shared>> -> memref<64x144xf32, #tpu.memory_space<vmem_shared>>
      %dma_wait3A_62 = arith.constant 0 : i32
      %dma_wait3A_63 = tpu.memref_slice %arg18[%add3A_11, %dma_wait3A_62] : memref<10000x144xf32, #tpu.memory_space<vmem_shared>> -> memref<64x144xf32, #tpu.memory_space<vmem_shared>>
      tpu.wait_dma2 semaphore(%run_scoped3A_55 : memref<!tpu.dma_semaphore, #tpu.memory_space<semaphore_mem>>) src(%arg12 : memref<64x144xf32, #tpu.memory_space<vmem>>) dst(%dma_wait3A_63 : memref<64x144xf32, #tpu.memory_space<vmem_shared>>)
      tpu.yield
    }) : () -> ()
    %add3A_12 = arith.constant 320 : i32
    %add3A_13 = arith.addi %mul3A_2, %add3A_12 : i32
    "tpu.region"() ({
      %run_scoped3A_55 = tpu.sem_alloc : memref<!tpu.dma_semaphore, #tpu.memory_space<semaphore_mem>>
      %dma_start3A_56 = arith.constant 0 : i32
      %dma_start3A_57 = tpu.memref_slice %arg18[%add3A_13, %dma_start3A_56] : memref<10000x144xf32, #tpu.memory_space<vmem_shared>> -> memref<64x144xf32, #tpu.memory_space<vmem_shared>>
      %dma_start3A_58 = arith.constant 0 : i32
      %dma_start3A_59 = tpu.memref_slice %arg18[%add3A_13, %dma_start3A_58] : memref<10000x144xf32, #tpu.memory_space<vmem_shared>> -> memref<64x144xf32, #tpu.memory_space<vmem_shared>>
      tpu.enqueue_dma source(%arg12 : memref<64x144xf32, #tpu.memory_space<vmem>>) target(%dma_start3A_59 : memref<64x144xf32, #tpu.memory_space<vmem_shared>>) target_semaphore(%run_scoped3A_55 : memref<!tpu.dma_semaphore, #tpu.memory_space<semaphore_mem>>)
      %dma_wait3A_60 = arith.constant 0 : i32
      %dma_wait3A_61 = tpu.memref_slice %arg18[%add3A_13, %dma_wait3A_60] : memref<10000x144xf32, #tpu.memory_space<vmem_shared>> -> memref<64x144xf32, #tpu.memory_space<vmem_shared>>
      %dma_wait3A_62 = arith.constant 0 : i32
      %dma_wait3A_63 = tpu.memref_slice %arg18[%add3A_13, %dma_wait3A_62] : memref<10000x144xf32, #tpu.memory_space<vmem_shared>> -> memref<64x144xf32, #tpu.memory_space<vmem_shared>>
      tpu.wait_dma2 semaphore(%run_scoped3A_55 : memref<!tpu.dma_semaphore, #tpu.memory_space<semaphore_mem>>) src(%arg12 : memref<64x144xf32, #tpu.memory_space<vmem>>) dst(%dma_wait3A_63 : memref<64x144xf32, #tpu.memory_space<vmem_shared>>)
      tpu.yield
    }) : () -> ()
    %add3A_14 = arith.constant 384 : i32
    %add3A_15 = arith.addi %mul3A_2, %add3A_14 : i32
    "tpu.region"() ({
      %run_scoped3A_55 = tpu.sem_alloc : memref<!tpu.dma_semaphore, #tpu.memory_space<semaphore_mem>>
      %dma_start3A_56 = arith.constant 0 : i32
      %dma_start3A_57 = tpu.memref_slice %arg18[%add3A_15, %dma_start3A_56] : memref<10000x144xf32, #tpu.memory_space<vmem_shared>> -> memref<64x144xf32, #tpu.memory_space<vmem_shared>>
      %dma_start3A_58 = arith.constant 0 : i32
      %dma_start3A_59 = tpu.memref_slice %arg18[%add3A_15, %dma_start3A_58] : memref<10000x144xf32, #tpu.memory_space<vmem_shared>> -> memref<64x144xf32, #tpu.memory_space<vmem_shared>>
      tpu.enqueue_dma source(%arg12 : memref<64x144xf32, #tpu.memory_space<vmem>>) target(%dma_start3A_59 : memref<64x144xf32, #tpu.memory_space<vmem_shared>>) target_semaphore(%run_scoped3A_55 : memref<!tpu.dma_semaphore, #tpu.memory_space<semaphore_mem>>)
      %dma_wait3A_60 = arith.constant 0 : i32
      %dma_wait3A_61 = tpu.memref_slice %arg18[%add3A_15, %dma_wait3A_60] : memref<10000x144xf32, #tpu.memory_space<vmem_shared>> -> memref<64x144xf32, #tpu.memory_space<vmem_shared>>
      %dma_wait3A_62 = arith.constant 0 : i32
      %dma_wait3A_63 = tpu.memref_slice %arg18[%add3A_15, %dma_wait3A_62] : memref<10000x144xf32, #tpu.memory_space<vmem_shared>> -> memref<64x144xf32, #tpu.memory_space<vmem_shared>>
      tpu.wait_dma2 semaphore(%run_scoped3A_55 : memref<!tpu.dma_semaphore, #tpu.memory_space<semaphore_mem>>) src(%arg12 : memref<64x144xf32, #tpu.memory_space<vmem>>) dst(%dma_wait3A_63 : memref<64x144xf32, #tpu.memory_space<vmem_shared>>)
      tpu.yield
    }) : () -> ()
    %add3A_16 = arith.constant 448 : i32
    %add3A_17 = arith.addi %mul3A_2, %add3A_16 : i32
    "tpu.region"() ({
      %run_scoped3A_55 = tpu.sem_alloc : memref<!tpu.dma_semaphore, #tpu.memory_space<semaphore_mem>>
      %dma_start3A_56 = arith.constant 0 : i32
      %dma_start3A_57 = tpu.memref_slice %arg18[%add3A_17, %dma_start3A_56] : memref<10000x144xf32, #tpu.memory_space<vmem_shared>> -> memref<64x144xf32, #tpu.memory_space<vmem_shared>>
      %dma_start3A_58 = arith.constant 0 : i32
      %dma_start3A_59 = tpu.memref_slice %arg18[%add3A_17, %dma_start3A_58] : memref<10000x144xf32, #tpu.memory_space<vmem_shared>> -> memref<64x144xf32, #tpu.memory_space<vmem_shared>>
      tpu.enqueue_dma source(%arg12 : memref<64x144xf32, #tpu.memory_space<vmem>>) target(%dma_start3A_59 : memref<64x144xf32, #tpu.memory_space<vmem_shared>>) target_semaphore(%run_scoped3A_55 : memref<!tpu.dma_semaphore, #tpu.memory_space<semaphore_mem>>)
      %dma_wait3A_60 = arith.constant 0 : i32
      %dma_wait3A_61 = tpu.memref_slice %arg18[%add3A_17, %dma_wait3A_60] : memref<10000x144xf32, #tpu.memory_space<vmem_shared>> -> memref<64x144xf32, #tpu.memory_space<vmem_shared>>
      %dma_wait3A_62 = arith.constant 0 : i32
      %dma_wait3A_63 = tpu.memref_slice %arg18[%add3A_17, %dma_wait3A_62] : memref<10000x144xf32, #tpu.memory_space<vmem_shared>> -> memref<64x144xf32, #tpu.memory_space<vmem_shared>>
      tpu.wait_dma2 semaphore(%run_scoped3A_55 : memref<!tpu.dma_semaphore, #tpu.memory_space<semaphore_mem>>) src(%arg12 : memref<64x144xf32, #tpu.memory_space<vmem>>) dst(%dma_wait3A_63 : memref<64x144xf32, #tpu.memory_space<vmem_shared>>)
      tpu.yield
    }) : () -> ()
    %add3A_18 = arith.constant 512 : i32
    %add3A_19 = arith.addi %mul3A_2, %add3A_18 : i32
    "tpu.region"() ({
      %run_scoped3A_55 = tpu.sem_alloc : memref<!tpu.dma_semaphore, #tpu.memory_space<semaphore_mem>>
      %dma_start3A_56 = arith.constant 0 : i32
      %dma_start3A_57 = tpu.memref_slice %arg18[%add3A_19, %dma_start3A_56] : memref<10000x144xf32, #tpu.memory_space<vmem_shared>> -> memref<64x144xf32, #tpu.memory_space<vmem_shared>>
      %dma_start3A_58 = arith.constant 0 : i32
      %dma_start3A_59 = tpu.memref_slice %arg18[%add3A_19, %dma_start3A_58] : memref<10000x144xf32, #tpu.memory_space<vmem_shared>> -> memref<64x144xf32, #tpu.memory_space<vmem_shared>>
      tpu.enqueue_dma source(%arg12 : memref<64x144xf32, #tpu.memory_space<vmem>>) target(%dma_start3A_59 : memref<64x144xf32, #tpu.memory_space<vmem_shared>>) target_semaphore(%run_scoped3A_55 : memref<!tpu.dma_semaphore, #tpu.memory_space<semaphore_mem>>)
      %dma_wait3A_60 = arith.constant 0 : i32
      %dma_wait3A_61 = tpu.memref_slice %arg18[%add3A_19, %dma_wait3A_60] : memref<10000x144xf32, #tpu.memory_space<vmem_shared>> -> memref<64x144xf32, #tpu.memory_space<vmem_shared>>
      %dma_wait3A_62 = arith.constant 0 : i32
      %dma_wait3A_63 = tpu.memref_slice %arg18[%add3A_19, %dma_wait3A_62] : memref<10000x144xf32, #tpu.memory_space<vmem_shared>> -> memref<64x144xf32, #tpu.memory_space<vmem_shared>>
      tpu.wait_dma2 semaphore(%run_scoped3A_55 : memref<!tpu.dma_semaphore, #tpu.memory_space<semaphore_mem>>) src(%arg12 : memref<64x144xf32, #tpu.memory_space<vmem>>) dst(%dma_wait3A_63 : memref<64x144xf32, #tpu.memory_space<vmem_shared>>)
      tpu.yield
    }) : () -> ()
    %add3A_20 = arith.constant 576 : i32
    %add3A_21 = arith.addi %mul3A_2, %add3A_20 : i32
    "tpu.region"() ({
      %run_scoped3A_55 = tpu.sem_alloc : memref<!tpu.dma_semaphore, #tpu.memory_space<semaphore_mem>>
      %dma_start3A_56 = arith.constant 0 : i32
      %dma_start3A_57 = arith.constant 0 : i32
      %dma_start3A_58 = tpu.memref_slice %arg12[%dma_start3A_56, %dma_start3A_57] : memref<64x144xf32, #tpu.memory_space<vmem>> -> memref<49x144xf32, #tpu.memory_space<vmem>>
      %dma_start3A_59 = arith.constant 0 : i32
      %dma_start3A_60 = tpu.memref_slice %arg18[%add3A_21, %dma_start3A_59] : memref<10000x144xf32, #tpu.memory_space<vmem_shared>> -> memref<49x144xf32, #tpu.memory_space<vmem_shared>>
      %dma_start3A_61 = arith.constant 0 : i32
      %dma_start3A_62 = tpu.memref_slice %arg18[%add3A_21, %dma_start3A_61] : memref<10000x144xf32, #tpu.memory_space<vmem_shared>> -> memref<49x144xf32, #tpu.memory_space<vmem_shared>>
      %dma_start3A_63 = arith.constant 0 : i32
      %dma_start3A_64 = arith.constant 0 : i32
      %dma_start3A_65 = tpu.memref_slice %arg12[%dma_start3A_63, %dma_start3A_64] : memref<64x144xf32, #tpu.memory_space<vmem>> -> memref<49x144xf32, #tpu.memory_space<vmem>>
      tpu.enqueue_dma source(%dma_start3A_65 : memref<49x144xf32, #tpu.memory_space<vmem>>) target(%dma_start3A_62 : memref<49x144xf32, #tpu.memory_space<vmem_shared>>) target_semaphore(%run_scoped3A_55 : memref<!tpu.dma_semaphore, #tpu.memory_space<semaphore_mem>>)
      %dma_wait3A_66 = arith.constant 0 : i32
      %dma_wait3A_67 = arith.constant 0 : i32
      %dma_wait3A_68 = tpu.memref_slice %arg12[%dma_wait3A_66, %dma_wait3A_67] : memref<64x144xf32, #tpu.memory_space<vmem>> -> memref<49x144xf32, #tpu.memory_space<vmem>>
      %dma_wait3A_69 = arith.constant 0 : i32
      %dma_wait3A_70 = tpu.memref_slice %arg18[%add3A_21, %dma_wait3A_69] : memref<10000x144xf32, #tpu.memory_space<vmem_shared>> -> memref<49x144xf32, #tpu.memory_space<vmem_shared>>
      %dma_wait3A_71 = arith.constant 0 : i32
      %dma_wait3A_72 = tpu.memref_slice %arg18[%add3A_21, %dma_wait3A_71] : memref<10000x144xf32, #tpu.memory_space<vmem_shared>> -> memref<49x144xf32, #tpu.memory_space<vmem_shared>>
      %dma_wait3A_73 = arith.constant 0 : i32
      %dma_wait3A_74 = arith.constant 0 : i32
      %dma_wait3A_75 = tpu.memref_slice %arg12[%dma_wait3A_73, %dma_wait3A_74] : memref<64x144xf32, #tpu.memory_space<vmem>> -> memref<49x144xf32, #tpu.memory_space<vmem>>
      tpu.wait_dma2 semaphore(%run_scoped3A_55 : memref<!tpu.dma_semaphore, #tpu.memory_space<semaphore_mem>>) src(%dma_wait3A_75 : memref<49x144xf32, #tpu.memory_space<vmem>>) dst(%dma_wait3A_72 : memref<49x144xf32, #tpu.memory_space<vmem_shared>>)
      tpu.yield
    }) : () -> ()
    %barrier3A = arith.constant 0 : index
    tpu.barrier barrier_id(%barrier3A)
    %run_scoped3A = arith.constant 0 : i32
    "tpu.region"() ({
      %run_scoped3A_55 = tpu.sem_alloc : memref<!tpu.dma_semaphore, #tpu.memory_space<semaphore_mem>>
      %dma_start3A_56 = arith.constant 0 : i32
      %dma_start3A_57 = arith.constant 0 : i32
      %dma_start3A_58 = tpu.memref_slice %arg4[%dma_start3A_56, %arg0, %arg1, %run_scoped3A, %dma_start3A_57] : memref<2x2x16x162x64xi32, #tpu.memory_space<hbm>> -> memref<2x1x1x1x64xi32, #tpu.memory_space<hbm>>
      %dma_start3A_59 = tpu.memref_squeeze %dma_start3A_58 : memref<2x1x1x1x64xi32, #tpu.memory_space<hbm>> -> memref<2x64xi32, #tpu.memory_space<hbm>>
      %dma_start3A_60 = arith.constant 0 : i32
      %dma_start3A_61 = arith.constant 0 : i32
      %dma_start3A_62 = tpu.memref_slice %arg4[%dma_start3A_60, %arg0, %arg1, %run_scoped3A, %dma_start3A_61] : memref<2x2x16x162x64xi32, #tpu.memory_space<hbm>> -> memref<2x1x1x1x64xi32, #tpu.memory_space<hbm>>
      %dma_start3A_63 = tpu.memref_squeeze %dma_start3A_62 : memref<2x1x1x1x64xi32, #tpu.memory_space<hbm>> -> memref<2x64xi32, #tpu.memory_space<hbm>>
      tpu.enqueue_dma source(%dma_start3A_63 : memref<2x64xi32, #tpu.memory_space<hbm>>) target(%arg6 : memref<2x64xi32, #tpu.memory_space<vmem>>) target_semaphore(%run_scoped3A_55 : memref<!tpu.dma_semaphore, #tpu.memory_space<semaphore_mem>>)
      %dma_wait3A_64 = arith.constant 0 : i32
      %dma_wait3A_65 = arith.constant 0 : i32
      %dma_wait3A_66 = tpu.memref_slice %arg4[%dma_wait3A_64, %arg0, %arg1, %run_scoped3A, %dma_wait3A_65] : memref<2x2x16x162x64xi32, #tpu.memory_space<hbm>> -> memref<2x1x1x1x64xi32, #tpu.memory_space<hbm>>
      %dma_wait3A_67 = tpu.memref_squeeze %dma_wait3A_66 : memref<2x1x1x1x64xi32, #tpu.memory_space<hbm>> -> memref<2x64xi32, #tpu.memory_space<hbm>>
      %dma_wait3A_68 = arith.constant 0 : i32
      %dma_wait3A_69 = arith.constant 0 : i32
      %dma_wait3A_70 = tpu.memref_slice %arg4[%dma_wait3A_68, %arg0, %arg1, %run_scoped3A, %dma_wait3A_69] : memref<2x2x16x162x64xi32, #tpu.memory_space<hbm>> -> memref<2x1x1x1x64xi32, #tpu.memory_space<hbm>>
      %dma_wait3A_71 = tpu.memref_squeeze %dma_wait3A_70 : memref<2x1x1x1x64xi32, #tpu.memory_space<hbm>> -> memref<2x64xi32, #tpu.memory_space<hbm>>
      tpu.wait_dma2 semaphore(%run_scoped3A_55 : memref<!tpu.dma_semaphore, #tpu.memory_space<semaphore_mem>>) src(%dma_wait3A_71 : memref<2x64xi32, #tpu.memory_space<hbm>>) dst(%arg6 : memref<2x64xi32, #tpu.memory_space<vmem>>)
      tpu.yield
    }) : () -> ()
    %dma_start3A = arith.constant 0 : i32
    %dma_start3A_22 = arith.constant 0 : i32
    %dma_start3A_23 = tpu.memref_slice %arg6[%dma_start3A, %dma_start3A_22] : memref<2x64xi32, #tpu.memory_space<vmem>> -> memref<1x64xi32, #tpu.memory_space<vmem>>
    %dma_start3A_24 = tpu.memref_squeeze %dma_start3A_23 : memref<1x64xi32, #tpu.memory_space<vmem>> -> memref<64xi32, #tpu.memory_space<vmem>>
    %dma_start3A_25 = arith.constant 0 : i32
    %dma_start3A_26 = arith.constant 0 : i32
    %dma_start3A_27 = tpu.memref_slice %arg2[%dma_start3A_25, %dma_start3A_26] : memref<10008x144xf32, #tpu.memory_space<hbm>> -> memref<10008x144xf32, #tpu.memory_space<hbm>>
    tpu.enqueue_indirect_dma source(%dma_start3A_27 : memref<10008x144xf32, #tpu.memory_space<hbm>>) target(%arg12 : memref<64x144xf32, #tpu.memory_space<vmem>>) offsets(%dma_start3A_24 : memref<64xi32, #tpu.memory_space<vmem>>) semaphore(%arg19 : memref<!tpu.dma_semaphore, #tpu.memory_space<semaphore_mem>>)
    %dma_start3A_28 = arith.constant 1 : i32
    %dma_start3A_29 = arith.constant 0 : i32
    %dma_start3A_30 = tpu.memref_slice %arg6[%dma_start3A_28, %dma_start3A_29] : memref<2x64xi32, #tpu.memory_space<vmem>> -> memref<1x64xi32, #tpu.memory_space<vmem>>
    %dma_start3A_31 = tpu.memref_squeeze %dma_start3A_30 : memref<1x64xi32, #tpu.memory_space<vmem>> -> memref<64xi32, #tpu.memory_space<vmem>>
    %dma_start3A_32 = arith.constant 0 : i32
    %dma_start3A_33 = arith.constant 0 : i32
    %dma_start3A_34 = tpu.memref_slice %arg3[%dma_start3A_32, %dma_start3A_33] : memref<10000x16xf32, #tpu.memory_space<hbm>> -> memref<10000x16xf32, #tpu.memory_space<hbm>>
    tpu.enqueue_indirect_dma source(%dma_start3A_34 : memref<10000x16xf32, #tpu.memory_space<hbm>>) target(%arg15 : memref<64x16xf32, #tpu.memory_space<vmem>>) offsets(%dma_start3A_31 : memref<64xi32, #tpu.memory_space<vmem>>) semaphore(%arg19 : memref<!tpu.dma_semaphore, #tpu.memory_space<semaphore_mem>>)
    %dma_start3A_35 = arith.constant 1 : i32
    %dma_start3A_36 = arith.constant 0 : i32
    %dma_start3A_37 = arith.constant 0 : i32
    %dma_start3A_38 = tpu.memref_slice %arg4[%dma_start3A_36, %arg0, %arg1, %dma_start3A_35, %dma_start3A_37] : memref<2x2x16x162x64xi32, #tpu.memory_space<hbm>> -> memref<2x1x1x1x64xi32, #tpu.memory_space<hbm>>
    %dma_start3A_39 = tpu.memref_squeeze %dma_start3A_38 : memref<2x1x1x1x64xi32, #tpu.memory_space<hbm>> -> memref<2x64xi32, #tpu.memory_space<hbm>>
    %dma_start3A_40 = arith.constant 0 : i32
    %dma_start3A_41 = arith.constant 0 : i32
    %dma_start3A_42 = tpu.memref_slice %arg4[%dma_start3A_40, %arg0, %arg1, %dma_start3A_35, %dma_start3A_41] : memref<2x2x16x162x64xi32, #tpu.memory_space<hbm>> -> memref<2x1x1x1x64xi32, #tpu.memory_space<hbm>>
    %dma_start3A_43 = tpu.memref_squeeze %dma_start3A_42 : memref<2x1x1x1x64xi32, #tpu.memory_space<hbm>> -> memref<2x64xi32, #tpu.memory_space<hbm>>
    tpu.enqueue_dma source(%dma_start3A_43 : memref<2x64xi32, #tpu.memory_space<hbm>>) target(%arg7 : memref<2x64xi32, #tpu.memory_space<vmem>>) target_semaphore(%arg23 : memref<!tpu.dma_semaphore, #tpu.memory_space<semaphore_mem>>)
    %scan3A = arith.constant 0 : i32
    %scan3A_44 = arith.constant 0 : i32
    %scan3A_45 = arith.constant 54 : i32
    %scan3A_46 = arith.addi %scan3A_44, %scan3A_45 : i32
    %scan3A_47 = arith.constant 1 : i32
    scf.for %scan3A_55 = %scan3A_44 to %scan3A_46 step %scan3A_47  : i32 {
      %mul3A_56 = arith.constant 3 : i32
      %mul3A_57 = arith.muli %scan3A_55, %mul3A_56 : i32
      %add3A_58 = arith.constant 0 : i32
      %add3A_59 = arith.addi %mul3A_57, %add3A_58 : i32
      %add3A_60 = arith.constant 1 : i32
      %add3A_61 = arith.addi %add3A_59, %add3A_60 : i32
      %dma_wait3A_62 = arith.constant 0 : i32
      %dma_wait3A_63 = arith.constant 0 : i32
      %dma_wait3A_64 = tpu.memref_slice %arg4[%dma_wait3A_62, %arg0, %arg1, %add3A_61, %dma_wait3A_63] : memref<2x2x16x162x64xi32, #tpu.memory_space<hbm>> -> memref<2x1x1x1x64xi32, #tpu.memory_space<hbm>>
      %dma_wait3A_65 = tpu.memref_squeeze %dma_wait3A_64 : memref<2x1x1x1x64xi32, #tpu.memory_space<hbm>> -> memref<2x64xi32, #tpu.memory_space<hbm>>
      %dma_wait3A_66 = arith.constant 0 : i32
      %dma_wait3A_67 = arith.constant 0 : i32
      %dma_wait3A_68 = tpu.memref_slice %arg4[%dma_wait3A_66, %arg0, %arg1, %add3A_61, %dma_wait3A_67] : memref<2x2x16x162x64xi32, #tpu.memory_space<hbm>> -> memref<2x1x1x1x64xi32, #tpu.memory_space<hbm>>
      %dma_wait3A_69 = tpu.memref_squeeze %dma_wait3A_68 : memref<2x1x1x1x64xi32, #tpu.memory_space<hbm>> -> memref<2x64xi32, #tpu.memory_space<hbm>>
      tpu.wait_dma2 semaphore(%arg23 : memref<!tpu.dma_semaphore, #tpu.memory_space<semaphore_mem>>) src(%dma_wait3A_69 : memref<2x64xi32, #tpu.memory_space<hbm>>) dst(%arg7 : memref<2x64xi32, #tpu.memory_space<vmem>>)
      %gt3A = arith.constant 0 : i32
      %gt3A_70 = arith.cmpi sgt, %scan3A_55, %gt3A : i32
      %convert_element_type3A = arith.extui %gt3A_70 : i1 to i32
      %cond3A = arith.constant 0 : i32
      %cond3A_71 = arith.cmpi ne, %convert_element_type3A, %cond3A : i32
      scf.if %cond3A_71 {
        %dma_wait3A_285 = arith.constant 0 : i32
        %dma_wait3A_286 = arith.constant 0 : i32
        %dma_wait3A_287 = tpu.memref_slice %arg18[%dma_wait3A_285, %dma_wait3A_286] : memref<10000x144xf32, #tpu.memory_space<vmem_shared>> -> memref<10000x144xf32, #tpu.memory_space<vmem_shared>>
        tpu.wait_indirect_dma semaphore(%arg26 : memref<!tpu.dma_semaphore, #tpu.memory_space<semaphore_mem>>) src(%arg13 : memref<64x144xf32, #tpu.memory_space<vmem>>) dst(%dma_wait3A_287 : memref<10000x144xf32, #tpu.memory_space<vmem_shared>>)
      } else {
      }
      %dma_start3A_72 = arith.constant 0 : i32
      %dma_start3A_73 = arith.constant 0 : i32
      %dma_start3A_74 = tpu.memref_slice %arg7[%dma_start3A_72, %dma_start3A_73] : memref<2x64xi32, #tpu.memory_space<vmem>> -> memref<1x64xi32, #tpu.memory_space<vmem>>
      %dma_start3A_75 = tpu.memref_squeeze %dma_start3A_74 : memref<1x64xi32, #tpu.memory_space<vmem>> -> memref<64xi32, #tpu.memory_space<vmem>>
      %dma_start3A_76 = arith.constant 0 : i32
      %dma_start3A_77 = arith.constant 0 : i32
      %dma_start3A_78 = tpu.memref_slice %arg2[%dma_start3A_76, %dma_start3A_77] : memref<10008x144xf32, #tpu.memory_space<hbm>> -> memref<10008x144xf32, #tpu.memory_space<hbm>>
      tpu.enqueue_indirect_dma source(%dma_start3A_78 : memref<10008x144xf32, #tpu.memory_space<hbm>>) target(%arg13 : memref<64x144xf32, #tpu.memory_space<vmem>>) offsets(%dma_start3A_75 : memref<64xi32, #tpu.memory_space<vmem>>) semaphore(%arg20 : memref<!tpu.dma_semaphore, #tpu.memory_space<semaphore_mem>>)
      %dma_start3A_79 = arith.constant 1 : i32
      %dma_start3A_80 = arith.constant 0 : i32
      %dma_start3A_81 = tpu.memref_slice %arg7[%dma_start3A_79, %dma_start3A_80] : memref<2x64xi32, #tpu.memory_space<vmem>> -> memref<1x64xi32, #tpu.memory_space<vmem>>
      %dma_start3A_82 = tpu.memref_squeeze %dma_start3A_81 : memref<1x64xi32, #tpu.memory_space<vmem>> -> memref<64xi32, #tpu.memory_space<vmem>>
      %dma_start3A_83 = arith.constant 0 : i32
      %dma_start3A_84 = arith.constant 0 : i32
      %dma_start3A_85 = tpu.memref_slice %arg3[%dma_start3A_83, %dma_start3A_84] : memref<10000x16xf32, #tpu.memory_space<hbm>> -> memref<10000x16xf32, #tpu.memory_space<hbm>>
      tpu.enqueue_indirect_dma source(%dma_start3A_85 : memref<10000x16xf32, #tpu.memory_space<hbm>>) target(%arg16 : memref<64x16xf32, #tpu.memory_space<vmem>>) offsets(%dma_start3A_82 : memref<64xi32, #tpu.memory_space<vmem>>) semaphore(%arg20 : memref<!tpu.dma_semaphore, #tpu.memory_space<semaphore_mem>>)
      %add3A_86 = arith.constant 2 : i32
      %add3A_87 = arith.addi %add3A_59, %add3A_86 : i32
      %dma_start3A_88 = arith.constant 0 : i32
      %dma_start3A_89 = arith.constant 0 : i32
      %dma_start3A_90 = tpu.memref_slice %arg4[%dma_start3A_88, %arg0, %arg1, %add3A_87, %dma_start3A_89] : memref<2x2x16x162x64xi32, #tpu.memory_space<hbm>> -> memref<2x1x1x1x64xi32, #tpu.memory_space<hbm>>
      %dma_start3A_91 = tpu.memref_squeeze %dma_start3A_90 : memref<2x1x1x1x64xi32, #tpu.memory_space<hbm>> -> memref<2x64xi32, #tpu.memory_space<hbm>>
      %dma_start3A_92 = arith.constant 0 : i32
      %dma_start3A_93 = arith.constant 0 : i32
      %dma_start3A_94 = tpu.memref_slice %arg4[%dma_start3A_92, %arg0, %arg1, %add3A_87, %dma_start3A_93] : memref<2x2x16x162x64xi32, #tpu.memory_space<hbm>> -> memref<2x1x1x1x64xi32, #tpu.memory_space<hbm>>
      %dma_start3A_95 = tpu.memref_squeeze %dma_start3A_94 : memref<2x1x1x1x64xi32, #tpu.memory_space<hbm>> -> memref<2x64xi32, #tpu.memory_space<hbm>>
      tpu.enqueue_dma source(%dma_start3A_95 : memref<2x64xi32, #tpu.memory_space<hbm>>) target(%arg8 : memref<2x64xi32, #tpu.memory_space<vmem>>) target_semaphore(%arg24 : memref<!tpu.dma_semaphore, #tpu.memory_space<semaphore_mem>>)
      %dma_wait3A_96 = arith.constant 0 : i32
      %dma_wait3A_97 = arith.constant 0 : i32
      %dma_wait3A_98 = tpu.memref_slice %arg6[%dma_wait3A_96, %dma_wait3A_97] : memref<2x64xi32, #tpu.memory_space<vmem>> -> memref<1x64xi32, #tpu.memory_space<vmem>>
      %dma_wait3A_99 = tpu.memref_squeeze %dma_wait3A_98 : memref<1x64xi32, #tpu.memory_space<vmem>> -> memref<64xi32, #tpu.memory_space<vmem>>
      %dma_wait3A_100 = arith.constant 0 : i32
      %dma_wait3A_101 = arith.constant 0 : i32
      %dma_wait3A_102 = tpu.memref_slice %arg2[%dma_wait3A_100, %dma_wait3A_101] : memref<10008x144xf32, #tpu.memory_space<hbm>> -> memref<10008x144xf32, #tpu.memory_space<hbm>>
      tpu.wait_indirect_dma semaphore(%arg19 : memref<!tpu.dma_semaphore, #tpu.memory_space<semaphore_mem>>) src(%dma_wait3A_102 : memref<10008x144xf32, #tpu.memory_space<hbm>>) dst(%arg12 : memref<64x144xf32, #tpu.memory_space<vmem>>)
      %dma_wait3A_103 = arith.constant 1 : i32
      %dma_wait3A_104 = arith.constant 0 : i32
      %dma_wait3A_105 = tpu.memref_slice %arg6[%dma_wait3A_103, %dma_wait3A_104] : memref<2x64xi32, #tpu.memory_space<vmem>> -> memref<1x64xi32, #tpu.memory_space<vmem>>
      %dma_wait3A_106 = tpu.memref_squeeze %dma_wait3A_105 : memref<1x64xi32, #tpu.memory_space<vmem>> -> memref<64xi32, #tpu.memory_space<vmem>>
      %dma_wait3A_107 = arith.constant 0 : i32
      %dma_wait3A_108 = arith.constant 0 : i32
      %dma_wait3A_109 = tpu.memref_slice %arg3[%dma_wait3A_107, %dma_wait3A_108] : memref<10000x16xf32, #tpu.memory_space<hbm>> -> memref<10000x16xf32, #tpu.memory_space<hbm>>
      tpu.wait_indirect_dma semaphore(%arg19 : memref<!tpu.dma_semaphore, #tpu.memory_space<semaphore_mem>>) src(%dma_wait3A_109 : memref<10000x16xf32, #tpu.memory_space<hbm>>) dst(%arg15 : memref<64x16xf32, #tpu.memory_space<vmem>>)
      %get3A = arith.constant 1 : i32
      %get3A_110 = arith.index_cast %get3A : i32 to index
      %get3A_111 = arith.constant 0 : index
      %get3A_112 = tpu.vector_load %arg6[%get3A_110, %get3A_111] {strides = array<i32>} : memref<2x64xi32, #tpu.memory_space<vmem>>, vector<16xi32>,
      %swap3A = arith.constant 0 : index
      %swap3A_113 = tpu.vector_load %arg9[%swap3A] {strides = array<i32>} : memref<64xi32, #tpu.memory_space<vmem>>, vector<16xi32>,
      tpu.vector_store %arg9[%swap3A], %get3A_112 {strides = array<i32>} : memref<64xi32, #tpu.memory_space<vmem>>, vector<16xi32>,
      %get3A_114 = arith.constant 1 : i32
      %get3A_115 = arith.index_cast %get3A_114 : i32 to index
      %get3A_116 = arith.constant 16 : index
      %get3A_117 = tpu.vector_load %arg6[%get3A_115, %get3A_116] {strides = array<i32>} : memref<2x64xi32, #tpu.memory_space<vmem>>, vector<16xi32>,
      %swap3A_118 = arith.constant 16 : index
      %swap3A_119 = tpu.vector_load %arg9[%swap3A_118] {strides = array<i32>} : memref<64xi32, #tpu.memory_space<vmem>>, vector<16xi32>,
      tpu.vector_store %arg9[%swap3A_118], %get3A_117 {strides = array<i32>} : memref<64xi32, #tpu.memory_space<vmem>>, vector<16xi32>,
      %get3A_120 = arith.constant 1 : i32
      %get3A_121 = arith.index_cast %get3A_120 : i32 to index
      %get3A_122 = arith.constant 32 : index
      %get3A_123 = tpu.vector_load %arg6[%get3A_121, %get3A_122] {strides = array<i32>} : memref<2x64xi32, #tpu.memory_space<vmem>>, vector<16xi32>,
      %swap3A_124 = arith.constant 32 : index
      %swap3A_125 = tpu.vector_load %arg9[%swap3A_124] {strides = array<i32>} : memref<64xi32, #tpu.memory_space<vmem>>, vector<16xi32>,
      tpu.vector_store %arg9[%swap3A_124], %get3A_123 {strides = array<i32>} : memref<64xi32, #tpu.memory_space<vmem>>, vector<16xi32>,
      %get3A_126 = arith.constant 1 : i32
      %get3A_127 = arith.index_cast %get3A_126 : i32 to index
      %get3A_128 = arith.constant 48 : index
      %get3A_129 = tpu.vector_load %arg6[%get3A_127, %get3A_128] {strides = array<i32>} : memref<2x64xi32, #tpu.memory_space<vmem>>, vector<16xi32>,
      %swap3A_130 = arith.constant 48 : index
      %swap3A_131 = tpu.vector_load %arg9[%swap3A_130] {strides = array<i32>} : memref<64xi32, #tpu.memory_space<vmem>>, vector<16xi32>,
      tpu.vector_store %arg9[%swap3A_130], %get3A_129 {strides = array<i32>} : memref<64xi32, #tpu.memory_space<vmem>>, vector<16xi32>,
      %parallel_loop3A_132 = arith.constant 0 : i32
      %parallel_loop3A_133 = arith.constant 64 : i32
      %parallel_loop3A_134 = arith.constant 1 : i32
      scf.for %parallel_loop3A_285 = %parallel_loop3A_132 to %parallel_loop3A_133 step %parallel_loop3A_134  : i32 {
        %parallel_loop3A_286 = arith.index_cast %parallel_loop3A_285 : i32 to index
        %parallel_loop3A_287 = arith.constant 128 : index
        %parallel_loop3A_288 = tpu.vector_load %arg12[%parallel_loop3A_286, %parallel_loop3A_287] {strides = array<i32>} : memref<64x144xf32, #tpu.memory_space<vmem>>, vector<16xf32>,
        %parallel_loop3A_289 = arith.index_cast %parallel_loop3A_285 : i32 to index
        %parallel_loop3A_290 = arith.constant 0 : index
        %parallel_loop3A_291 = tpu.vector_load %arg15[%parallel_loop3A_289, %parallel_loop3A_290] {strides = array<i32>} : memref<64x16xf32, #tpu.memory_space<vmem>>, vector<16xf32>,
        %parallel_loop3A_292 = arith.addf %parallel_loop3A_288, %parallel_loop3A_291 : vector<16xf32>
        %parallel_loop3A_293 = arith.constant 0.000000e+00 : f32
        %parallel_loop3A_294 = vector.broadcast %parallel_loop3A_293 : f32 to vector<16xf32>
        %parallel_loop3A_295 = arith.cmpf oge, %parallel_loop3A_292, %parallel_loop3A_294 : vector<16xf32>
        %parallel_loop3A_296 = arith.constant 2.000000e-01 : f32
        %parallel_loop3A_297 = vector.broadcast %parallel_loop3A_296 : f32 to vector<16xf32>
        %parallel_loop3A_298 = arith.mulf %parallel_loop3A_297, %parallel_loop3A_292 : vector<16xf32>
        %parallel_loop3A_299 = arith.select %parallel_loop3A_295, %parallel_loop3A_292, %parallel_loop3A_298 : vector<16xi1>, vector<16xf32>
        %parallel_loop3A_300 = math.exp %parallel_loop3A_299 : vector<16xf32>
        %parallel_loop3A_301 = arith.index_cast %parallel_loop3A_285 : i32 to index
        %parallel_loop3A_302 = arith.constant 0 : index
        %parallel_loop3A_303 = tpu.vector_load %arg12[%parallel_loop3A_301, %parallel_loop3A_302] {strides = array<i32>} : memref<64x144xf32, #tpu.memory_space<vmem>>, vector<16xf32>,
        %parallel_loop3A_304 = arith.mulf %parallel_loop3A_303, %parallel_loop3A_300 : vector<16xf32>
        %parallel_loop3A_305 = arith.index_cast %parallel_loop3A_285 : i32 to index
        %parallel_loop3A_306 = arith.constant 0 : index
        %parallel_loop3A_307 = tpu.vector_load %arg12[%parallel_loop3A_305, %parallel_loop3A_306] {strides = array<i32>} : memref<64x144xf32, #tpu.memory_space<vmem>>, vector<16xf32>,
        tpu.vector_store %arg12[%parallel_loop3A_305, %parallel_loop3A_306], %parallel_loop3A_304 {strides = array<i32>} : memref<64x144xf32, #tpu.memory_space<vmem>>, vector<16xf32>,
        %parallel_loop3A_308 = arith.index_cast %parallel_loop3A_285 : i32 to index
        %parallel_loop3A_309 = arith.constant 16 : index
        %parallel_loop3A_310 = tpu.vector_load %arg12[%parallel_loop3A_308, %parallel_loop3A_309] {strides = array<i32>} : memref<64x144xf32, #tpu.memory_space<vmem>>, vector<16xf32>,
        %parallel_loop3A_311 = arith.mulf %parallel_loop3A_310, %parallel_loop3A_300 : vector<16xf32>
        %parallel_loop3A_312 = arith.index_cast %parallel_loop3A_285 : i32 to index
        %parallel_loop3A_313 = arith.constant 16 : index
        %parallel_loop3A_314 = tpu.vector_load %arg12[%parallel_loop3A_312, %parallel_loop3A_313] {strides = array<i32>} : memref<64x144xf32, #tpu.memory_space<vmem>>, vector<16xf32>,
        tpu.vector_store %arg12[%parallel_loop3A_312, %parallel_loop3A_313], %parallel_loop3A_311 {strides = array<i32>} : memref<64x144xf32, #tpu.memory_space<vmem>>, vector<16xf32>,
        %parallel_loop3A_315 = arith.index_cast %parallel_loop3A_285 : i32 to index
        %parallel_loop3A_316 = arith.constant 32 : index
        %parallel_loop3A_317 = tpu.vector_load %arg12[%parallel_loop3A_315, %parallel_loop3A_316] {strides = array<i32>} : memref<64x144xf32, #tpu.memory_space<vmem>>, vector<16xf32>,
        %parallel_loop3A_318 = arith.mulf %parallel_loop3A_317, %parallel_loop3A_300 : vector<16xf32>
        %parallel_loop3A_319 = arith.index_cast %parallel_loop3A_285 : i32 to index
        %parallel_loop3A_320 = arith.constant 32 : index
        %parallel_loop3A_321 = tpu.vector_load %arg12[%parallel_loop3A_319, %parallel_loop3A_320] {strides = array<i32>} : memref<64x144xf32, #tpu.memory_space<vmem>>, vector<16xf32>,
        tpu.vector_store %arg12[%parallel_loop3A_319, %parallel_loop3A_320], %parallel_loop3A_318 {strides = array<i32>} : memref<64x144xf32, #tpu.memory_space<vmem>>, vector<16xf32>,
        %parallel_loop3A_322 = arith.index_cast %parallel_loop3A_285 : i32 to index
        %parallel_loop3A_323 = arith.constant 48 : index
        %parallel_loop3A_324 = tpu.vector_load %arg12[%parallel_loop3A_322, %parallel_loop3A_323] {strides = array<i32>} : memref<64x144xf32, #tpu.memory_space<vmem>>, vector<16xf32>,
        %parallel_loop3A_325 = arith.mulf %parallel_loop3A_324, %parallel_loop3A_300 : vector<16xf32>
        %parallel_loop3A_326 = arith.index_cast %parallel_loop3A_285 : i32 to index
        %parallel_loop3A_327 = arith.constant 48 : index
        %parallel_loop3A_328 = tpu.vector_load %arg12[%parallel_loop3A_326, %parallel_loop3A_327] {strides = array<i32>} : memref<64x144xf32, #tpu.memory_space<vmem>>, vector<16xf32>,
        tpu.vector_store %arg12[%parallel_loop3A_326, %parallel_loop3A_327], %parallel_loop3A_325 {strides = array<i32>} : memref<64x144xf32, #tpu.memory_space<vmem>>, vector<16xf32>,
        %parallel_loop3A_329 = arith.index_cast %parallel_loop3A_285 : i32 to index
        %parallel_loop3A_330 = arith.constant 64 : index
        %parallel_loop3A_331 = tpu.vector_load %arg12[%parallel_loop3A_329, %parallel_loop3A_330] {strides = array<i32>} : memref<64x144xf32, #tpu.memory_space<vmem>>, vector<16xf32>,
        %parallel_loop3A_332 = arith.mulf %parallel_loop3A_331, %parallel_loop3A_300 : vector<16xf32>
        %parallel_loop3A_333 = arith.index_cast %parallel_loop3A_285 : i32 to index
        %parallel_loop3A_334 = arith.constant 64 : index
        %parallel_loop3A_335 = tpu.vector_load %arg12[%parallel_loop3A_333, %parallel_loop3A_334] {strides = array<i32>} : memref<64x144xf32, #tpu.memory_space<vmem>>, vector<16xf32>,
        tpu.vector_store %arg12[%parallel_loop3A_333, %parallel_loop3A_334], %parallel_loop3A_332 {strides = array<i32>} : memref<64x144xf32, #tpu.memory_space<vmem>>, vector<16xf32>,
        %parallel_loop3A_336 = arith.index_cast %parallel_loop3A_285 : i32 to index
        %parallel_loop3A_337 = arith.constant 80 : index
        %parallel_loop3A_338 = tpu.vector_load %arg12[%parallel_loop3A_336, %parallel_loop3A_337] {strides = array<i32>} : memref<64x144xf32, #tpu.memory_space<vmem>>, vector<16xf32>,
        %parallel_loop3A_339 = arith.mulf %parallel_loop3A_338, %parallel_loop3A_300 : vector<16xf32>
        %parallel_loop3A_340 = arith.index_cast %parallel_loop3A_285 : i32 to index
        %parallel_loop3A_341 = arith.constant 80 : index
        %parallel_loop3A_342 = tpu.vector_load %arg12[%parallel_loop3A_340, %parallel_loop3A_341] {strides = array<i32>} : memref<64x144xf32, #tpu.memory_space<vmem>>, vector<16xf32>,
        tpu.vector_store %arg12[%parallel_loop3A_340, %parallel_loop3A_341], %parallel_loop3A_339 {strides = array<i32>} : memref<64x144xf32, #tpu.memory_space<vmem>>, vector<16xf32>,
        %parallel_loop3A_343 = arith.index_cast %parallel_loop3A_285 : i32 to index
        %parallel_loop3A_344 = arith.constant 96 : index
        %parallel_loop3A_345 = tpu.vector_load %arg12[%parallel_loop3A_343, %parallel_loop3A_344] {strides = array<i32>} : memref<64x144xf32, #tpu.memory_space<vmem>>, vector<16xf32>,
        %parallel_loop3A_346 = arith.mulf %parallel_loop3A_345, %parallel_loop3A_300 : vector<16xf32>
        %parallel_loop3A_347 = arith.index_cast %parallel_loop3A_285 : i32 to index
        %parallel_loop3A_348 = arith.constant 96 : index
        %parallel_loop3A_349 = tpu.vector_load %arg12[%parallel_loop3A_347, %parallel_loop3A_348] {strides = array<i32>} : memref<64x144xf32, #tpu.memory_space<vmem>>, vector<16xf32>,
        tpu.vector_store %arg12[%parallel_loop3A_347, %parallel_loop3A_348], %parallel_loop3A_346 {strides = array<i32>} : memref<64x144xf32, #tpu.memory_space<vmem>>, vector<16xf32>,
        %parallel_loop3A_350 = arith.index_cast %parallel_loop3A_285 : i32 to index
        %parallel_loop3A_351 = arith.constant 112 : index
        %parallel_loop3A_352 = tpu.vector_load %arg12[%parallel_loop3A_350, %parallel_loop3A_351] {strides = array<i32>} : memref<64x144xf32, #tpu.memory_space<vmem>>, vector<16xf32>,
        %parallel_loop3A_353 = arith.mulf %parallel_loop3A_352, %parallel_loop3A_300 : vector<16xf32>
        %parallel_loop3A_354 = arith.index_cast %parallel_loop3A_285 : i32 to index
        %parallel_loop3A_355 = arith.constant 112 : index
        %parallel_loop3A_356 = tpu.vector_load %arg12[%parallel_loop3A_354, %parallel_loop3A_355] {strides = array<i32>} : memref<64x144xf32, #tpu.memory_space<vmem>>, vector<16xf32>,
        tpu.vector_store %arg12[%parallel_loop3A_354, %parallel_loop3A_355], %parallel_loop3A_353 {strides = array<i32>} : memref<64x144xf32, #tpu.memory_space<vmem>>, vector<16xf32>,
        %parallel_loop3A_357 = tpu.iota {dimensions = array<i32: 0>} : vector<16xi32>
        %parallel_loop3A_358 = arith.constant 0 : i32
        %parallel_loop3A_359 = vector.broadcast %parallel_loop3A_358 : i32 to vector<16xi32>
        %parallel_loop3A_360 = arith.cmpi eq, %parallel_loop3A_357, %parallel_loop3A_359 : vector<16xi32>
        %parallel_loop3A_361 = arith.constant 0.000000e+00 : f32
        %parallel_loop3A_362 = vector.broadcast %parallel_loop3A_361 : f32 to vector<16xf32>
        %parallel_loop3A_363 = arith.select %parallel_loop3A_360, %parallel_loop3A_300, %parallel_loop3A_362 : vector<16xi1>, vector<16xf32>
        %parallel_loop3A_364 = arith.index_cast %parallel_loop3A_285 : i32 to index
        %parallel_loop3A_365 = arith.constant 128 : index
        %parallel_loop3A_366 = tpu.vector_load %arg12[%parallel_loop3A_364, %parallel_loop3A_365] {strides = array<i32>} : memref<64x144xf32, #tpu.memory_space<vmem>>, vector<16xf32>,
        tpu.vector_store %arg12[%parallel_loop3A_364, %parallel_loop3A_365], %parallel_loop3A_363 {strides = array<i32>} : memref<64x144xf32, #tpu.memory_space<vmem>>, vector<16xf32>,
      } {sc.loop_unroll_factor = 8 : i64, sc.parallel_access}
      %dma_start3A_135 = arith.constant 0 : i32
      %dma_start3A_136 = arith.constant 0 : i32
      %dma_start3A_137 = tpu.memref_slice %arg18[%dma_start3A_135, %dma_start3A_136] : memref<10000x144xf32, #tpu.memory_space<vmem_shared>> -> memref<10000x144xf32, #tpu.memory_space<vmem_shared>>
      tpu.enqueue_indirect_dma source(%arg12 : memref<64x144xf32, #tpu.memory_space<vmem>>) target(%dma_start3A_137 : memref<10000x144xf32, #tpu.memory_space<vmem_shared>>) offsets(%arg9 : memref<64xi32, #tpu.memory_space<vmem>>) semaphore(%arg25 : memref<!tpu.dma_semaphore, #tpu.memory_space<semaphore_mem>>) {add = true}
      %mul3A_138 = arith.constant 3 : i32
      %mul3A_139 = arith.muli %scan3A_55, %mul3A_138 : i32
      %add3A_140 = arith.constant 1 : i32
      %add3A_141 = arith.addi %mul3A_139, %add3A_140 : i32
      %add3A_142 = arith.constant 1 : i32
      %add3A_143 = arith.addi %add3A_141, %add3A_142 : i32
      %dma_wait3A_144 = arith.constant 0 : i32
      %dma_wait3A_145 = arith.constant 0 : i32
      %dma_wait3A_146 = tpu.memref_slice %arg4[%dma_wait3A_144, %arg0, %arg1, %add3A_143, %dma_wait3A_145] : memref<2x2x16x162x64xi32, #tpu.memory_space<hbm>> -> memref<2x1x1x1x64xi32, #tpu.memory_space<hbm>>
      %dma_wait3A_147 = tpu.memref_squeeze %dma_wait3A_146 : memref<2x1x1x1x64xi32, #tpu.memory_space<hbm>> -> memref<2x64xi32, #tpu.memory_space<hbm>>
      %dma_wait3A_148 = arith.constant 0 : i32
      %dma_wait3A_149 = arith.constant 0 : i32
      %dma_wait3A_150 = tpu.memref_slice %arg4[%dma_wait3A_148, %arg0, %arg1, %add3A_143, %dma_wait3A_149] : memref<2x2x16x162x64xi32, #tpu.memory_space<hbm>> -> memref<2x1x1x1x64xi32, #tpu.memory_space<hbm>>
      %dma_wait3A_151 = tpu.memref_squeeze %dma_wait3A_150 : memref<2x1x1x1x64xi32, #tpu.memory_space<hbm>> -> memref<2x64xi32, #tpu.memory_space<hbm>>
      tpu.wait_dma2 semaphore(%arg24 : memref<!tpu.dma_semaphore, #tpu.memory_space<semaphore_mem>>) src(%dma_wait3A_151 : memref<2x64xi32, #tpu.memory_space<hbm>>) dst(%arg8 : memref<2x64xi32, #tpu.memory_space<vmem>>)
      %gt3A_152 = arith.constant 0 : i32
      %gt3A_153 = arith.cmpi sgt, %scan3A_55, %gt3A_152 : i32
      %convert_element_type3A_154 = arith.extui %gt3A_153 : i1 to i32
      %cond3A_155 = arith.constant 0 : i32
      %cond3A_156 = arith.cmpi ne, %convert_element_type3A_154, %cond3A_155 : i32
      scf.if %cond3A_156 {
        %dma_wait3A_285 = arith.constant 0 : i32
        %dma_wait3A_286 = arith.constant 0 : i32
        %dma_wait3A_287 = tpu.memref_slice %arg18[%dma_wait3A_285, %dma_wait3A_286] : memref<10000x144xf32, #tpu.memory_space<vmem_shared>> -> memref<10000x144xf32, #tpu.memory_space<vmem_shared>>
        tpu.wait_indirect_dma semaphore(%arg27 : memref<!tpu.dma_semaphore, #tpu.memory_space<semaphore_mem>>) src(%arg14 : memref<64x144xf32, #tpu.memory_space<vmem>>) dst(%dma_wait3A_287 : memref<10000x144xf32, #tpu.memory_space<vmem_shared>>)
      } else {
      }
      %dma_start3A_157 = arith.constant 0 : i32
      %dma_start3A_158 = arith.constant 0 : i32
      %dma_start3A_159 = tpu.memref_slice %arg8[%dma_start3A_157, %dma_start3A_158] : memref<2x64xi32, #tpu.memory_space<vmem>> -> memref<1x64xi32, #tpu.memory_space<vmem>>
      %dma_start3A_160 = tpu.memref_squeeze %dma_start3A_159 : memref<1x64xi32, #tpu.memory_space<vmem>> -> memref<64xi32, #tpu.memory_space<vmem>>
      %dma_start3A_161 = arith.constant 0 : i32
      %dma_start3A_162 = arith.constant 0 : i32
      %dma_start3A_163 = tpu.memref_slice %arg2[%dma_start3A_161, %dma_start3A_162] : memref<10008x144xf32, #tpu.memory_space<hbm>> -> memref<10008x144xf32, #tpu.memory_space<hbm>>
      tpu.enqueue_indirect_dma source(%dma_start3A_163 : memref<10008x144xf32, #tpu.memory_space<hbm>>) target(%arg14 : memref<64x144xf32, #tpu.memory_space<vmem>>) offsets(%dma_start3A_160 : memref<64xi32, #tpu.memory_space<vmem>>) semaphore(%arg21 : memref<!tpu.dma_semaphore, #tpu.memory_space<semaphore_mem>>)
      %dma_start3A_164 = arith.constant 1 : i32
      %dma_start3A_165 = arith.constant 0 : i32
      %dma_start3A_166 = tpu.memref_slice %arg8[%dma_start3A_164, %dma_start3A_165] : memref<2x64xi32, #tpu.memory_space<vmem>> -> memref<1x64xi32, #tpu.memory_space<vmem>>
      %dma_start3A_167 = tpu.memref_squeeze %dma_start3A_166 : memref<1x64xi32, #tpu.memory_space<vmem>> -> memref<64xi32, #tpu.memory_space<vmem>>
      %dma_start3A_168 = arith.constant 0 : i32
      %dma_start3A_169 = arith.constant 0 : i32
      %dma_start3A_170 = tpu.memref_slice %arg3[%dma_start3A_168, %dma_start3A_169] : memref<10000x16xf32, #tpu.memory_space<hbm>> -> memref<10000x16xf32, #tpu.memory_space<hbm>>
      tpu.enqueue_indirect_dma source(%dma_start3A_170 : memref<10000x16xf32, #tpu.memory_space<hbm>>) target(%arg17 : memref<64x16xf32, #tpu.memory_space<vmem>>) offsets(%dma_start3A_167 : memref<64xi32, #tpu.memory_space<vmem>>) semaphore(%arg21 : memref<!tpu.dma_semaphore, #tpu.memory_space<semaphore_mem>>)
      %lt3A = arith.constant 53 : i32
      %lt3A_171 = arith.cmpi slt, %scan3A_55, %lt3A : i32
      %convert_element_type3A_172 = arith.extui %lt3A_171 : i1 to i32
      %cond3A_173 = arith.constant 0 : i32
      %cond3A_174 = arith.cmpi ne, %convert_element_type3A_172, %cond3A_173 : i32
      scf.if %cond3A_174 {
        %add3A_285 = arith.constant 2 : i32
        %add3A_286 = arith.addi %add3A_141, %add3A_285 : i32
        %dma_start3A_287 = arith.constant 0 : i32
        %dma_start3A_288 = arith.constant 0 : i32
        %dma_start3A_289 = tpu.memref_slice %arg4[%dma_start3A_287, %arg0, %arg1, %add3A_286, %dma_start3A_288] : memref<2x2x16x162x64xi32, #tpu.memory_space<hbm>> -> memref<2x1x1x1x64xi32, #tpu.memory_space<hbm>>
        %dma_start3A_290 = tpu.memref_squeeze %dma_start3A_289 : memref<2x1x1x1x64xi32, #tpu.memory_space<hbm>> -> memref<2x64xi32, #tpu.memory_space<hbm>>
        %dma_start3A_291 = arith.constant 0 : i32
        %dma_start3A_292 = arith.constant 0 : i32
        %dma_start3A_293 = tpu.memref_slice %arg4[%dma_start3A_291, %arg0, %arg1, %add3A_286, %dma_start3A_292] : memref<2x2x16x162x64xi32, #tpu.memory_space<hbm>> -> memref<2x1x1x1x64xi32, #tpu.memory_space<hbm>>
        %dma_start3A_294 = tpu.memref_squeeze %dma_start3A_293 : memref<2x1x1x1x64xi32, #tpu.memory_space<hbm>> -> memref<2x64xi32, #tpu.memory_space<hbm>>
        tpu.enqueue_dma source(%dma_start3A_294 : memref<2x64xi32, #tpu.memory_space<hbm>>) target(%arg6 : memref<2x64xi32, #tpu.memory_space<vmem>>) target_semaphore(%arg22 : memref<!tpu.dma_semaphore, #tpu.memory_space<semaphore_mem>>)
      } else {
      }
      %dma_wait3A_175 = arith.constant 0 : i32
      %dma_wait3A_176 = arith.constant 0 : i32
      %dma_wait3A_177 = tpu.memref_slice %arg7[%dma_wait3A_175, %dma_wait3A_176] : memref<2x64xi32, #tpu.memory_space<vmem>> -> memref<1x64xi32, #tpu.memory_space<vmem>>
      %dma_wait3A_178 = tpu.memref_squeeze %dma_wait3A_177 : memref<1x64xi32, #tpu.memory_space<vmem>> -> memref<64xi32, #tpu.memory_space<vmem>>
      %dma_wait3A_179 = arith.constant 0 : i32
      %dma_wait3A_180 = arith.constant 0 : i32
      %dma_wait3A_181 = tpu.memref_slice %arg2[%dma_wait3A_179, %dma_wait3A_180] : memref<10008x144xf32, #tpu.memory_space<hbm>> -> memref<10008x144xf32, #tpu.memory_space<hbm>>
      tpu.wait_indirect_dma semaphore(%arg20 : memref<!tpu.dma_semaphore, #tpu.memory_space<semaphore_mem>>) src(%dma_wait3A_181 : memref<10008x144xf32, #tpu.memory_space<hbm>>) dst(%arg13 : memref<64x144xf32, #tpu.memory_space<vmem>>)
      %dma_wait3A_182 = arith.constant 1 : i32
      %dma_wait3A_183 = arith.constant 0 : i32
      %dma_wait3A_184 = tpu.memref_slice %arg7[%dma_wait3A_182, %dma_wait3A_183] : memref<2x64xi32, #tpu.memory_space<vmem>> -> memref<1x64xi32, #tpu.memory_space<vmem>>
      %dma_wait3A_185 = tpu.memref_squeeze %dma_wait3A_184 : memref<1x64xi32, #tpu.memory_space<vmem>> -> memref<64xi32, #tpu.memory_space<vmem>>
      %dma_wait3A_186 = arith.constant 0 : i32
      %dma_wait3A_187 = arith.constant 0 : i32
      %dma_wait3A_188 = tpu.memref_slice %arg3[%dma_wait3A_186, %dma_wait3A_187] : memref<10000x16xf32, #tpu.memory_space<hbm>> -> memref<10000x16xf32, #tpu.memory_space<hbm>>
      tpu.wait_indirect_dma semaphore(%arg20 : memref<!tpu.dma_semaphore, #tpu.memory_space<semaphore_mem>>) src(%dma_wait3A_188 : memref<10000x16xf32, #tpu.memory_space<hbm>>) dst(%arg16 : memref<64x16xf32, #tpu.memory_space<vmem>>)
      %get3A_189 = arith.constant 1 : i32
      %get3A_190 = arith.index_cast %get3A_189 : i32 to index
      %get3A_191 = arith.constant 0 : index
      %get3A_192 = tpu.vector_load %arg7[%get3A_190, %get3A_191] {strides = array<i32>} : memref<2x64xi32, #tpu.memory_space<vmem>>, vector<16xi32>,
      %swap3A_193 = arith.constant 0 : index
      %swap3A_194 = tpu.vector_load %arg10[%swap3A_193] {strides = array<i32>} : memref<64xi32, #tpu.memory_space<vmem>>, vector<16xi32>,
      tpu.vector_store %arg10[%swap3A_193], %get3A_192 {strides = array<i32>} : memref<64xi32, #tpu.memory_space<vmem>>, vector<16xi32>,
      %get3A_195 = arith.constant 1 : i32
      %get3A_196 = arith.index_cast %get3A_195 : i32 to index
      %get3A_197 = arith.constant 16 : index
      %get3A_198 = tpu.vector_load %arg7[%get3A_196, %get3A_197] {strides = array<i32>} : memref<2x64xi32, #tpu.memory_space<vmem>>, vector<16xi32>,
      %swap3A_199 = arith.constant 16 : index
      %swap3A_200 = tpu.vector_load %arg10[%swap3A_199] {strides = array<i32>} : memref<64xi32, #tpu.memory_space<vmem>>, vector<16xi32>,
      tpu.vector_store %arg10[%swap3A_199], %get3A_198 {strides = array<i32>} : memref<64xi32, #tpu.memory_space<vmem>>, vector<16xi32>,
      %get3A_201 = arith.constant 1 : i32
      %get3A_202 = arith.index_cast %get3A_201 : i32 to index
      %get3A_203 = arith.constant 32 : index
      %get3A_204 = tpu.vector_load %arg7[%get3A_202, %get3A_203] {strides = array<i32>} : memref<2x64xi32, #tpu.memory_space<vmem>>, vector<16xi32>,
      %swap3A_205 = arith.constant 32 : index
      %swap3A_206 = tpu.vector_load %arg10[%swap3A_205] {strides = array<i32>} : memref<64xi32, #tpu.memory_space<vmem>>, vector<16xi32>,
      tpu.vector_store %arg10[%swap3A_205], %get3A_204 {strides = array<i32>} : memref<64xi32, #tpu.memory_space<vmem>>, vector<16xi32>,
      %get3A_207 = arith.constant 1 : i32
      %get3A_208 = arith.index_cast %get3A_207 : i32 to index
      %get3A_209 = arith.constant 48 : index
      %get3A_210 = tpu.vector_load %arg7[%get3A_208, %get3A_209] {strides = array<i32>} : memref<2x64xi32, #tpu.memory_space<vmem>>, vector<16xi32>,
      %swap3A_211 = arith.constant 48 : index
      %swap3A_212 = tpu.vector_load %arg10[%swap3A_211] {strides = array<i32>} : memref<64xi32, #tpu.memory_space<vmem>>, vector<16xi32>,
      tpu.vector_store %arg10[%swap3A_211], %get3A_210 {strides = array<i32>} : memref<64xi32, #tpu.memory_space<vmem>>, vector<16xi32>,
      %parallel_loop3A_213 = arith.constant 0 : i32
      %parallel_loop3A_214 = arith.constant 64 : i32
      %parallel_loop3A_215 = arith.constant 1 : i32
      scf.for %parallel_loop3A_285 = %parallel_loop3A_213 to %parallel_loop3A_214 step %parallel_loop3A_215  : i32 {
        %parallel_loop3A_286 = arith.index_cast %parallel_loop3A_285 : i32 to index
        %parallel_loop3A_287 = arith.constant 128 : index
        %parallel_loop3A_288 = tpu.vector_load %arg13[%parallel_loop3A_286, %parallel_loop3A_287] {strides = array<i32>} : memref<64x144xf32, #tpu.memory_space<vmem>>, vector<16xf32>,
        %parallel_loop3A_289 = arith.index_cast %parallel_loop3A_285 : i32 to index
        %parallel_loop3A_290 = arith.constant 0 : index
        %parallel_loop3A_291 = tpu.vector_load %arg16[%parallel_loop3A_289, %parallel_loop3A_290] {strides = array<i32>} : memref<64x16xf32, #tpu.memory_space<vmem>>, vector<16xf32>,
        %parallel_loop3A_292 = arith.addf %parallel_loop3A_288, %parallel_loop3A_291 : vector<16xf32>
        %parallel_loop3A_293 = arith.constant 0.000000e+00 : f32
        %parallel_loop3A_294 = vector.broadcast %parallel_loop3A_293 : f32 to vector<16xf32>
        %parallel_loop3A_295 = arith.cmpf oge, %parallel_loop3A_292, %parallel_loop3A_294 : vector<16xf32>
        %parallel_loop3A_296 = arith.constant 2.000000e-01 : f32
        %parallel_loop3A_297 = vector.broadcast %parallel_loop3A_296 : f32 to vector<16xf32>
        %parallel_loop3A_298 = arith.mulf %parallel_loop3A_297, %parallel_loop3A_292 : vector<16xf32>
        %parallel_loop3A_299 = arith.select %parallel_loop3A_295, %parallel_loop3A_292, %parallel_loop3A_298 : vector<16xi1>, vector<16xf32>
        %parallel_loop3A_300 = math.exp %parallel_loop3A_299 : vector<16xf32>
        %parallel_loop3A_301 = arith.index_cast %parallel_loop3A_285 : i32 to index
        %parallel_loop3A_302 = arith.constant 0 : index
        %parallel_loop3A_303 = tpu.vector_load %arg13[%parallel_loop3A_301, %parallel_loop3A_302] {strides = array<i32>} : memref<64x144xf32, #tpu.memory_space<vmem>>, vector<16xf32>,
        %parallel_loop3A_304 = arith.mulf %parallel_loop3A_303, %parallel_loop3A_300 : vector<16xf32>
        %parallel_loop3A_305 = arith.index_cast %parallel_loop3A_285 : i32 to index
        %parallel_loop3A_306 = arith.constant 0 : index
        %parallel_loop3A_307 = tpu.vector_load %arg13[%parallel_loop3A_305, %parallel_loop3A_306] {strides = array<i32>} : memref<64x144xf32, #tpu.memory_space<vmem>>, vector<16xf32>,
        tpu.vector_store %arg13[%parallel_loop3A_305, %parallel_loop3A_306], %parallel_loop3A_304 {strides = array<i32>} : memref<64x144xf32, #tpu.memory_space<vmem>>, vector<16xf32>,
        %parallel_loop3A_308 = arith.index_cast %parallel_loop3A_285 : i32 to index
        %parallel_loop3A_309 = arith.constant 16 : index
        %parallel_loop3A_310 = tpu.vector_load %arg13[%parallel_loop3A_308, %parallel_loop3A_309] {strides = array<i32>} : memref<64x144xf32, #tpu.memory_space<vmem>>, vector<16xf32>,
        %parallel_loop3A_311 = arith.mulf %parallel_loop3A_310, %parallel_loop3A_300 : vector<16xf32>
        %parallel_loop3A_312 = arith.index_cast %parallel_loop3A_285 : i32 to index
        %parallel_loop3A_313 = arith.constant 16 : index
        %parallel_loop3A_314 = tpu.vector_load %arg13[%parallel_loop3A_312, %parallel_loop3A_313] {strides = array<i32>} : memref<64x144xf32, #tpu.memory_space<vmem>>, vector<16xf32>,
        tpu.vector_store %arg13[%parallel_loop3A_312, %parallel_loop3A_313], %parallel_loop3A_311 {strides = array<i32>} : memref<64x144xf32, #tpu.memory_space<vmem>>, vector<16xf32>,
        %parallel_loop3A_315 = arith.index_cast %parallel_loop3A_285 : i32 to index
        %parallel_loop3A_316 = arith.constant 32 : index
        %parallel_loop3A_317 = tpu.vector_load %arg13[%parallel_loop3A_315, %parallel_loop3A_316] {strides = array<i32>} : memref<64x144xf32, #tpu.memory_space<vmem>>, vector<16xf32>,
        %parallel_loop3A_318 = arith.mulf %parallel_loop3A_317, %parallel_loop3A_300 : vector<16xf32>
        %parallel_loop3A_319 = arith.index_cast %parallel_loop3A_285 : i32 to index
        %parallel_loop3A_320 = arith.constant 32 : index
        %parallel_loop3A_321 = tpu.vector_load %arg13[%parallel_loop3A_319, %parallel_loop3A_320] {strides = array<i32>} : memref<64x144xf32, #tpu.memory_space<vmem>>, vector<16xf32>,
        tpu.vector_store %arg13[%parallel_loop3A_319, %parallel_loop3A_320], %parallel_loop3A_318 {strides = array<i32>} : memref<64x144xf32, #tpu.memory_space<vmem>>, vector<16xf32>,
        %parallel_loop3A_322 = arith.index_cast %parallel_loop3A_285 : i32 to index
        %parallel_loop3A_323 = arith.constant 48 : index
        %parallel_loop3A_324 = tpu.vector_load %arg13[%parallel_loop3A_322, %parallel_loop3A_323] {strides = array<i32>} : memref<64x144xf32, #tpu.memory_space<vmem>>, vector<16xf32>,
        %parallel_loop3A_325 = arith.mulf %parallel_loop3A_324, %parallel_loop3A_300 : vector<16xf32>
        %parallel_loop3A_326 = arith.index_cast %parallel_loop3A_285 : i32 to index
        %parallel_loop3A_327 = arith.constant 48 : index
        %parallel_loop3A_328 = tpu.vector_load %arg13[%parallel_loop3A_326, %parallel_loop3A_327] {strides = array<i32>} : memref<64x144xf32, #tpu.memory_space<vmem>>, vector<16xf32>,
        tpu.vector_store %arg13[%parallel_loop3A_326, %parallel_loop3A_327], %parallel_loop3A_325 {strides = array<i32>} : memref<64x144xf32, #tpu.memory_space<vmem>>, vector<16xf32>,
        %parallel_loop3A_329 = arith.index_cast %parallel_loop3A_285 : i32 to index
        %parallel_loop3A_330 = arith.constant 64 : index
        %parallel_loop3A_331 = tpu.vector_load %arg13[%parallel_loop3A_329, %parallel_loop3A_330] {strides = array<i32>} : memref<64x144xf32, #tpu.memory_space<vmem>>, vector<16xf32>,
        %parallel_loop3A_332 = arith.mulf %parallel_loop3A_331, %parallel_loop3A_300 : vector<16xf32>
        %parallel_loop3A_333 = arith.index_cast %parallel_loop3A_285 : i32 to index
        %parallel_loop3A_334 = arith.constant 64 : index
        %parallel_loop3A_335 = tpu.vector_load %arg13[%parallel_loop3A_333, %parallel_loop3A_334] {strides = array<i32>} : memref<64x144xf32, #tpu.memory_space<vmem>>, vector<16xf32>,
        tpu.vector_store %arg13[%parallel_loop3A_333, %parallel_loop3A_334], %parallel_loop3A_332 {strides = array<i32>} : memref<64x144xf32, #tpu.memory_space<vmem>>, vector<16xf32>,
        %parallel_loop3A_336 = arith.index_cast %parallel_loop3A_285 : i32 to index
        %parallel_loop3A_337 = arith.constant 80 : index
        %parallel_loop3A_338 = tpu.vector_load %arg13[%parallel_loop3A_336, %parallel_loop3A_337] {strides = array<i32>} : memref<64x144xf32, #tpu.memory_space<vmem>>, vector<16xf32>,
        %parallel_loop3A_339 = arith.mulf %parallel_loop3A_338, %parallel_loop3A_300 : vector<16xf32>
        %parallel_loop3A_340 = arith.index_cast %parallel_loop3A_285 : i32 to index
        %parallel_loop3A_341 = arith.constant 80 : index
        %parallel_loop3A_342 = tpu.vector_load %arg13[%parallel_loop3A_340, %parallel_loop3A_341] {strides = array<i32>} : memref<64x144xf32, #tpu.memory_space<vmem>>, vector<16xf32>,
        tpu.vector_store %arg13[%parallel_loop3A_340, %parallel_loop3A_341], %parallel_loop3A_339 {strides = array<i32>} : memref<64x144xf32, #tpu.memory_space<vmem>>, vector<16xf32>,
        %parallel_loop3A_343 = arith.index_cast %parallel_loop3A_285 : i32 to index
        %parallel_loop3A_344 = arith.constant 96 : index
        %parallel_loop3A_345 = tpu.vector_load %arg13[%parallel_loop3A_343, %parallel_loop3A_344] {strides = array<i32>} : memref<64x144xf32, #tpu.memory_space<vmem>>, vector<16xf32>,
        %parallel_loop3A_346 = arith.mulf %parallel_loop3A_345, %parallel_loop3A_300 : vector<16xf32>
        %parallel_loop3A_347 = arith.index_cast %parallel_loop3A_285 : i32 to index
        %parallel_loop3A_348 = arith.constant 96 : index
        %parallel_loop3A_349 = tpu.vector_load %arg13[%parallel_loop3A_347, %parallel_loop3A_348] {strides = array<i32>} : memref<64x144xf32, #tpu.memory_space<vmem>>, vector<16xf32>,
        tpu.vector_store %arg13[%parallel_loop3A_347, %parallel_loop3A_348], %parallel_loop3A_346 {strides = array<i32>} : memref<64x144xf32, #tpu.memory_space<vmem>>, vector<16xf32>,
        %parallel_loop3A_350 = arith.index_cast %parallel_loop3A_285 : i32 to index
        %parallel_loop3A_351 = arith.constant 112 : index
        %parallel_loop3A_352 = tpu.vector_load %arg13[%parallel_loop3A_350, %parallel_loop3A_351] {strides = array<i32>} : memref<64x144xf32, #tpu.memory_space<vmem>>, vector<16xf32>,
        %parallel_loop3A_353 = arith.mulf %parallel_loop3A_352, %parallel_loop3A_300 : vector<16xf32>
        %parallel_loop3A_354 = arith.index_cast %parallel_loop3A_285 : i32 to index
        %parallel_loop3A_355 = arith.constant 112 : index
        %parallel_loop3A_356 = tpu.vector_load %arg13[%parallel_loop3A_354, %parallel_loop3A_355] {strides = array<i32>} : memref<64x144xf32, #tpu.memory_space<vmem>>, vector<16xf32>,
        tpu.vector_store %arg13[%parallel_loop3A_354, %parallel_loop3A_355], %parallel_loop3A_353 {strides = array<i32>} : memref<64x144xf32, #tpu.memory_space<vmem>>, vector<16xf32>,
        %parallel_loop3A_357 = tpu.iota {dimensions = array<i32: 0>} : vector<16xi32>
        %parallel_loop3A_358 = arith.constant 0 : i32
        %parallel_loop3A_359 = vector.broadcast %parallel_loop3A_358 : i32 to vector<16xi32>
        %parallel_loop3A_360 = arith.cmpi eq, %parallel_loop3A_357, %parallel_loop3A_359 : vector<16xi32>
        %parallel_loop3A_361 = arith.constant 0.000000e+00 : f32
        %parallel_loop3A_362 = vector.broadcast %parallel_loop3A_361 : f32 to vector<16xf32>
        %parallel_loop3A_363 = arith.select %parallel_loop3A_360, %parallel_loop3A_300, %parallel_loop3A_362 : vector<16xi1>, vector<16xf32>
        %parallel_loop3A_364 = arith.index_cast %parallel_loop3A_285 : i32 to index
        %parallel_loop3A_365 = arith.constant 128 : index
        %parallel_loop3A_366 = tpu.vector_load %arg13[%parallel_loop3A_364, %parallel_loop3A_365] {strides = array<i32>} : memref<64x144xf32, #tpu.memory_space<vmem>>, vector<16xf32>,
        tpu.vector_store %arg13[%parallel_loop3A_364, %parallel_loop3A_365], %parallel_loop3A_363 {strides = array<i32>} : memref<64x144xf32, #tpu.memory_space<vmem>>, vector<16xf32>,
      } {sc.loop_unroll_factor = 8 : i64, sc.parallel_access}
      %dma_start3A_216 = arith.constant 0 : i32
      %dma_start3A_217 = arith.constant 0 : i32
      %dma_start3A_218 = tpu.memref_slice %arg18[%dma_start3A_216, %dma_start3A_217] : memref<10000x144xf32, #tpu.memory_space<vmem_shared>> -> memref<10000x144xf32, #tpu.memory_space<vmem_shared>>
      tpu.enqueue_indirect_dma source(%arg13 : memref<64x144xf32, #tpu.memory_space<vmem>>) target(%dma_start3A_218 : memref<10000x144xf32, #tpu.memory_space<vmem_shared>>) offsets(%arg10 : memref<64xi32, #tpu.memory_space<vmem>>) semaphore(%arg26 : memref<!tpu.dma_semaphore, #tpu.memory_space<semaphore_mem>>) {add = true}
      %mul3A_219 = arith.constant 3 : i32
      %mul3A_220 = arith.muli %scan3A_55, %mul3A_219 : i32
      %add3A_221 = arith.constant 2 : i32
      %add3A_222 = arith.addi %mul3A_220, %add3A_221 : i32
      %lt3A_223 = arith.constant 53 : i32
      %lt3A_224 = arith.cmpi slt, %scan3A_55, %lt3A_223 : i32
      %convert_element_type3A_225 = arith.extui %lt3A_224 : i1 to i32
      %cond3A_226 = arith.constant 0 : i32
      %cond3A_227 = arith.cmpi ne, %convert_element_type3A_225, %cond3A_226 : i32
      scf.if %cond3A_227 {
        %add3A_285 = arith.constant 1 : i32
        %add3A_286 = arith.addi %add3A_222, %add3A_285 : i32
        %dma_wait3A_287 = arith.constant 0 : i32
        %dma_wait3A_288 = arith.constant 0 : i32
        %dma_wait3A_289 = tpu.memref_slice %arg4[%dma_wait3A_287, %arg0, %arg1, %add3A_286, %dma_wait3A_288] : memref<2x2x16x162x64xi32, #tpu.memory_space<hbm>> -> memref<2x1x1x1x64xi32, #tpu.memory_space<hbm>>
        %dma_wait3A_290 = tpu.memref_squeeze %dma_wait3A_289 : memref<2x1x1x1x64xi32, #tpu.memory_space<hbm>> -> memref<2x64xi32, #tpu.memory_space<hbm>>
        %dma_wait3A_291 = arith.constant 0 : i32
        %dma_wait3A_292 = arith.constant 0 : i32
        %dma_wait3A_293 = tpu.memref_slice %arg4[%dma_wait3A_291, %arg0, %arg1, %add3A_286, %dma_wait3A_292] : memref<2x2x16x162x64xi32, #tpu.memory_space<hbm>> -> memref<2x1x1x1x64xi32, #tpu.memory_space<hbm>>
        %dma_wait3A_294 = tpu.memref_squeeze %dma_wait3A_293 : memref<2x1x1x1x64xi32, #tpu.memory_space<hbm>> -> memref<2x64xi32, #tpu.memory_space<hbm>>
        tpu.wait_dma2 semaphore(%arg22 : memref<!tpu.dma_semaphore, #tpu.memory_space<semaphore_mem>>) src(%dma_wait3A_294 : memref<2x64xi32, #tpu.memory_space<hbm>>) dst(%arg6 : memref<2x64xi32, #tpu.memory_space<vmem>>)
      } else {
      }
      %dma_wait3A_228 = arith.constant 0 : i32
      %dma_wait3A_229 = arith.constant 0 : i32
      %dma_wait3A_230 = tpu.memref_slice %arg18[%dma_wait3A_228, %dma_wait3A_229] : memref<10000x144xf32, #tpu.memory_space<vmem_shared>> -> memref<10000x144xf32, #tpu.memory_space<vmem_shared>>
      tpu.wait_indirect_dma semaphore(%arg25 : memref<!tpu.dma_semaphore, #tpu.memory_space<semaphore_mem>>) src(%arg12 : memref<64x144xf32, #tpu.memory_space<vmem>>) dst(%dma_wait3A_230 : memref<10000x144xf32, #tpu.memory_space<vmem_shared>>)
      %lt3A_231 = arith.constant 53 : i32
      %lt3A_232 = arith.cmpi slt, %scan3A_55, %lt3A_231 : i32
      %convert_element_type3A_233 = arith.extui %lt3A_232 : i1 to i32
      %cond3A_234 = arith.constant 0 : i32
      %cond3A_235 = arith.cmpi ne, %convert_element_type3A_233, %cond3A_234 : i32
      scf.if %cond3A_235 {
        %dma_start3A_285 = arith.constant 0 : i32
        %dma_start3A_286 = arith.constant 0 : i32
        %dma_start3A_287 = tpu.memref_slice %arg6[%dma_start3A_285, %dma_start3A_286] : memref<2x64xi32, #tpu.memory_space<vmem>> -> memref<1x64xi32, #tpu.memory_space<vmem>>
        %dma_start3A_288 = tpu.memref_squeeze %dma_start3A_287 : memref<1x64xi32, #tpu.memory_space<vmem>> -> memref<64xi32, #tpu.memory_space<vmem>>
        %dma_start3A_289 = arith.constant 0 : i32
        %dma_start3A_290 = arith.constant 0 : i32
        %dma_start3A_291 = tpu.memref_slice %arg2[%dma_start3A_289, %dma_start3A_290] : memref<10008x144xf32, #tpu.memory_space<hbm>> -> memref<10008x144xf32, #tpu.memory_space<hbm>>
        tpu.enqueue_indirect_dma source(%dma_start3A_291 : memref<10008x144xf32, #tpu.memory_space<hbm>>) target(%arg12 : memref<64x144xf32, #tpu.memory_space<vmem>>) offsets(%dma_start3A_288 : memref<64xi32, #tpu.memory_space<vmem>>) semaphore(%arg19 : memref<!tpu.dma_semaphore, #tpu.memory_space<semaphore_mem>>)
        %dma_start3A_292 = arith.constant 1 : i32
        %dma_start3A_293 = arith.constant 0 : i32
        %dma_start3A_294 = tpu.memref_slice %arg6[%dma_start3A_292, %dma_start3A_293] : memref<2x64xi32, #tpu.memory_space<vmem>> -> memref<1x64xi32, #tpu.memory_space<vmem>>
        %dma_start3A_295 = tpu.memref_squeeze %dma_start3A_294 : memref<1x64xi32, #tpu.memory_space<vmem>> -> memref<64xi32, #tpu.memory_space<vmem>>
        %dma_start3A_296 = arith.constant 0 : i32
        %dma_start3A_297 = arith.constant 0 : i32
        %dma_start3A_298 = tpu.memref_slice %arg3[%dma_start3A_296, %dma_start3A_297] : memref<10000x16xf32, #tpu.memory_space<hbm>> -> memref<10000x16xf32, #tpu.memory_space<hbm>>
        tpu.enqueue_indirect_dma source(%dma_start3A_298 : memref<10000x16xf32, #tpu.memory_space<hbm>>) target(%arg15 : memref<64x16xf32, #tpu.memory_space<vmem>>) offsets(%dma_start3A_295 : memref<64xi32, #tpu.memory_space<vmem>>) semaphore(%arg19 : memref<!tpu.dma_semaphore, #tpu.memory_space<semaphore_mem>>)
      } else {
      }
      %lt3A_236 = arith.constant 53 : i32
      %lt3A_237 = arith.cmpi slt, %scan3A_55, %lt3A_236 : i32
      %convert_element_type3A_238 = arith.extui %lt3A_237 : i1 to i32
      %cond3A_239 = arith.constant 0 : i32
      %cond3A_240 = arith.cmpi ne, %convert_element_type3A_238, %cond3A_239 : i32
      scf.if %cond3A_240 {
        %add3A_285 = arith.constant 2 : i32
        %add3A_286 = arith.addi %add3A_222, %add3A_285 : i32
        %dma_start3A_287 = arith.constant 0 : i32
        %dma_start3A_288 = arith.constant 0 : i32
        %dma_start3A_289 = tpu.memref_slice %arg4[%dma_start3A_287, %arg0, %arg1, %add3A_286, %dma_start3A_288] : memref<2x2x16x162x64xi32, #tpu.memory_space<hbm>> -> memref<2x1x1x1x64xi32, #tpu.memory_space<hbm>>
        %dma_start3A_290 = tpu.memref_squeeze %dma_start3A_289 : memref<2x1x1x1x64xi32, #tpu.memory_space<hbm>> -> memref<2x64xi32, #tpu.memory_space<hbm>>
        %dma_start3A_291 = arith.constant 0 : i32
        %dma_start3A_292 = arith.constant 0 : i32
        %dma_start3A_293 = tpu.memref_slice %arg4[%dma_start3A_291, %arg0, %arg1, %add3A_286, %dma_start3A_292] : memref<2x2x16x162x64xi32, #tpu.memory_space<hbm>> -> memref<2x1x1x1x64xi32, #tpu.memory_space<hbm>>
        %dma_start3A_294 = tpu.memref_squeeze %dma_start3A_293 : memref<2x1x1x1x64xi32, #tpu.memory_space<hbm>> -> memref<2x64xi32, #tpu.memory_space<hbm>>
        tpu.enqueue_dma source(%dma_start3A_294 : memref<2x64xi32, #tpu.memory_space<hbm>>) target(%arg7 : memref<2x64xi32, #tpu.memory_space<vmem>>) target_semaphore(%arg23 : memref<!tpu.dma_semaphore, #tpu.memory_space<semaphore_mem>>)
      } else {
      }
      %dma_wait3A_241 = arith.constant 0 : i32
      %dma_wait3A_242 = arith.constant 0 : i32
      %dma_wait3A_243 = tpu.memref_slice %arg8[%dma_wait3A_241, %dma_wait3A_242] : memref<2x64xi32, #tpu.memory_space<vmem>> -> memref<1x64xi32, #tpu.memory_space<vmem>>
      %dma_wait3A_244 = tpu.memref_squeeze %dma_wait3A_243 : memref<1x64xi32, #tpu.memory_space<vmem>> -> memref<64xi32, #tpu.memory_space<vmem>>
      %dma_wait3A_245 = arith.constant 0 : i32
      %dma_wait3A_246 = arith.constant 0 : i32
      %dma_wait3A_247 = tpu.memref_slice %arg2[%dma_wait3A_245, %dma_wait3A_246] : memref<10008x144xf32, #tpu.memory_space<hbm>> -> memref<10008x144xf32, #tpu.memory_space<hbm>>
      tpu.wait_indirect_dma semaphore(%arg21 : memref<!tpu.dma_semaphore, #tpu.memory_space<semaphore_mem>>) src(%dma_wait3A_247 : memref<10008x144xf32, #tpu.memory_space<hbm>>) dst(%arg14 : memref<64x144xf32, #tpu.memory_space<vmem>>)
      %dma_wait3A_248 = arith.constant 1 : i32
      %dma_wait3A_249 = arith.constant 0 : i32
      %dma_wait3A_250 = tpu.memref_slice %arg8[%dma_wait3A_248, %dma_wait3A_249] : memref<2x64xi32, #tpu.memory_space<vmem>> -> memref<1x64xi32, #tpu.memory_space<vmem>>
      %dma_wait3A_251 = tpu.memref_squeeze %dma_wait3A_250 : memref<1x64xi32, #tpu.memory_space<vmem>> -> memref<64xi32, #tpu.memory_space<vmem>>
      %dma_wait3A_252 = arith.constant 0 : i32
      %dma_wait3A_253 = arith.constant 0 : i32
      %dma_wait3A_254 = tpu.memref_slice %arg3[%dma_wait3A_252, %dma_wait3A_253] : memref<10000x16xf32, #tpu.memory_space<hbm>> -> memref<10000x16xf32, #tpu.memory_space<hbm>>
      tpu.wait_indirect_dma semaphore(%arg21 : memref<!tpu.dma_semaphore, #tpu.memory_space<semaphore_mem>>) src(%dma_wait3A_254 : memref<10000x16xf32, #tpu.memory_space<hbm>>) dst(%arg17 : memref<64x16xf32, #tpu.memory_space<vmem>>)
      %get3A_255 = arith.constant 1 : i32
      %get3A_256 = arith.index_cast %get3A_255 : i32 to index
      %get3A_257 = arith.constant 0 : index
      %get3A_258 = tpu.vector_load %arg8[%get3A_256, %get3A_257] {strides = array<i32>} : memref<2x64xi32, #tpu.memory_space<vmem>>, vector<16xi32>,
      %swap3A_259 = arith.constant 0 : index
      %swap3A_260 = tpu.vector_load %arg11[%swap3A_259] {strides = array<i32>} : memref<64xi32, #tpu.memory_space<vmem>>, vector<16xi32>,
      tpu.vector_store %arg11[%swap3A_259], %get3A_258 {strides = array<i32>} : memref<64xi32, #tpu.memory_space<vmem>>, vector<16xi32>,
      %get3A_261 = arith.constant 1 : i32
      %get3A_262 = arith.index_cast %get3A_261 : i32 to index
      %get3A_263 = arith.constant 16 : index
      %get3A_264 = tpu.vector_load %arg8[%get3A_262, %get3A_263] {strides = array<i32>} : memref<2x64xi32, #tpu.memory_space<vmem>>, vector<16xi32>,
      %swap3A_265 = arith.constant 16 : index
      %swap3A_266 = tpu.vector_load %arg11[%swap3A_265] {strides = array<i32>} : memref<64xi32, #tpu.memory_space<vmem>>, vector<16xi32>,
      tpu.vector_store %arg11[%swap3A_265], %get3A_264 {strides = array<i32>} : memref<64xi32, #tpu.memory_space<vmem>>, vector<16xi32>,
      %get3A_267 = arith.constant 1 : i32
      %get3A_268 = arith.index_cast %get3A_267 : i32 to index
      %get3A_269 = arith.constant 32 : index
      %get3A_270 = tpu.vector_load %arg8[%get3A_268, %get3A_269] {strides = array<i32>} : memref<2x64xi32, #tpu.memory_space<vmem>>, vector<16xi32>,
      %swap3A_271 = arith.constant 32 : index
      %swap3A_272 = tpu.vector_load %arg11[%swap3A_271] {strides = array<i32>} : memref<64xi32, #tpu.memory_space<vmem>>, vector<16xi32>,
      tpu.vector_store %arg11[%swap3A_271], %get3A_270 {strides = array<i32>} : memref<64xi32, #tpu.memory_space<vmem>>, vector<16xi32>,
      %get3A_273 = arith.constant 1 : i32
      %get3A_274 = arith.index_cast %get3A_273 : i32 to index
      %get3A_275 = arith.constant 48 : index
      %get3A_276 = tpu.vector_load %arg8[%get3A_274, %get3A_275] {strides = array<i32>} : memref<2x64xi32, #tpu.memory_space<vmem>>, vector<16xi32>,
      %swap3A_277 = arith.constant 48 : index
      %swap3A_278 = tpu.vector_load %arg11[%swap3A_277] {strides = array<i32>} : memref<64xi32, #tpu.memory_space<vmem>>, vector<16xi32>,
      tpu.vector_store %arg11[%swap3A_277], %get3A_276 {strides = array<i32>} : memref<64xi32, #tpu.memory_space<vmem>>, vector<16xi32>,
      %parallel_loop3A_279 = arith.constant 0 : i32
      %parallel_loop3A_280 = arith.constant 64 : i32
      %parallel_loop3A_281 = arith.constant 1 : i32
      scf.for %parallel_loop3A_285 = %parallel_loop3A_279 to %parallel_loop3A_280 step %parallel_loop3A_281  : i32 {
        %parallel_loop3A_286 = arith.index_cast %parallel_loop3A_285 : i32 to index
        %parallel_loop3A_287 = arith.constant 128 : index
        %parallel_loop3A_288 = tpu.vector_load %arg14[%parallel_loop3A_286, %parallel_loop3A_287] {strides = array<i32>} : memref<64x144xf32, #tpu.memory_space<vmem>>, vector<16xf32>,
        %parallel_loop3A_289 = arith.index_cast %parallel_loop3A_285 : i32 to index
        %parallel_loop3A_290 = arith.constant 0 : index
        %parallel_loop3A_291 = tpu.vector_load %arg17[%parallel_loop3A_289, %parallel_loop3A_290] {strides = array<i32>} : memref<64x16xf32, #tpu.memory_space<vmem>>, vector<16xf32>,
        %parallel_loop3A_292 = arith.addf %parallel_loop3A_288, %parallel_loop3A_291 : vector<16xf32>
        %parallel_loop3A_293 = arith.constant 0.000000e+00 : f32
        %parallel_loop3A_294 = vector.broadcast %parallel_loop3A_293 : f32 to vector<16xf32>
        %parallel_loop3A_295 = arith.cmpf oge, %parallel_loop3A_292, %parallel_loop3A_294 : vector<16xf32>
        %parallel_loop3A_296 = arith.constant 2.000000e-01 : f32
        %parallel_loop3A_297 = vector.broadcast %parallel_loop3A_296 : f32 to vector<16xf32>
        %parallel_loop3A_298 = arith.mulf %parallel_loop3A_297, %parallel_loop3A_292 : vector<16xf32>
        %parallel_loop3A_299 = arith.select %parallel_loop3A_295, %parallel_loop3A_292, %parallel_loop3A_298 : vector<16xi1>, vector<16xf32>
        %parallel_loop3A_300 = math.exp %parallel_loop3A_299 : vector<16xf32>
        %parallel_loop3A_301 = arith.index_cast %parallel_loop3A_285 : i32 to index
        %parallel_loop3A_302 = arith.constant 0 : index
        %parallel_loop3A_303 = tpu.vector_load %arg14[%parallel_loop3A_301, %parallel_loop3A_302] {strides = array<i32>} : memref<64x144xf32, #tpu.memory_space<vmem>>, vector<16xf32>,
        %parallel_loop3A_304 = arith.mulf %parallel_loop3A_303, %parallel_loop3A_300 : vector<16xf32>
        %parallel_loop3A_305 = arith.index_cast %parallel_loop3A_285 : i32 to index
        %parallel_loop3A_306 = arith.constant 0 : index
        %parallel_loop3A_307 = tpu.vector_load %arg14[%parallel_loop3A_305, %parallel_loop3A_306] {strides = array<i32>} : memref<64x144xf32, #tpu.memory_space<vmem>>, vector<16xf32>,
        tpu.vector_store %arg14[%parallel_loop3A_305, %parallel_loop3A_306], %parallel_loop3A_304 {strides = array<i32>} : memref<64x144xf32, #tpu.memory_space<vmem>>, vector<16xf32>,
        %parallel_loop3A_308 = arith.index_cast %parallel_loop3A_285 : i32 to index
        %parallel_loop3A_309 = arith.constant 16 : index
        %parallel_loop3A_310 = tpu.vector_load %arg14[%parallel_loop3A_308, %parallel_loop3A_309] {strides = array<i32>} : memref<64x144xf32, #tpu.memory_space<vmem>>, vector<16xf32>,
        %parallel_loop3A_311 = arith.mulf %parallel_loop3A_310, %parallel_loop3A_300 : vector<16xf32>
        %parallel_loop3A_312 = arith.index_cast %parallel_loop3A_285 : i32 to index
        %parallel_loop3A_313 = arith.constant 16 : index
        %parallel_loop3A_314 = tpu.vector_load %arg14[%parallel_loop3A_312, %parallel_loop3A_313] {strides = array<i32>} : memref<64x144xf32, #tpu.memory_space<vmem>>, vector<16xf32>,
        tpu.vector_store %arg14[%parallel_loop3A_312, %parallel_loop3A_313], %parallel_loop3A_311 {strides = array<i32>} : memref<64x144xf32, #tpu.memory_space<vmem>>, vector<16xf32>,
        %parallel_loop3A_315 = arith.index_cast %parallel_loop3A_285 : i32 to index
        %parallel_loop3A_316 = arith.constant 32 : index
        %parallel_loop3A_317 = tpu.vector_load %arg14[%parallel_loop3A_315, %parallel_loop3A_316] {strides = array<i32>} : memref<64x144xf32, #tpu.memory_space<vmem>>, vector<16xf32>,
        %parallel_loop3A_318 = arith.mulf %parallel_loop3A_317, %parallel_loop3A_300 : vector<16xf32>
        %parallel_loop3A_319 = arith.index_cast %parallel_loop3A_285 : i32 to index
        %parallel_loop3A_320 = arith.constant 32 : index
        %parallel_loop3A_321 = tpu.vector_load %arg14[%parallel_loop3A_319, %parallel_loop3A_320] {strides = array<i32>} : memref<64x144xf32, #tpu.memory_space<vmem>>, vector<16xf32>,
        tpu.vector_store %arg14[%parallel_loop3A_319, %parallel_loop3A_320], %parallel_loop3A_318 {strides = array<i32>} : memref<64x144xf32, #tpu.memory_space<vmem>>, vector<16xf32>,
        %parallel_loop3A_322 = arith.index_cast %parallel_loop3A_285 : i32 to index
        %parallel_loop3A_323 = arith.constant 48 : index
        %parallel_loop3A_324 = tpu.vector_load %arg14[%parallel_loop3A_322, %parallel_loop3A_323] {strides = array<i32>} : memref<64x144xf32, #tpu.memory_space<vmem>>, vector<16xf32>,
        %parallel_loop3A_325 = arith.mulf %parallel_loop3A_324, %parallel_loop3A_300 : vector<16xf32>
        %parallel_loop3A_326 = arith.index_cast %parallel_loop3A_285 : i32 to index
        %parallel_loop3A_327 = arith.constant 48 : index
        %parallel_loop3A_328 = tpu.vector_load %arg14[%parallel_loop3A_326, %parallel_loop3A_327] {strides = array<i32>} : memref<64x144xf32, #tpu.memory_space<vmem>>, vector<16xf32>,
        tpu.vector_store %arg14[%parallel_loop3A_326, %parallel_loop3A_327], %parallel_loop3A_325 {strides = array<i32>} : memref<64x144xf32, #tpu.memory_space<vmem>>, vector<16xf32>,
        %parallel_loop3A_329 = arith.index_cast %parallel_loop3A_285 : i32 to index
        %parallel_loop3A_330 = arith.constant 64 : index
        %parallel_loop3A_331 = tpu.vector_load %arg14[%parallel_loop3A_329, %parallel_loop3A_330] {strides = array<i32>} : memref<64x144xf32, #tpu.memory_space<vmem>>, vector<16xf32>,
        %parallel_loop3A_332 = arith.mulf %parallel_loop3A_331, %parallel_loop3A_300 : vector<16xf32>
        %parallel_loop3A_333 = arith.index_cast %parallel_loop3A_285 : i32 to index
        %parallel_loop3A_334 = arith.constant 64 : index
        %parallel_loop3A_335 = tpu.vector_load %arg14[%parallel_loop3A_333, %parallel_loop3A_334] {strides = array<i32>} : memref<64x144xf32, #tpu.memory_space<vmem>>, vector<16xf32>,
        tpu.vector_store %arg14[%parallel_loop3A_333, %parallel_loop3A_334], %parallel_loop3A_332 {strides = array<i32>} : memref<64x144xf32, #tpu.memory_space<vmem>>, vector<16xf32>,
        %parallel_loop3A_336 = arith.index_cast %parallel_loop3A_285 : i32 to index
        %parallel_loop3A_337 = arith.constant 80 : index
        %parallel_loop3A_338 = tpu.vector_load %arg14[%parallel_loop3A_336, %parallel_loop3A_337] {strides = array<i32>} : memref<64x144xf32, #tpu.memory_space<vmem>>, vector<16xf32>,
        %parallel_loop3A_339 = arith.mulf %parallel_loop3A_338, %parallel_loop3A_300 : vector<16xf32>
        %parallel_loop3A_340 = arith.index_cast %parallel_loop3A_285 : i32 to index
        %parallel_loop3A_341 = arith.constant 80 : index
        %parallel_loop3A_342 = tpu.vector_load %arg14[%parallel_loop3A_340, %parallel_loop3A_341] {strides = array<i32>} : memref<64x144xf32, #tpu.memory_space<vmem>>, vector<16xf32>,
        tpu.vector_store %arg14[%parallel_loop3A_340, %parallel_loop3A_341], %parallel_loop3A_339 {strides = array<i32>} : memref<64x144xf32, #tpu.memory_space<vmem>>, vector<16xf32>,
        %parallel_loop3A_343 = arith.index_cast %parallel_loop3A_285 : i32 to index
        %parallel_loop3A_344 = arith.constant 96 : index
        %parallel_loop3A_345 = tpu.vector_load %arg14[%parallel_loop3A_343, %parallel_loop3A_344] {strides = array<i32>} : memref<64x144xf32, #tpu.memory_space<vmem>>, vector<16xf32>,
        %parallel_loop3A_346 = arith.mulf %parallel_loop3A_345, %parallel_loop3A_300 : vector<16xf32>
        %parallel_loop3A_347 = arith.index_cast %parallel_loop3A_285 : i32 to index
        %parallel_loop3A_348 = arith.constant 96 : index
        %parallel_loop3A_349 = tpu.vector_load %arg14[%parallel_loop3A_347, %parallel_loop3A_348] {strides = array<i32>} : memref<64x144xf32, #tpu.memory_space<vmem>>, vector<16xf32>,
        tpu.vector_store %arg14[%parallel_loop3A_347, %parallel_loop3A_348], %parallel_loop3A_346 {strides = array<i32>} : memref<64x144xf32, #tpu.memory_space<vmem>>, vector<16xf32>,
        %parallel_loop3A_350 = arith.index_cast %parallel_loop3A_285 : i32 to index
        %parallel_loop3A_351 = arith.constant 112 : index
        %parallel_loop3A_352 = tpu.vector_load %arg14[%parallel_loop3A_350, %parallel_loop3A_351] {strides = array<i32>} : memref<64x144xf32, #tpu.memory_space<vmem>>, vector<16xf32>,
        %parallel_loop3A_353 = arith.mulf %parallel_loop3A_352, %parallel_loop3A_300 : vector<16xf32>
        %parallel_loop3A_354 = arith.index_cast %parallel_loop3A_285 : i32 to index
        %parallel_loop3A_355 = arith.constant 112 : index
        %parallel_loop3A_356 = tpu.vector_load %arg14[%parallel_loop3A_354, %parallel_loop3A_355] {strides = array<i32>} : memref<64x144xf32, #tpu.memory_space<vmem>>, vector<16xf32>,
        tpu.vector_store %arg14[%parallel_loop3A_354, %parallel_loop3A_355], %parallel_loop3A_353 {strides = array<i32>} : memref<64x144xf32, #tpu.memory_space<vmem>>, vector<16xf32>,
        %parallel_loop3A_357 = tpu.iota {dimensions = array<i32: 0>} : vector<16xi32>
        %parallel_loop3A_358 = arith.constant 0 : i32
        %parallel_loop3A_359 = vector.broadcast %parallel_loop3A_358 : i32 to vector<16xi32>
        %parallel_loop3A_360 = arith.cmpi eq, %parallel_loop3A_357, %parallel_loop3A_359 : vector<16xi32>
        %parallel_loop3A_361 = arith.constant 0.000000e+00 : f32
        %parallel_loop3A_362 = vector.broadcast %parallel_loop3A_361 : f32 to vector<16xf32>
        %parallel_loop3A_363 = arith.select %parallel_loop3A_360, %parallel_loop3A_300, %parallel_loop3A_362 : vector<16xi1>, vector<16xf32>
        %parallel_loop3A_364 = arith.index_cast %parallel_loop3A_285 : i32 to index
        %parallel_loop3A_365 = arith.constant 128 : index
        %parallel_loop3A_366 = tpu.vector_load %arg14[%parallel_loop3A_364, %parallel_loop3A_365] {strides = array<i32>} : memref<64x144xf32, #tpu.memory_space<vmem>>, vector<16xf32>,
        tpu.vector_store %arg14[%parallel_loop3A_364, %parallel_loop3A_365], %parallel_loop3A_363 {strides = array<i32>} : memref<64x144xf32, #tpu.memory_space<vmem>>, vector<16xf32>,
      } {sc.loop_unroll_factor = 8 : i64, sc.parallel_access}
      %dma_start3A_282 = arith.constant 0 : i32
      %dma_start3A_283 = arith.constant 0 : i32
      %dma_start3A_284 = tpu.memref_slice %arg18[%dma_start3A_282, %dma_start3A_283] : memref<10000x144xf32, #tpu.memory_space<vmem_shared>> -> memref<10000x144xf32, #tpu.memory_space<vmem_shared>>
      tpu.enqueue_indirect_dma source(%arg14 : memref<64x144xf32, #tpu.memory_space<vmem>>) target(%dma_start3A_284 : memref<10000x144xf32, #tpu.memory_space<vmem_shared>>) offsets(%arg11 : memref<64xi32, #tpu.memory_space<vmem>>) semaphore(%arg27 : memref<!tpu.dma_semaphore, #tpu.memory_space<semaphore_mem>>) {add = true}
    }
    %scan3A_48 = arith.constant 54 : i32
    %dma_wait3A = arith.constant 0 : i32
    %dma_wait3A_49 = arith.constant 0 : i32
    %dma_wait3A_50 = tpu.memref_slice %arg18[%dma_wait3A, %dma_wait3A_49] : memref<10000x144xf32, #tpu.memory_space<vmem_shared>> -> memref<10000x144xf32, #tpu.memory_space<vmem_shared>>
    tpu.wait_indirect_dma semaphore(%arg26 : memref<!tpu.dma_semaphore, #tpu.memory_space<semaphore_mem>>) src(%arg13 : memref<64x144xf32, #tpu.memory_space<vmem>>) dst(%dma_wait3A_50 : memref<10000x144xf32, #tpu.memory_space<vmem_shared>>)
    %dma_wait3A_51 = arith.constant 0 : i32
    %dma_wait3A_52 = arith.constant 0 : i32
    %dma_wait3A_53 = tpu.memref_slice %arg18[%dma_wait3A_51, %dma_wait3A_52] : memref<10000x144xf32, #tpu.memory_space<vmem_shared>> -> memref<10000x144xf32, #tpu.memory_space<vmem_shared>>
    tpu.wait_indirect_dma semaphore(%arg27 : memref<!tpu.dma_semaphore, #tpu.memory_space<semaphore_mem>>) src(%arg14 : memref<64x144xf32, #tpu.memory_space<vmem>>) dst(%dma_wait3A_53 : memref<10000x144xf32, #tpu.memory_space<vmem_shared>>)
    %barrier3A_54 = arith.constant 0 : index
    tpu.barrier barrier_id(%barrier3A_54)
    "tpu.region"() ({
      %run_scoped3A_55 = tpu.sem_alloc : memref<!tpu.dma_semaphore, #tpu.memory_space<semaphore_mem>>
      %dma_start3A_56 = arith.constant 0 : i32
      %dma_start3A_57 = tpu.memref_slice %arg5[%arg0, %mul3A_2, %dma_start3A_56] : memref<2x10000x144xf32, #tpu.memory_space<hbm>> -> memref<1x625x144xf32, #tpu.memory_space<hbm>>
      %dma_start3A_58 = tpu.memref_squeeze %dma_start3A_57 : memref<1x625x144xf32, #tpu.memory_space<hbm>> -> memref<625x144xf32, #tpu.memory_space<hbm>>
      %dma_start3A_59 = arith.constant 0 : i32
      %dma_start3A_60 = tpu.memref_slice %arg18[%mul3A_2, %dma_start3A_59] : memref<10000x144xf32, #tpu.memory_space<vmem_shared>> -> memref<625x144xf32, #tpu.memory_space<vmem_shared>>
      tpu.enqueue_dma source(%dma_start3A_60 : memref<625x144xf32, #tpu.memory_space<vmem_shared>>) target(%dma_start3A_58 : memref<625x144xf32, #tpu.memory_space<hbm>>) target_semaphore(%run_scoped3A_55 : memref<!tpu.dma_semaphore, #tpu.memory_space<semaphore_mem>>)
      %dma_wait3A_61 = arith.constant 0 : i32
      %dma_wait3A_62 = tpu.memref_slice %arg5[%arg0, %mul3A_2, %dma_wait3A_61] : memref<2x10000x144xf32, #tpu.memory_space<hbm>> -> memref<1x625x144xf32, #tpu.memory_space<hbm>>
      %dma_wait3A_63 = tpu.memref_squeeze %dma_wait3A_62 : memref<1x625x144xf32, #tpu.memory_space<hbm>> -> memref<625x144xf32, #tpu.memory_space<hbm>>
      %dma_wait3A_64 = arith.constant 0 : i32
      %dma_wait3A_65 = tpu.memref_slice %arg18[%mul3A_2, %dma_wait3A_64] : memref<10000x144xf32, #tpu.memory_space<vmem_shared>> -> memref<625x144xf32, #tpu.memory_space<vmem_shared>>
      tpu.wait_dma2 semaphore(%run_scoped3A_55 : memref<!tpu.dma_semaphore, #tpu.memory_space<semaphore_mem>>) src(%dma_wait3A_65 : memref<625x144xf32, #tpu.memory_space<vmem_shared>>) dst(%dma_wait3A_63 : memref<625x144xf32, #tpu.memory_space<hbm>>)
      tpu.yield
    }) : () -> ()
    return
  }
}

module attributes {stable_mosaic.version = 14 : i64} {
  func.func @_prep_body(%arg0: memref<10000x128xf32, #tpu.memory_space<vmem>>, %arg1: memref<128x128xf32, #tpu.memory_space<vmem>>, %arg2: memref<1x128xf32, #tpu.memory_space<vmem>>, %arg3: memref<1x128xf32, #tpu.memory_space<vmem>>, %arg4: memref<10008x144xf32, #tpu.memory_space<vmem>>, %arg5: memref<10000x16xf32, #tpu.memory_space<vmem>>) attributes {dimension_semantics = [], scalar_prefetch = 0 : i64, scratch_operands = 0 : i64, tpu.core_type = #tpu.core_type<tc>} {
    %get3A = arith.constant 0 : index
    %get3A_0 = arith.constant 0 : index
    %get3A_1 = vector.load %arg0[%get3A, %get3A_0] : memref<10000x128xf32, #tpu.memory_space<vmem>>, vector<10000x128xf32>
    %get3A_2 = arith.constant 0 : index
    %get3A_3 = arith.constant 0 : index
    %get3A_4 = vector.load %arg1[%get3A_2, %get3A_3] : memref<128x128xf32, #tpu.memory_space<vmem>>, vector<128x128xf32>
    %dot_general3A = arith.constant dense<0.000000e+00> : vector<10000x128xf32>
    %dot_general3A_5 = tpu.matmul %get3A_1, %get3A_4, %dot_general3A {dimension_numbers = #tpu.dot_dimension_numbers<[1], [0], [0], [1], [0, 0, 1, 1], [], []>, precision = #tpu.contract_precision<fp32>, transpose_lhs_hint = false} : vector<10000x128xf32>, vector<128x128xf32>, vector<10000x128xf32> -> vector<10000x128xf32>
    %get3A_6 = arith.constant 0 : index
    %get3A_7 = arith.constant 0 : index
    %get3A_8 = vector.load %arg2[%get3A_6, %get3A_7] : memref<1x128xf32, #tpu.memory_space<vmem>>, vector<1x128xf32>
    %mul3A = vector.broadcast %get3A_8 : vector<1x128xf32> to vector<10000x128xf32>
    %mul3A_9 = arith.mulf %dot_general3A_5, %mul3A : vector<10000x128xf32>
    %reduce_sum3A = arith.constant dense<0.000000e+00> : vector<10000xf32>
    %reduce_sum3A_10 = vector.multi_reduction <add>, %mul3A_9, %reduce_sum3A [1] : vector<10000x128xf32> to vector<10000xf32>
    %get3A_11 = arith.constant 0 : index
    %get3A_12 = arith.constant 0 : index
    %get3A_13 = vector.load %arg3[%get3A_11, %get3A_12] : memref<1x128xf32, #tpu.memory_space<vmem>>, vector<1x128xf32>
    %mul3A_14 = vector.broadcast %get3A_13 : vector<1x128xf32> to vector<10000x128xf32>
    %mul3A_15 = arith.mulf %dot_general3A_5, %mul3A_14 : vector<10000x128xf32>
    %reduce_sum3A_16 = arith.constant dense<0.000000e+00> : vector<10000xf32>
    %reduce_sum3A_17 = vector.multi_reduction <add>, %mul3A_15, %reduce_sum3A_16 [1] : vector<10000x128xf32> to vector<10000xf32>
    %broadcast_in_dim3A = vector.shape_cast %reduce_sum3A_10 : vector<10000xf32> to vector<10000x1xf32>
    %broadcast_in_dim3A_18 = vector.shape_cast %broadcast_in_dim3A : vector<10000x1xf32> to vector<10000x1xf32>
    %broadcast_in_dim3A_19 = vector.broadcast %broadcast_in_dim3A_18 : vector<10000x1xf32> to vector<10000x16xf32>
    %concatenate3A = tpu.concatenate %dot_general3A_5, %broadcast_in_dim3A_19 in 1 : vector<10000x128xf32>, vector<10000x16xf32> -> vector<10000x144xf32>
    %broadcast_in_dim3A_20 = arith.constant 0.000000e+00 : f32
    %broadcast_in_dim3A_21 = vector.broadcast %broadcast_in_dim3A_20 : f32 to vector<8x128xf32>
    %broadcast_in_dim3A_22 = arith.constant -1.000000e+30 : f32
    %broadcast_in_dim3A_23 = vector.broadcast %broadcast_in_dim3A_22 : f32 to vector<8x16xf32>
    %concatenate3A_24 = tpu.concatenate %broadcast_in_dim3A_21, %broadcast_in_dim3A_23 in 1 : vector<8x128xf32>, vector<8x16xf32> -> vector<8x144xf32>
    %concatenate3A_25 = tpu.concatenate %concatenate3A, %concatenate3A_24 in 0 : vector<10000x144xf32>, vector<8x144xf32> -> vector<10008x144xf32>
    %swap3A = arith.constant 0 : index
    %swap3A_26 = arith.constant 0 : index
    %swap3A_27 = vector.load %arg4[%swap3A, %swap3A_26] : memref<10008x144xf32, #tpu.memory_space<vmem>>, vector<10008x144xf32>
    tpu.vector_store %arg4[%swap3A, %swap3A_26], %concatenate3A_25 {strides = array<i32>} : memref<10008x144xf32, #tpu.memory_space<vmem>>, vector<10008x144xf32>,
    %broadcast_in_dim3A_28 = vector.shape_cast %reduce_sum3A_17 : vector<10000xf32> to vector<10000x1xf32>
    %broadcast_in_dim3A_29 = vector.shape_cast %broadcast_in_dim3A_28 : vector<10000x1xf32> to vector<10000x1xf32>
    %broadcast_in_dim3A_30 = vector.broadcast %broadcast_in_dim3A_29 : vector<10000x1xf32> to vector<10000x16xf32>
    %swap3A_31 = arith.constant 0 : index
    %swap3A_32 = arith.constant 0 : index
    %swap3A_33 = vector.load %arg5[%swap3A_31, %swap3A_32] : memref<10000x16xf32, #tpu.memory_space<vmem>>, vector<10000x16xf32>
    tpu.vector_store %arg5[%swap3A_31, %swap3A_32], %broadcast_in_dim3A_30 {strides = array<i32>} : memref<10000x16xf32, #tpu.memory_space<vmem>>, vector<10000x16xf32>,
    return
  }
}

module attributes {stable_mosaic.version = 14 : i64} {
  func.func @_finish_body(%arg0: i32, %arg1: memref<2x1000x144xf32, #tpu.memory_space<vmem>>, %arg2: memref<1x128xf32, #tpu.memory_space<vmem>>, %arg3: memref<1000x128xf32, #tpu.memory_space<vmem>>) attributes {dimension_semantics = [#tpu.dimension_semantics<arbitrary>], iteration_bounds = array<i64: 10>, scalar_prefetch = 0 : i64, scratch_operands = 0 : i64, tpu.core_type = #tpu.core_type<tc>, window_params = [{transform_indices = @transform_0, window_bounds = array<i64: 2, 1000, 144>}, {pipeline_mode = #tpu.pipeline_mode<synchronous>, transform_indices = @transform_1, window_bounds = array<i64: 1, 128>}, {transform_indices = @transform_2, window_bounds = array<i64: 1000, 128>}]} {
    %get3A = arith.constant 0 : index
    %get3A_0 = arith.constant 0 : index
    %get3A_1 = arith.constant 0 : index
    %get3A_2 = vector.load %arg1[%get3A, %get3A_0, %get3A_1] : memref<2x1000x144xf32, #tpu.memory_space<vmem>>, vector<1x1000x128xf32>
    %get3A_3 = vector.shape_cast %get3A_2 : vector<1x1000x128xf32> to vector<1000x128xf32>
    %get3A_4 = arith.constant 1 : index
    %get3A_5 = arith.constant 0 : index
    %get3A_6 = arith.constant 0 : index
    %get3A_7 = vector.load %arg1[%get3A_4, %get3A_5, %get3A_6] : memref<2x1000x144xf32, #tpu.memory_space<vmem>>, vector<1x1000x128xf32>
    %get3A_8 = vector.shape_cast %get3A_7 : vector<1x1000x128xf32> to vector<1000x128xf32>
    %add3A = arith.addf %get3A_3, %get3A_8 : vector<1000x128xf32>
    %get3A_9 = arith.constant 0 : index
    %get3A_10 = arith.constant 0 : index
    %get3A_11 = arith.constant 128 : index
    %get3A_12 = vector.load %arg1[%get3A_9, %get3A_10, %get3A_11] : memref<2x1000x144xf32, #tpu.memory_space<vmem>>, vector<1x1000x1xf32>
    %get3A_13 = vector.shape_cast %get3A_12 : vector<1x1000x1xf32> to vector<1000xf32>
    %get3A_14 = arith.constant 1 : index
    %get3A_15 = arith.constant 0 : index
    %get3A_16 = arith.constant 128 : index
    %get3A_17 = vector.load %arg1[%get3A_14, %get3A_15, %get3A_16] : memref<2x1000x144xf32, #tpu.memory_space<vmem>>, vector<1x1000x1xf32>
    %get3A_18 = vector.shape_cast %get3A_17 : vector<1x1000x1xf32> to vector<1000xf32>
    %add3A_19 = arith.addf %get3A_13, %get3A_18 : vector<1000xf32>
    %broadcast_in_dim3A = vector.shape_cast %add3A_19 : vector<1000xf32> to vector<1000x1xf32>
    %div3A = vector.broadcast %broadcast_in_dim3A : vector<1000x1xf32> to vector<1000x128xf32>
    %div3A_20 = arith.divf %add3A, %div3A : vector<1000x128xf32>
    %get3A_21 = arith.constant 0 : index
    %get3A_22 = arith.constant 0 : index
    %get3A_23 = vector.load %arg2[%get3A_21, %get3A_22] : memref<1x128xf32, #tpu.memory_space<vmem>>, vector<1x128xf32>
    %add3A_24 = vector.broadcast %get3A_23 : vector<1x128xf32> to vector<1000x128xf32>
    %add3A_25 = arith.addf %div3A_20, %add3A_24 : vector<1000x128xf32>
    %ge3A = arith.constant 0.000000e+00 : f32
    %ge3A_26 = vector.broadcast %ge3A : f32 to vector<1000x128xf32>
    %ge3A_27 = arith.cmpf oge, %add3A_25, %ge3A_26 : vector<1000x128xf32>
    %mul3A = arith.constant 2.000000e-01 : f32
    %mul3A_28 = vector.broadcast %mul3A : f32 to vector<1000x128xf32>
    %mul3A_29 = arith.mulf %mul3A_28, %add3A_25 : vector<1000x128xf32>
    %select_n3A = arith.select %ge3A_27, %add3A_25, %mul3A_29 : vector<1000x128xi1>, vector<1000x128xf32>
    %swap3A = arith.constant 0 : index
    %swap3A_30 = arith.constant 0 : index
    %swap3A_31 = vector.load %arg3[%swap3A, %swap3A_30] : memref<1000x128xf32, #tpu.memory_space<vmem>>, vector<1000x128xf32>
    tpu.vector_store %arg3[%swap3A, %swap3A_30], %select_n3A {strides = array<i32>} : memref<1000x128xf32, #tpu.memory_space<vmem>>, vector<1000x128xf32>,
    return
  }
  func.func @transform_0(%arg0: i32) -> (i32, i32, i32) {
    %c0_i32 = arith.constant 0 : i32
    %c0_i32_0 = arith.constant 0 : i32
    %c0_i32_1 = arith.constant 0 : i32
    return %c0_i32, %arg0, %c0_i32_0 : i32, i32, i32
  }
  func.func @transform_1(%arg0: i32) -> (i32, i32) {
    %c0_i32 = arith.constant 0 : i32
    %c0_i32_0 = arith.constant 0 : i32
    %c0_i32_1 = arith.constant 0 : i32
    return %c0_i32, %c0_i32_0 : i32, i32
  }
  func.func @transform_2(%arg0: i32) -> (i32, i32) {
    %c0_i32 = arith.constant 0 : i32
    %c0_i32_0 = arith.constant 0 : i32
    return %arg0, %c0_i32 : i32, i32
  }
}

</mosaic_0001>

<sc_bundles>
// kernel: kernel.5.cloned.1.call-start
scs
__scs_entry_jumppad:
0x0: {  	(pc) =	sbr.rel $0x88, $3  }
0x1: {  	(tag) =	ssettag $0x0;
	lr =	simm.s32 $0x1  }
0x2: {  	[smem:$0x3F9B] =	sst lr;
	_ =	strace $0xD0000000  }
0x3: {  	_ = 	snop  }
0x4: {  	_ = 	snop  }
0x5: {  	_ = 	snop  }
0x6: {  	_ = 	snop  }
0x7: {  	_ = 	snop  }
__scs_overlays_trampoline_lowered:
0x8: {  	[smem:$0x3FAA] =	sst s0  }
0x9: {  	[smem:$0x3FAB] =	sst s1  }
0xa: {  	[smem:$0x3FAC] =	sst s2  }
0xb: {  	[smem:$0x3FAD] =	sst s3  }
0xc: {  	[smem:$0x3FAE] =	sst s4  }
0xd: {  	[smem:$0x3FAF] =	sst s5  }
0xe: {  	[smem:$0x3FB0] =	sst s6  }
0xf: {  	[smem:$0x3FB1] =	sst s7  }
0x10: {  	[smem:$0x3FB2] =	sst s8  }
0x11: {  	[smem:$0x3FB3] =	sst s9;
	s0 =	simm.s32 @!p0 $0x0  }
0x12: {  	s1 =	sld [smem:$0x3F99];
	s0 =	simm.s32 @p0 $0x1  }
0x13: {  	[smem:$0x3FB4] =	sst s0;
	s0 =	simm.s32 @!p1 $0x0  }
0x14: {  	s2 =	sld [smem:$0x3F98];
	s0 =	simm.s32 @p1 $0x1  }
0x15: {  	[smem:$0x3FB5] =	sst s0;
	s0 =	simm.s32 @!p2 $0x0  }
0x16: {  	s3 =	sld [smem:$0x3FDB];
	s0 =	simm.s32 @p2 $0x1  }
0x17: {  	s4 =	simm.s32 $0x1BF5;
	[smem:$0x3FB7] =	sst s0  }
0x18: {  	s0 =	sld [smem:$0x3F9A];
	_ =	swait.ge [sflag:s4], $0x0  }
0x19: {  	s7 =	sld [smem:$0x3F9B]  }
0x1a: {  	s8 =	sadd.s32 $0xFFFFE003, lr  }
0x1b: {  	s9 =	sadd.s32 $0xFFFFFEF7, lr;
	s5 =	simm.s32 $0xFFFFFFFF;
	p2 =	slt.u32 s8, $0xFFFFF086  }
0x1c: {  	p1 =	slt.u32 s9, $0xF7A;
	s5 =	simm.s32 @!p2 $0x0  }
0x1d: {  	s5 =	simm.s32 @p1 $0x1;
	p0 =	seq.s32 s7, s2  }
0x1e: {  	s7 =	smul.u32 @!p0 $0xF7A, s2;
	p2 =	seq.s32 @!p0 s5, $0x0  }
0x1f: {  	s9 =	smul.u32 $0xF7A, s1;
	s8 =	simm.s32 @!p0 $0x1BF5;
	p2 =	por !p2, p0  }
0x20: {  	[sflag:s8] =	ssyncset.s32 @!p0 $0xFFFFF086;
	s6 =	sadd.s32 @!p0 s3, s7;
	s7 =	simm.s32 @!p0 $0x108  }
0x21: {  	s3 =	sadd.s32 s3, s9;
	s6 =	sadd.s32 @!p0 $0x88, s6;
	s7 =	simm.s32 @p2 $0x1082  }
0x22: {  	[simem:s7], [sflag:s8] =	dma.local @!p0 [hbm:s6], $0xF7A  }
0x23: {  	s9 =	sor.u32 $0xD0000000, s2;
	s6 =	simm.s32 $0x108;
	_ =	swait.ge @!p0 [sflag:s8], $0x0  }
0x24: {  	s3 =	sadd.s32 $0x88, s3;
	s6 =	simm.s32 @!p1 $0x1082;
	[sflag:s4] =	ssyncset.s32 $0xFFFFF086  }
0x25: {  	[simem:s6], [sflag:s4] =	dma.local [hbm:s3], $0xF7A  }
0x26: {  	[smem:$0x3F9B] =	sst s1;
	(tag) =	ssettag s2;
	_ =	strace s9  }
0x27: {  	s1 =	sld [smem:$0x3FAB]  }
0x28: {  	s2 =	sld [smem:$0x3FAC]  }
0x29: {  	s4 =	sld [smem:$0x3FAE]  }
0x2a: {  	p0 =	seq.s32 s5, $0x0;
	s5 =	sld [smem:$0x3FAF]  }
0x2b: {  	s6 =	sld [smem:$0x3FB0]  }
0x2c: {  	s7 =	sld [smem:$0x3FB1]  }
0x2d: {  	s3 =	simm.s32 $0x108;
	s8 =	sld [smem:$0x3FB2]  }
0x2e: {  	s3 =	simm.s32 @!p0 $0x1082;
	s9 =	sld [smem:$0x3FB3]  }
0x2f: {  	lr =	sadd.s32 s0, s3;
	s0 =	sld [smem:$0x3FAA]  }
0x30: {  	s3 =	sld [smem:$0x3FAD]  }
0x31: {  	[smem:$0x3FB6] =	sst s10  }
0x32: {  	s10 =	sld [smem:$0x3FB4];
	_ =	sdelay $0x3  }
0x33: {  	p0 =	seq.s32 s10, $0x1;
	s10 =	sld [smem:$0x3FB6];
	_ =	sdelay $0x3  }
0x34: {  	[smem:$0x3FB6] =	sst s10  }
0x35: {  	s10 =	sld [smem:$0x3FB5];
	_ =	sdelay $0x3  }
0x36: {  	p1 =	seq.s32 s10, $0x1;
	s10 =	sld [smem:$0x3FB6];
	_ =	sdelay $0x3  }
0x37: {  	[smem:$0x3FB6] =	sst s10  }
0x38: {  	s10 =	sld [smem:$0x3FB7]  }
0x39: {  	_ = 	snop;
	(pc) =	sbr.ind lr, $3  }
0x3a: {  	_ = 	snop  }
0x3b: {  	_ = 	snop  }
0x3c: {  	p2 =	seq.s32 s10, $0x1;
	s10 =	sld [smem:$0x3FB6]  }
0x3d: {  	_ =	shalt  }
0x3e: {  	_ =	shalt  }
0x3f: {  	_ =	shalt  }
0x40: {  	_ =	shalt  }
0x41: {  	_ =	shalt  }
0x42: {  	_ =	shalt  }
0x43: {  	_ =	shalt  }
0x44: {  	_ =	shalt  }
0x45: {  	_ =	shalt  }
0x46: {  	_ =	shalt  }
0x47: {  	_ =	shalt  }
0x48: {  	_ =	shalt  }
0x49: {  	_ =	shalt  }
0x4a: {  	_ =	shalt  }
0x4b: {  	_ =	shalt  }
0x4c: {  	_ =	shalt  }
0x4d: {  	_ =	shalt  }
0x4e: {  	_ =	shalt  }
0x4f: {  	_ =	shalt  }
0x50: {  	_ =	shalt  }
0x51: {  	_ =	shalt  }
0x52: {  	_ =	shalt  }
0x53: {  	_ =	shalt  }
0x54: {  	_ =	shalt  }
0x55: {  	_ =	shalt  }
0x56: {  	_ =	shalt  }
0x57: {  	_ =	shalt  }
0x58: {  	_ =	shalt  }
0x59: {  	_ =	shalt  }
0x5a: {  	_ =	shalt  }
0x5b: {  	_ =	shalt  }
0x5c: {  	_ =	shalt  }
0x5d: {  	_ =	shalt  }
0x5e: {  	_ =	shalt  }
0x5f: {  	_ =	shalt  }
0x60: {  	_ =	shalt  }
0x61: {  	_ =	shalt  }
0x62: {  	_ =	shalt  }
0x63: {  	_ =	shalt  }
0x64: {  	_ =	shalt  }
0x65: {  	_ =	shalt  }
0x66: {  	_ =	shalt  }
0x67: {  	_ =	shalt  }
0x68: {  	_ =	shalt  }
0x69: {  	_ =	shalt  }
0x6a: {  	_ =	shalt  }
0x6b: {  	_ =	shalt  }
0x6c: {  	_ =	shalt  }
0x6d: {  	_ =	shalt  }
0x6e: {  	_ =	shalt  }
0x6f: {  	_ =	shalt  }
0x70: {  	_ =	shalt  }
0x71: {  	_ =	shalt  }
0x72: {  	_ =	shalt  }
0x73: {  	_ =	shalt  }
0x74: {  	_ =	shalt  }
0x75: {  	_ =	shalt  }
0x76: {  	_ =	shalt  }
0x77: {  	_ =	shalt  }
0x78: {  	_ =	shalt  }
0x79: {  	_ =	shalt  }
0x7a: {  	_ =	shalt  }
0x7b: {  	_ =	shalt  }
0x7c: {  	_ =	shalt  }
0x7d: {  	_ =	shalt  }
0x7e: {  	_ =	shalt  }
0x7f: {  	_ =	shalt  }
0x80: {  	_ =	shalt  }
0x81: {  	_ =	shalt  }
0x82: {  	_ =	shalt  }
0x83: {  	_ =	shalt  }
0x84: {  	_ =	shalt  }
0x85: {  	_ =	shalt  }
0x86: {  	_ =	shalt  }
0x87: {  	_ =	shalt  }
.Lfunc_end0:
.L_simem_size_0:
called_computation_lowered:
.L_overlay_start_0:
0x88: {  	s2 =	sld [smem:$0x3FD9]  }
0x89: {  	s3 =	sld [smem:$0x3FFE];
	_ =	sdelay $0x1  }
0x8a: {  	s1 =	srdreg.scid  }
0x8b: {  	s0 =	sand.u32 $0x1, s1  }
0x8c: {  	s17 =	sshll.u32 s0, $0xA;
	s2 =	sadd.s32 s3, s2  }
0x8d: {  	s2 =	sadd.s32 s2, s17  }
0x8e: {  	[smem:$0x3FC2] =	sst s2  }
0x8f: {  	_ = 	snop  }
0x90: {  	s2 =	sld [smem:$0x3FD0];
	(tm) =	ssettm $0x1  }
0x91: {  	s18 =	sld [smem:$0x3FFB];
	_ =	sdelay $0x3  }
0x92: {  	_ =	strace s18  }
0x93: {  	s3 =	sld [smem:$0x3FFC];
	_ =	sdelay $0x3  }
0x94: {  	_ =	strace s3  }
0x95: {  	s3 =	sld [smem:$0x3FFD];
	_ =	sdelay $0x3  }
0x96: {  	_ =	strace s3  }
0x97: {  	_ =	strace $0x8FFFFFFF  }
0x98: {  	s19 =	sld [smem:$0x3FDB];
	_ =	sdelay $0x1  }
0x99: {  	s4 =	simm.s32 $_scs_section_size  }
0x9a: {  	s5 =	simm.s32 $_size__tile_overlayer_lowered;
	s6 =	simm.s32 $_tile_overlayer_lowered  }
0x9b: {  	s22 =	simm.s32 $0x1BFF;
	s21 =	sshll.u32 s6, $0x1;
	s3 =	sadd.s32 s4, s19  }
0x9c: {  	s7 =	simm.s32 $0x0;
	s20 =	sshll.u32 s5, $0x1;
	s5 =	sadd.s32 s21, s3  }
0x9d: {  	[timem:s7], [sflag:s22] =	dma.local [hbm:s5], s20  }
0x9e: {  	_ =	swait.ge [sflag:s22], s20  }
0x9f: {  	s4 =	ssub.s32 $0x0, s20;
	[sflag:s22] =	ssyncset.done $0x0  }
0xa0: {  	[sflag:s22] =	ssyncadd.s32 s4;
	_ =	sdelay $0x1  }
0xa1: {  	s23 =	simm.s32 $0x1B8B  }
0xa2: {  	_ =	swait.ge [sflag:s23], $0x1  }
0xa3: {  	[sflag:s23] =	ssyncset.done $0x0  }
0xa4: {  	s25 =	simm.s32 $0x1B8E;
	s24 =	sld [smem:$0x3FFE];
	[sflag:s23] =	ssyncadd.s32 $0xFFFFFFFF  }
0xa5: {  	s26 =	simm.s32 $execute0_lowered;
	[smem:$0x3FD2] =	sst s25  }
0xa6: {  	s5 =	sshll.u32 s26, $0x1;
	_ =	strace $0x80000046;
	[dreg:$0x1] =	wrdreg $0xFFFFFFFF  }
0xa7: {  	s28 =	simm.s32 $_size_execute0_lowered;
	s3 =	sadd.s32 s3, s5;
	[dreg:$0x0] =	wrdreg $0x0  }
0xa8: {  	s5 =	sshll.u32 s28, $0x1;
	[dreg:$0x2] =	wrdreg s3  }
0xa9: {  	[dreg:$0x3] =	wrdreg s5  }
0xaa: {  	[dreg:$0x4] =	wrdreg $0xC0  }
0xab: {  	_ =	task [dreg:s7], $0x5FFFF  }
0xac: {  	[dreg:$0x1] =	wrdreg $0xFFFFFFFF  }
0xad: {  	[dreg:$0x0] =	wrdreg $0x60  }
0xae: {  	[dreg:$0x2] =	wrdreg s24  }
0xaf: {  	[dreg:$0x3] =	wrdreg s2  }
0xb0: {  	[dreg:$0x4] =	wrdreg $0x7A400  }
0xb1: {  	[dreg:$0x5] =	wrdreg $0x9  }
0xb2: {  	_ =	task.clear_ibuf [dreg:s7], $0x6FFFF;
	_ =	strace $0x90000046  }
0xb3: {  	s29 =	simm.s32 $0x9;
	_ =	strace $0x80000048  }
0xb4: {  	_ =	swait.ge [sflag:s29], $0x1  }
0xb5: {  	[sflag:s29] =	ssyncadd.s32 $0xFFFFFFFF  }
0xb6: {  	_ =	strace $0x90000048  }
0xb7: {  	_ =	sfence  }
0xb8: {  	s30 =	sld [smem:$0x0];
	_ =	sdelay $0x2  }
0xb9: {  	s31 =	sshll.u32 s1, $0xD;
	s1 =	sshrl.u32 s1, $0x2  }
0xba: {  	s3 =	sand.u32 $0x4000, s31;
	s1 =	sadd.s32 s1, s30  }
0xbb: {  	s0 =	sor.u32 s3, s0;
	s1 =	sshll.u32 s1, $0x11  }
0xbc: {  	s0 =	sor.u32 s1, s0  }
0xbd: {  	s0 =	sadd.s32 $0x8F2B, s0  }
0xbe: {  	[sflag:s0] =	ssyncadd.remote.s32 $0x1  }
0xbf: {  	_ =	sfence.sel $0xFFFF  }
0xc0: {  	[dreg:$0x0] =	wrdreg $0xFFFFFFFF;
	(pc) =	sbr.abs _section_cstart, $3  }
0xc1: {  	[dreg:$0x1] =	wrdreg $0xFFFFFFFF  }
0xc2: {  	_ =	task.clear_ibuf [dreg:s7], $0x2FFFF;
	_ =	strace $0x9FFFFFFF  }
0xc3: {  	(tm) =	ssettm $0x7FFFFFFF  }
tec
execute0_lowered:
.L_overlay_start_1:
0x0: {  	(tag) =	ssettag $0x1  }
0x1: {  	s0 =	rddreg [dreg:$0x0]  }
0x2: {  	s2 =	rddreg [dreg:$0x1]  }
0x3: {  	s1 =	srdreg.scid;
	s10 =	stileid.u32  }
0x4: {  	s3 =	rddreg [dreg:$0x2];
	s5 =	simm.s32 $0x0;
	s28 =	simm.s32 $0x51000  }
0x5: {  	s30 =	simm.s32 $0x80;
	s31 =	simm.s32 $0x5;
	s4 =	smul.u32 $0x15F90, s10  }
0x6: {  	s11 =	simm.s32 $0x6;
	s1 =	sand.u32 $0x1, s1;
	s9 =	smul.u32 $0x57E40, s10  }
0x7: {  	[smem:$0x7FF] =	sst s5;
	s5 =	sadd.s32 $0xE00, s0;
	s15 =	smul.u32 $0x2880, s10  }
0x8: {  	s6 =	smul.u32 $0x15F900, s1;
	_ =	strace $0x80000047;
	s8 =	ssub.s32 $0x2, s1  }
0x9: {  	s1 =	smul.u32 $0x28800, s1;
	s12 =	sshrl.u32 s8, $0x1;
	s13 =	sshrl.u32 s9, $0x2  }
0xa: {  	s23 =	sadd.s32 s4, s3;
	s9 =	simm.s32 $0x1;
	s14 =	sadd.s32 s13, s3  }
0xb: {  	s6 =	sadd.s32 s4, s6;
	[dreg:$0x4] =	wrdreg s23;
	s16 =	sadd.s32 $0x2400, s14  }
0xc: {  	s1 =	sadd.s32 s15, s1;
	s17 =	sadd.s32 $0x4800, s14;
	[dreg:$0x5] =	wrdreg s16  }
0xd: {  	s13 =	simm.s32 $0x140;
	s18 =	sadd.s32 $0x6C00, s14;
	[dreg:$0x6] =	wrdreg s17  }
0xe: {  	s15 =	simm.s32 $0x2;
	s19 =	sadd.s32 $0x9000, s14;
	[dreg:$0x7] =	wrdreg s18  }
0xf: {  	s7 =	sshrl.u32 s6, $0x3;
	s20 =	sadd.s32 $0xB400, s14;
	[dreg:$0x8] =	wrdreg s19  }
0x10: {  	s6 =	sadd.s32 $0x2CE00, s0;
	s21 =	sadd.s32 $0xD800, s14;
	[dreg:$0x9] =	wrdreg s20  }
0x11: {  	s22 =	sadd.s32 $0xFC00, s14;
	s24 =	sshrl.u32 s1, $0x3;
	[dreg:$0xa] =	wrdreg s21  }
0x12: {  	s25 =	sadd.s32 $0x12000, s14;
	s4 =	sadd.s32 $0x14400, s14;
	[dreg:$0xb] =	wrdreg s22  }
0x13: {  	s14 =	simm.s32 $0x7640;
	s0 =	sadd.s32 s7, s0;
	[dreg:$0xc] =	wrdreg s25  }
0x14: {  	s7 =	ssub.s32 s8, s12;
	[dreg:$0xd] =	wrdreg s4;
	s26 =	sadd.s32 s2, s24  }
0x15: {  	s19 =	sadd.s32 $0x80, s1;
	s20 =	sadd.s32 $0xC0, s1;
	s21 =	sadd.s32 $0x100, s1  }
0x16: {  	s24 =	simm.s32 $0x240;
	s25 =	simm.s32 $0xA;
	s1 =	simm.s32 $0x2640  }
0x17: {  	s8 =	simm.s32 $0x100;
	s12 =	simm.s32 $0x4A40;
	s16 =	simm.s32 $0x1C0  }
0x18: {  	s18 =	simm.s32 $0x3;
	[dreg:$0xe] =	wrdreg s26;
	s4 =	sadd.s32 $0x8, s26  }
0x19: {  	s22 =	simm.s32 $0x200;
	s0 =	sadd.s32 $0x31E00, s0;
	[dreg:$0xf] =	wrdreg s4  }
0x1a: {  	s17 =	simm.s32 $0x9;
	s29 =	smax.u32 s7, $0x1;
	[dreg:$0x10] =	wrdreg s0  }
0x1b: {  	v0 =	vimm.f32 $0.0e+00;
	vm0 =	vmmov $0x1;
	s26 =	simm.s32 $0x40;
	[dreg:$0x11] =	wrdreg s29;
	s4 =	simm.s32 $0x0  }
.LBB2_1:
0x1c: {  	[dreg:$0x12] =	wrdreg s4;
	s0 =	simm.s32 $0x360  }
0x1d: {  	[tilespmem:s0+$0xFFFFFEE0] =	vst v0  }
0x1e: {  	[tilespmem:s0+$0x110] =	vst v0  }
0x1f: {  	[tilespmem:s0+$0x100] =	vst v0  }
0x20: {  	[tilespmem:s0+$0xF0] =	vst v0  }
0x21: {  	[tilespmem:s0+$0xE0] =	vst v0  }
0x22: {  	[tilespmem:s0+$0xD0] =	vst v0  }
0x23: {  	[tilespmem:s0+$0xC0] =	vst v0  }
0x24: {  	[tilespmem:s0+$0xB0] =	vst v0  }
0x25: {  	[tilespmem:s0+$0xA0] =	vst v0  }
0x26: {  	[tilespmem:s0+$0x90] =	vst v0  }
0x27: {  	[tilespmem:s0+$0x80] =	vst v0  }
0x28: {  	[tilespmem:s0+$0x70] =	vst v0  }
0x29: {  	[tilespmem:s0+$0x60] =	vst v0  }
0x2a: {  	[tilespmem:s0+$0x50] =	vst v0  }
0x2b: {  	[tilespmem:s0+$0x40] =	vst v0  }
0x2c: {  	[tilespmem:s0+$0x30] =	vst v0  }
0x2d: {  	[tilespmem:s0+$0x20] =	vst v0  }
0x2e: {  	[tilespmem:s0+$0x10] =	vst v0  }
0x2f: {  	[tilespmem:s0+$0x0] =	vst v0  }
0x30: {  	[tilespmem:s0+$0xFFFFFFF0] =	vst v0  }
0x31: {  	[tilespmem:s0+$0xFFFFFFE0] =	vst v0  }
0x32: {  	[tilespmem:s0+$0xFFFFFFD0] =	vst v0  }
0x33: {  	[tilespmem:s0+$0xFFFFFFC0] =	vst v0  }
0x34: {  	[tilespmem:s0+$0xFFFFFFB0] =	vst v0  }
0x35: {  	[tilespmem:s0+$0xFFFFFFA0] =	vst v0  }
0x36: {  	[tilespmem:s0+$0xFFFFFF90] =	vst v0  }
0x37: {  	[tilespmem:s0+$0xFFFFFF80] =	vst v0  }
0x38: {  	[tilespmem:s0+$0xFFFFFF70] =	vst v0  }
0x39: {  	[tilespmem:s0+$0xFFFFFF60] =	vst v0  }
0x3a: {  	[tilespmem:s0+$0xFFFFFF50] =	vst v0  }
0x3b: {  	[tilespmem:s0+$0xFFFFFF40] =	vst v0  }
0x3c: {  	[tilespmem:s0+$0xFFFFFF30] =	vst v0  }
0x3d: {  	[tilespmem:s0+$0xFFFFFF20] =	vst v0  }
0x3e: {  	[tilespmem:s0+$0xFFFFFF10] =	vst v0  }
0x3f: {  	s4 =	simm.s32 $0x0;
	[tilespmem:s0+$0xFFFFFF00] =	vst v0  }
.LBB2_2:
0x40: {  	s4 =	sadd.s32 $0x4, s4;
	[tilespmem:s0+$0xFFFFFEF0] =	vst v0;
	s0 =	sadd.s32 $0x240, s0  }
0x41: {  	[tilespmem:s0+$0xFFFFFEE0] =	vst v0;
	p0 =	slt.u32 s4, $0x3C  }
0x42: {  	[tilespmem:s0+$0x110] =	vst v0  }
0x43: {  	[tilespmem:s0+$0x100] =	vst v0  }
0x44: {  	[tilespmem:s0+$0xF0] =	vst v0  }
0x45: {  	[tilespmem:s0+$0xE0] =	vst v0  }
0x46: {  	[tilespmem:s0+$0xD0] =	vst v0  }
0x47: {  	[tilespmem:s0+$0xC0] =	vst v0  }
0x48: {  	[tilespmem:s0+$0xB0] =	vst v0  }
0x49: {  	[tilespmem:s0+$0xA0] =	vst v0  }
0x4a: {  	[tilespmem:s0+$0x90] =	vst v0  }
0x4b: {  	[tilespmem:s0+$0x80] =	vst v0  }
0x4c: {  	[tilespmem:s0+$0x70] =	vst v0  }
0x4d: {  	[tilespmem:s0+$0x60] =	vst v0  }
0x4e: {  	[tilespmem:s0+$0x50] =	vst v0  }
0x4f: {  	[tilespmem:s0+$0x40] =	vst v0  }
0x50: {  	[tilespmem:s0+$0x30] =	vst v0  }
0x51: {  	[tilespmem:s0+$0x20] =	vst v0  }
0x52: {  	[tilespmem:s0+$0x10] =	vst v0  }
0x53: {  	[tilespmem:s0+$0x0] =	vst v0  }
0x54: {  	[tilespmem:s0+$0xFFFFFFF0] =	vst v0  }
0x55: {  	[tilespmem:s0+$0xFFFFFFE0] =	vst v0  }
0x56: {  	[tilespmem:s0+$0xFFFFFFD0] =	vst v0  }
0x57: {  	[tilespmem:s0+$0xFFFFFFC0] =	vst v0  }
0x58: {  	[tilespmem:s0+$0xFFFFFFB0] =	vst v0  }
0x59: {  	[tilespmem:s0+$0xFFFFFFA0] =	vst v0  }
0x5a: {  	[tilespmem:s0+$0xFFFFFF90] =	vst v0  }
0x5b: {  	[tilespmem:s0+$0xFFFFFF80] =	vst v0  }
0x5c: {  	[tilespmem:s0+$0xFFFFFF70] =	vst v0  }
0x5d: {  	[tilespmem:s0+$0xFFFFFF60] =	vst v0  }
0x5e: {  	[tilespmem:s0+$0xFFFFFF50] =	vst v0  }
.Ltmp0:
0x5f: {  	[tilespmem:s0+$0xFFFFFF40] =	vst v0;
	(pc) =	sbr.rel @p0 .LBB2_2-.Ltmp0, $4  }
0x60: {  	[tilespmem:s0+$0xFFFFFF30] =	vst v0  }
0x61: {  	[tilespmem:s0+$0xFFFFFF20] =	vst v0  }
0x62: {  	[tilespmem:s0+$0xFFFFFF10] =	vst v0  }
0x63: {  	[tilespmem:s0+$0xFFFFFF00] =	vst v0  }
0x64: {  	[tilespmem:s0+$0xFFFFFEF0] =	vst v0  }
0x65: {  	[spmem:s23] =	stream.linear.scatter [tilespmem:s24], [sflag:$0xA], $0x2400, $0x38;
	[tilespmem:$0x1D9D0] =	vst v63  }
0x66: {  	_ =	swait.ge [sflag:s25], $0x2400  }
0x67: {  	[sflag:s25] =	ssyncset.done $0x0  }
0x68: {  	s23 =	rddreg [dreg:$0x5];
	[sflag:s25] =	ssyncadd.s32 $0xFFFFDC00  }
0x69: {  	[spmem:s23] =	stream.linear.scatter [tilespmem:s24], [sflag:$0xA], $0x2400, $0x38;
	[tilespmem:$0x1D9D0] =	vst v63  }
0x6a: {  	_ =	swait.ge [sflag:s25], $0x2400  }
0x6b: {  	[sflag:s25] =	ssyncset.done $0x0  }
0x6c: {  	s29 =	rddreg [dreg:$0x6];
	[sflag:s25] =	ssyncadd.s32 $0xFFFFDC00  }
0x6d: {  	[spmem:s29] =	stream.linear.scatter [tilespmem:s24], [sflag:$0xA], $0x2400, $0x38;
	[tilespmem:$0x1D9D0] =	vst v63  }
0x6e: {  	_ =	swait.ge [sflag:s25], $0x2400  }
0x6f: {  	[sflag:s25] =	ssyncset.done $0x0  }
0x70: {  	s4 =	rddreg [dreg:$0x7];
	[sflag:s25] =	ssyncadd.s32 $0xFFFFDC00  }
0x71: {  	[spmem:s4] =	stream.linear.scatter [tilespmem:s24], [sflag:$0xA], $0x2400, $0x38;
	[tilespmem:$0x1D9D0] =	vst v63  }
0x72: {  	_ =	swait.ge [sflag:s25], $0x2400  }
0x73: {  	[sflag:s25] =	ssyncset.done $0x0  }
0x74: {  	s7 =	rddreg [dreg:$0x8];
	[sflag:s25] =	ssyncadd.s32 $0xFFFFDC00  }
0x75: {  	[spmem:s7] =	stream.linear.scatter [tilespmem:s24], [sflag:$0xA], $0x2400, $0x38;
	[tilespmem:$0x1D9D0] =	vst v63  }
0x76: {  	_ =	swait.ge [sflag:s25], $0x2400  }
0x77: {  	[sflag:s25] =	ssyncset.done $0x0  }
0x78: {  	s10 =	rddreg [dreg:$0x9];
	[sflag:s25] =	ssyncadd.s32 $0xFFFFDC00  }
0x79: {  	[spmem:s10] =	stream.linear.scatter [tilespmem:s24], [sflag:$0xA], $0x2400, $0x38;
	[tilespmem:$0x1D9D0] =	vst v63  }
0x7a: {  	_ =	swait.ge [sflag:s25], $0x2400  }
0x7b: {  	[sflag:s25] =	ssyncset.done $0x0  }
0x7c: {  	s23 =	rddreg [dreg:$0xa];
	[sflag:s25] =	ssyncadd.s32 $0xFFFFDC00  }
0x7d: {  	[spmem:s23] =	stream.linear.scatter [tilespmem:s24], [sflag:$0xA], $0x2400, $0x38;
	[tilespmem:$0x1D9D0] =	vst v63  }
0x7e: {  	_ =	swait.ge [sflag:s25], $0x2400  }
0x7f: {  	[sflag:s25] =	ssyncset.done $0x0  }
0x80: {  	s29 =	rddreg [dreg:$0xb];
	[sflag:s25] =	ssyncadd.s32 $0xFFFFDC00  }
0x81: {  	[spmem:s29] =	stream.linear.scatter [tilespmem:s24], [sflag:$0xA], $0x2400, $0x38;
	[tilespmem:$0x1D9D0] =	vst v63  }
0x82: {  	_ =	swait.ge [sflag:s25], $0x2400  }
0x83: {  	[sflag:s25] =	ssyncset.done $0x0  }
0x84: {  	s4 =	rddreg [dreg:$0xc];
	[sflag:s25] =	ssyncadd.s32 $0xFFFFDC00  }
0x85: {  	[spmem:s4] =	stream.linear.scatter [tilespmem:s24], [sflag:$0xA], $0x2400, $0x38;
	[tilespmem:$0x1D9D0] =	vst v63  }
0x86: {  	_ =	swait.ge [sflag:s25], $0x2400  }
0x87: {  	[sflag:s25] =	ssyncset.done $0x0  }
0x88: {  	s7 =	rddreg [dreg:$0xd];
	[sflag:s25] =	ssyncadd.s32 $0xFFFFDC00  }
0x89: {  	[spmem:s7] =	stream.linear.scatter [tilespmem:s24], [sflag:$0xA], $0x1B90, $0x38;
	[tilespmem:$0x1D9D0] =	vst v63  }
0x8a: {  	_ =	swait.ge [sflag:s25], $0x1B90  }
0x8b: {  	[sflag:s25] =	ssyncset.done $0x0  }
0x8c: {  	[sflag:s25] =	ssyncadd.s32 $0xFFFFE470  }
0x8d: {  	[bflag:$0x0] =	sbarrier.arrive $0xFFFF  }
0x8e: {  	s7 =	simm.s32 $0x0;
	s10 =	rddreg [dreg:$0xe]  }
0x8f: {  	[tilespmem:s7], [sflag:$0xA] =	stream.strided.gather [hbm4b:s10+s26], $0x80, s28, s26, $0x38;
	[tilespmem:$0x1D9D0] =	vst v63  }
0x90: {  	_ =	swait.ge [sflag:s25], $0x80  }
0x91: {  	[sflag:s25] =	ssyncset.done $0x0  }
0x92: {  	[sflag:s25] =	ssyncadd.s32 $0xFFFFFF80  }
0x93: {  	[tilespmem:s24], [sflag:$0x1] =	stream.indirect.gather [hbm4b:s5+s26], $0x90, s7, s26, $0xb8;
	[tilespmem:$0x1D9D0] =	vst v63  }
0x94: {  	s23 =	simm.s32 $0x6E40  }
0x95: {  	[tilespmem:s23], [sflag:$0x1] =	stream.indirect.gather [hbm4b:s6+s26], $0x10, s26, s26, $0xb8;
	[tilespmem:$0x1D9D0] =	vst v63  }
0x96: {  	s29 =	rddreg [dreg:$0xf]  }
0x97: {  	[tilespmem:s30], [sflag:$0x5] =	stream.strided.gather [hbm4b:s29+s26], $0x80, s28, s26, $0x38;
	[tilespmem:$0x1D9D0] =	vst v63  }
.LBB2_4:
0x98: {  	_ =	swait.ge [sflag:s31], $0x80  }
0x99: {  	p0 =	seq.s32 s7, $0x0;
	[sflag:s31] =	ssyncset.done $0x0  }
0x9a: {  	s0 =	simm.s32 @!p0 $0x8;
	[sflag:s31] =	ssyncadd.s32 $0xFFFFFF80  }
0x9b: {  	_ =	swait.ge @!p0 [sflag:s0], $0x2400  }
0x9c: {  	[sflag:s0] =	ssyncset.done @!p0 $0x0  }
0x9d: {  	[sflag:s0] =	ssyncadd.s32 @!p0 $0xFFFFDC00  }
0x9e: {  	[tilespmem:s1], [sflag:$0x2] =	stream.indirect.gather [hbm4b:s5+s26], $0x90, s30, s26, $0xb8;
	[tilespmem:$0x1D9D0] =	vst v63  }
0x9f: {  	s23 =	smul.u32 $0xC0, s7;
	s10 =	simm.s32 $0xC0;
	s4 =	simm.s32 $0x7240  }
0xa0: {  	[tilespmem:s4], [sflag:$0x2] =	stream.indirect.gather [hbm4b:s6+s26], $0x10, s10, s26, $0xb8;
	[tilespmem:$0x1D9D0] =	vst v63  }
0xa1: {  	s10 =	sadd.s32 s23, s19  }
0xa2: {  	s0 =	sshrl.u32 s10, $0x3  }
0xa3: {  	s0 =	sadd.s32 s2, s0  }
0xa4: {  	[tilespmem:s8], [sflag:$0x6] =	stream.strided.gather [hbm4b:s0+s26], $0x80, s28, s26, $0x38;
	[tilespmem:$0x1D9D0] =	vst v63  }
0xa5: {  	_ =	swait.ge [sflag:s9], $0x2400  }
0xa6: {  	[sflag:s9] =	ssyncset.done $0x0  }
0xa7: {  	[sflag:s9] =	ssyncadd.s32 $0xFFFFDC00  }
0xa8: {  	_ =	swait.ge [sflag:s9], $0x400  }
0xa9: {  	[sflag:s9] =	ssyncset.done $0x0  }
0xaa: {  	[sflag:s9] =	ssyncadd.s32 $0xFFFFFC00  }
0xab: {  	v1 =	vld [tilespmem:$0x40]  }
0xac: {  	v2 =	vld [tilespmem:$0x50]  }
0xad: {  	v3 =	vld [tilespmem:$0x60]  }
0xae: {  	v4 =	vld [tilespmem:$0x70];
	_ =	sdelay $0x1  }
0xaf: {  	[tilespmem:$0x180] =	vst v1  }
0xb0: {  	[tilespmem:$0x190] =	vst v2  }
0xb1: {  	[tilespmem:$0x1A0] =	vst v3  }
0xb2: {  	s4 =	simm.s32 $0x480;
	[tilespmem:$0x1B0] =	vst v4  }
0xb3: {  	s29 =	simm.s32 $0x6E80;
	v1 =	vld [tilespmem:s4+$0x230]  }
0xb4: {  	v2 =	vld [tilespmem:s29+$0x30]  }
0xb5: {  	v3 =	vld [tilespmem:s29+$0xFFFFFFC0]  }
0xb6: {  	v4 =	vld [tilespmem:s4+$0xFFFFFED0]  }
0xb7: {  	v5 =	vld [tilespmem:s29+$0xFFFFFFD0]  }
0xb8: {  	v6 =	vld [tilespmem:s4+$0xFFFFFF60]  }
0xb9: {  	v9 =	vld [tilespmem:s29+$0xFFFFFFE0]  }
0xba: {  	v10 =	vld [tilespmem:s4+$0xFFFFFFF0]  }
0xbb: {  	v11 =	vld [tilespmem:s29+$0xFFFFFFF0]  }
0xbc: {  	v12 =	vld [tilespmem:s4+$0x80]  }
0xbd: {  	v8 =	vld [tilespmem:s4+$0x110];
	v1 =	vadd.f32 v2, v1  }
0xbe: {  	v13 =	vld [tilespmem:s29+$0x10];
	v4 =	vadd.f32 v5, v4  }
0xbf: {  	v14 =	vld [tilespmem:s4+$0xFFFFFE40];
	v2 =	vmul.f32 $2.000000030e-01, v1  }
0xc0: {  	v15 =	vld [tilespmem:s4+$0xFFFFFDC0];
	vm1 =	vge.f32 v1, $0.0e+00;
	v7 =	vmul.f32 $2.000000030e-01, v4  }
0xc1: {  	v16 =	vld [tilespmem:s4+$0xFFFFFE00];
	v1 =	vsel vm1, v1, v2;
	vm1 =	vge.f32 v4, $0.0e+00  }
0xc2: {  	v5 =	vld [tilespmem:s29+$0x0];
	v1 =	vmul.f32 $1.442695020e+00, v1;
	v4 =	vsel vm1, v4, v7  }
0xc3: {  	v17 =	vld [tilespmem:s4+$0xFFFFFE10];
	v4 =	vmul.f32 $1.442695020e+00, v4  }
0xc4: {  	v19 =	vld [tilespmem:s4+$0xFFFFFE90];
	(erf) = vpow2.f32 v1;
	v1 =	vadd.f32 v9, v6  }
0xc5: {  	v20 =	vld [tilespmem:s4+$0xFFFFFE20];
	(erf) = vpow2.f32 v4  }
0xc6: {  	v21 =	vld [tilespmem:s4+$0xFFFFFEB0];
	v4 =	vadd.f32 v11, v10;
	v10 =	vmul.f32 $2.000000030e-01, v1  }
0xc7: {  	v22 =	vld [tilespmem:s4+$0xFFFFFE30];
	v5 =	vadd.f32 v5, v12;
	vm1 =	vge.f32 v1, $0.0e+00  }
0xc8: {  	v23 =	vld [tilespmem:s4+$0xFFFFFEC0];
	v3 =	vadd.f32 v3, v14;
	v12 =	vmul.f32 $2.000000030e-01, v4;
	v1 =	vsel vm1, v1, v10  }
0xc9: {  	v24 =	vld [tilespmem:s4+$0xFFFFFF00];
	vm2 =	vge.f32 v4, $0.0e+00;
	v10 =	vmul.f32 $2.000000030e-01, v5;
	v1 =	vmul.f32 $1.442695020e+00, v1  }
0xca: {  	v6 =	vld [tilespmem:s4+$0x220];
	vm1 =	vge.f32 v5, $0.0e+00;
	v4 =	vsel vm2, v4, v12;
	v12 =	vmul.f32 $2.000000030e-01, v3  }
0xcb: {  	v25 =	vld [tilespmem:s4+$0xFFFFFF10];
	v4 =	vmul.f32 $1.442695020e+00, v4;
	v5 =	vsel vm1, v5, v10;
	vm1 =	vge.f32 v3, $0.0e+00  }
0xcc: {  	v61 =	vld [tilespmem:s4+$0x20];
	v5 =	vmul.f32 $1.442695020e+00, v5;
	v3 =	vsel vm1, v3, v12;
	(erf) = vpow2.f32 v1  }
0xcd: {  	v10 =	vld [tilespmem:s4+$0xFFFFFE50];
	v3 =	vmul.f32 $1.442695020e+00, v3;
	v1 =	vpop (erf);
	(erf) = vpow2.f32 v4  }
0xce: {  	v12 =	vld [tilespmem:s4+$0xFFFFFE60];
	(erf) = vpow2.f32 v5;
	v18 =	vpop (erf)  }
0xcf: {  	v4 =	vld [tilespmem:s4+$0xFFFFFE70];
	v6 =	vmul.f32 v6, v1;
	(erf) = vpow2.f32 v3;
	v3 =	vnsel vm0, $0x0, v18  }
0xd0: {  	v5 =	vld [tilespmem:s4+$0xFFFFFE80];
	[tilespmem:s4+$0xFFFFFED0] =	vst v3  }
0xd1: {  	v26 =	vld [tilespmem:s4+$0x1B0];
	v21 =	vmul.f32 v21, v18;
	[tilespmem:s4+$0x220] =	vst v6;
	v6 =	vnsel vm0, $0x0, v1  }
0xd2: {  	v3 =	vmul.f32 v18, v10;
	v10 =	vld [tilespmem:s4+$0xFFFFFEA0];
	[tilespmem:s4+$0x230] =	vst v6  }
0xd3: {  	v29 =	vld [tilespmem:s4+$0x1C0];
	v12 =	vmul.f32 v18, v12;
	[tilespmem:s4+$0xFFFFFEB0] =	vst v21  }
0xd4: {  	v14 =	vld [tilespmem:s4+$0xFFFFFDF0];
	[tilespmem:s4+$0xFFFFFE50] =	vst v3;
	v3 =	vmul.f32 v18, v4  }
0xd5: {  	v8 =	vadd.f32 v13, v8;
	v13 =	vld [tilespmem:s4+$0x40];
	[tilespmem:s4+$0xFFFFFE60] =	vst v12;
	v4 =	vmul.f32 v5, v18  }
0xd6: {  	v21 =	vld [tilespmem:s4+$0xFFFFFF30];
	v5 =	vmul.f32 v19, v18;
	[tilespmem:s4+$0xFFFFFE70] =	vst v3  }
0xd7: {  	v12 =	vld [tilespmem:s4+$0xFFFFFEE0];
	[tilespmem:s4+$0xFFFFFE80] =	vst v4;
	v10 =	vmul.f32 v10, v18  }
0xd8: {  	v19 =	vld [tilespmem:s4+$0xFFFFFEF0];
	v6 =	vpop (erf);
	[tilespmem:s4+$0xFFFFFE90] =	vst v5;
	v18 =	vmul.f32 v23, v18  }
0xd9: {  	v2 =	vld [tilespmem:s4+$0x1A0];
	v23 =	vmul.f32 v6, v24;
	[tilespmem:s4+$0xFFFFFEA0] =	vst v10  }
0xda: {  	v7 =	vld [tilespmem:s29+$0x20];
	v60 =	vmul.f32 v25, v6;
	[tilespmem:s4+$0xFFFFFEC0] =	vst v18  }
0xdb: {  	v9 =	vld [tilespmem:s4+$0xFFFFFDD0];
	v21 =	vmul.f32 v21, v6;
	[tilespmem:s4+$0xFFFFFF00] =	vst v23  }
0xdc: {  	v11 =	vld [tilespmem:s4+$0xFFFFFDE0];
	v3 =	vpop (erf);
	v12 =	vmul.f32 v6, v12;
	[tilespmem:s4+$0xFFFFFF10] =	vst v60  }
0xdd: {  	v4 =	vpop (erf);
	v10 =	vld [tilespmem:s4+$0xFFFFFF20];
	v19 =	vmul.f32 v6, v19;
	[tilespmem:s4+$0xFFFFFF30] =	vst v21  }
0xde: {  	v18 =	vld [tilespmem:s4+$0xFFFFFFD0];
	v5 =	vpop (erf);
	v13 =	vmul.f32 v13, v4;
	[tilespmem:s4+$0xFFFFFEE0] =	vst v12  }
0xdf: {  	v23 =	vld [tilespmem:s4+$0x10];
	v15 =	vmul.f32 v5, v15;
	[tilespmem:s4+$0xFFFFFEF0] =	vst v19  }
0xe0: {  	v9 =	vmul.f32 v5, v9;
	v12 =	vld [tilespmem:s4+$0xFFFFFFE0];
	[tilespmem:s4+$0x40] =	vst v13  }
0xe1: {  	v11 =	vmul.f32 v5, v11;
	v19 =	vld [tilespmem:s4+$0x0];
	[tilespmem:s4+$0xFFFFFDC0] =	vst v15  }
0xe2: {  	v14 =	vmul.f32 v14, v5;
	v13 =	vld [tilespmem:s4+$0x150];
	[tilespmem:s4+$0xFFFFFDD0] =	vst v9  }
0xe3: {  	v21 =	vmul.f32 $2.000000030e-01, v8;
	v16 =	vmul.f32 v16, v5;
	v15 =	vld [tilespmem:s4+$0xFFFFFF40];
	[tilespmem:s4+$0xFFFFFDE0] =	vst v11  }
0xe4: {  	vm1 =	vge.f32 v8, $0.0e+00;
	v17 =	vmul.f32 v17, v5;
	v9 =	vld [tilespmem:s4+$0xFFFFFF50];
	[tilespmem:s4+$0xFFFFFDF0] =	vst v14  }
0xe5: {  	v2 =	vadd.f32 v7, v2;
	v20 =	vmul.f32 v20, v5;
	v7 =	vsel vm1, v8, v21;
	v11 =	vld [tilespmem:s4+$0xFFFFFF70];
	[tilespmem:s4+$0xFFFFFE00] =	vst v16  }
0xe6: {  	v22 =	vmul.f32 v22, v5;
	v14 =	vld [tilespmem:s4+$0xFFFFFF80];
	[tilespmem:s4+$0xFFFFFE10] =	vst v17;
	v7 =	vmul.f32 $1.442695020e+00, v7  }
0xe7: {  	v16 =	vld [tilespmem:s4+$0xFFFFFF90];
	[tilespmem:s4+$0xFFFFFE20] =	vst v20;
	v10 =	vmul.f32 v10, v6  }
0xe8: {  	v17 =	vld [tilespmem:s4+$0xFFFFFFA0];
	[tilespmem:s4+$0xFFFFFE30] =	vst v22;
	(erf) = vpow2.f32 v7;
	v7 =	vmul.f32 v18, v3  }
0xe9: {  	v20 =	vld [tilespmem:s4+$0xFFFFFFB0];
	[tilespmem:s4+$0xFFFFFF20] =	vst v10;
	v12 =	vmul.f32 v12, v3  }
0xea: {  	v22 =	vld [tilespmem:s4+$0xFFFFFFC0];
	v19 =	vmul.f32 v4, v19;
	[tilespmem:s4+$0xFFFFFFD0] =	vst v7  }
0xeb: {  	v18 =	vld [tilespmem:s4+$0xD0];
	v15 =	vmul.f32 v15, v6;
	[tilespmem:s4+$0xFFFFFFE0] =	vst v12  }
0xec: {  	v10 =	vld [tilespmem:s4+$0x30];
	v9 =	vmul.f32 v9, v6;
	[tilespmem:s4+$0x0] =	vst v19  }
0xed: {  	v7 =	vld [tilespmem:s4+$0xE0];
	v11 =	vmul.f32 v3, v11;
	v14 =	vmul.f32 v3, v14;
	[tilespmem:s4+$0xFFFFFF40] =	vst v15  }
0xee: {  	v16 =	vmul.f32 v3, v16;
	v8 =	vmul.f32 v17, v3;
	v12 =	vld [tilespmem:s4+$0xF0];
	[tilespmem:s4+$0xFFFFFF50] =	vst v9  }
0xef: {  	v17 =	vmul.f32 v20, v3;
	v20 =	vmul.f32 $2.000000030e-01, v2;
	v19 =	vld [tilespmem:s4+$0x100];
	[tilespmem:s4+$0xFFFFFF70] =	vst v11  }
0xf0: {  	vm1 =	vge.f32 v2, $0.0e+00;
	v15 =	vld [tilespmem:s4+$0x50];
	[tilespmem:s4+$0xFFFFFF80] =	vst v14  }
0xf1: {  	v9 =	vld [tilespmem:s4+$0x60];
	[tilespmem:s4+$0xFFFFFF90] =	vst v16;
	v2 =	vsel vm1, v2, v20  }
0xf2: {  	v21 =	vmul.f32 v22, v3;
	v11 =	vld [tilespmem:s4+$0x70];
	[tilespmem:s4+$0xFFFFFFA0] =	vst v8;
	v2 =	vmul.f32 $1.442695020e+00, v2  }
0xf3: {  	v14 =	vld [tilespmem:s4+$0x90];
	[tilespmem:s4+$0xFFFFFFB0] =	vst v17;
	v20 =	vmul.f32 v4, v23  }
0xf4: {  	v16 =	vld [tilespmem:s4+$0xA0];
	[tilespmem:s4+$0xFFFFFFC0] =	vst v21;
	v21 =	vmul.f32 v4, v61;
	(erf) = vpow2.f32 v2  }
0xf5: {  	v8 =	vld [tilespmem:s4+$0xB0];
	[tilespmem:s4+$0x10] =	vst v20;
	v2 =	vmul.f32 v10, v4  }
0xf6: {  	v17 =	vld [tilespmem:s4+$0xC0];
	[tilespmem:s4+$0x20] =	vst v21;
	v15 =	vmul.f32 v15, v4  }
0xf7: {  	v20 =	vld [tilespmem:s4+$0x130];
	[tilespmem:s4+$0x30] =	vst v2;
	v2 =	vmul.f32 v9, v4  }
0xf8: {  	v21 =	vld [tilespmem:s4+$0x140];
	v22 =	vpop (erf);
	v9 =	vmul.f32 v11, v4;
	[tilespmem:s4+$0x50] =	vst v15  }
0xf9: {  	v10 =	vld [tilespmem:s4+$0x120];
	v11 =	vmul.f32 v22, v14;
	[tilespmem:s4+$0x60] =	vst v2  }
0xfa: {  	v14 =	vld [tilespmem:s4+$0x170];
	v8 =	vmul.f32 v22, v8;
	[tilespmem:s4+$0x70] =	vst v9  }
0xfb: {  	v17 =	vmul.f32 v17, v22;
	v15 =	vld [tilespmem:s4+$0x160];
	v2 =	vmul.f32 v22, v16;
	[tilespmem:s4+$0x90] =	vst v11  }
0xfc: {  	v62 =	vmul.f32 v18, v22;
	v63 =	vmul.f32 v7, v22;
	v16 =	vld [tilespmem:s4+$0x180];
	[tilespmem:s4+$0xB0] =	vst v8  }
0xfd: {  	v23 =	vld [tilespmem:s4+$0x190];
	v27 =	vmul.f32 v12, v22;
	v28 =	vmul.f32 v19, v22;
	[tilespmem:s4+$0xA0] =	vst v2;
	v2 =	vnsel vm0, $0x0, v6;
	v6 =	vpop (erf)  }
0xfe: {  	v3 =	vnsel vm0, $0x0, v3;
	v18 =	vld [tilespmem:s4+$0x1D0];
	[tilespmem:s4+$0xC0] =	vst v17;
	v17 =	vmul.f32 v1, v26;
	v10 =	vmul.f32 v6, v10  }
0xff: {  	v4 =	vnsel vm0, $0x0, v4;
	v19 =	vld [tilespmem:s4+$0x1E0];
	[tilespmem:s4+$0xD0] =	vst v62;
	v9 =	vmul.f32 v6, v20;
	v11 =	vmul.f32 v6, v21  }
0x100: {  	v7 =	vnsel vm0, $0x0, v5;
	[tilespmem:s4+$0xE0] =	vst v63;
	v12 =	vmul.f32 v13, v6;
	v13 =	vmul.f32 v15, v6;
	v20 =	vld [tilespmem:s4+$0x1F0]  }
0x101: {  	v5 =	vnsel vm0, $0x0, v22;
	[tilespmem:s4+$0xF0] =	vst v27;
	v14 =	vmul.f32 v14, v6;
	v15 =	vmul.f32 v16, v6;
	v21 =	vld [tilespmem:s4+$0x200]  }
0x102: {  	s10 =	simm.s32 $0x900;
	s0 =	simm.s32 $0x0;
	[tilespmem:s4+$0x100] =	vst v28;
	v22 =	vld [tilespmem:s4+$0x210];
	v8 =	vmul.f32 v23, v6;
	v6 =	vnsel vm0, $0x0, v6;
	v16 =	vmul.f32 v1, v29  }
.LBB2_5:
0x103: {  	v23 =	vld [tilespmem:s10+$0x230];
	[tilespmem:s4+$0x120] =	vst v10;
	v10 =	vmul.f32 v1, v18;
	s29 =	sadd.s32 $0x80, s29  }
0x104: {  	s0 =	sadd.s32 $0x8, s0;
	v18 =	vld [tilespmem:s29+$0x30];
	[tilespmem:s4+$0x130] =	vst v9;
	v9 =	vmul.f32 v19, v1  }
0x105: {  	p0 =	slt.u32 s0, $0x38;
	v19 =	vld [tilespmem:s29+$0xFFFFFFC0];
	[tilespmem:s4+$0x140] =	vst v11;
	v11 =	vmul.f32 v20, v1  }
0x106: {  	v20 =	vld [tilespmem:s10+$0xFFFFFED0];
	[tilespmem:s4+$0x150] =	vst v12;
	v12 =	vmul.f32 v21, v1  }
0x107: {  	v21 =	vld [tilespmem:s29+$0xFFFFFFD0];
	[tilespmem:s4+$0x160] =	vst v13;
	v1 =	vmul.f32 v22, v1  }
0x108: {  	v13 =	vld [tilespmem:s10+$0xFFFFFF60];
	[tilespmem:s4+$0x170] =	vst v14  }
0x109: {  	v14 =	vld [tilespmem:s29+$0xFFFFFFE0];
	v18 =	vadd.f32 v18, v23;
	[tilespmem:s4+$0x180] =	vst v15  }
0x10a: {  	v15 =	vld [tilespmem:s10+$0xFFFFFFF0];
	[tilespmem:s4+$0x190] =	vst v8  }
0x10b: {  	v8 =	vld [tilespmem:s29+$0xFFFFFFF0];
	v22 =	vmul.f32 $2.000000030e-01, v18;
	[tilespmem:s4+$0x1B0] =	vst v17  }
0x10c: {  	vm1 =	vge.f32 v18, $0.0e+00;
	v17 =	vadd.f32 v21, v20;
	v20 =	vld [tilespmem:s10+$0x80];
	[tilespmem:s4+$0x1C0] =	vst v16  }
0x10d: {  	v16 =	vld [tilespmem:s29+$0x0];
	v18 =	vsel vm1, v18, v22;
	[tilespmem:s4+$0x1D0] =	vst v10  }
0x10e: {  	v10 =	vmul.f32 $2.000000030e-01, v17;
	v13 =	vadd.f32 v14, v13;
	v14 =	vld [tilespmem:s10+$0x110];
	v18 =	vmul.f32 $1.442695020e+00, v18;
	[tilespmem:s4+$0x1E0] =	vst v9  }
0x10f: {  	vm1 =	vge.f32 v17, $0.0e+00;
	v9 =	vld [tilespmem:s29+$0x10];
	[tilespmem:s4+$0x1F0] =	vst v11  }
0x110: {  	v11 =	vmul.f32 $2.000000030e-01, v13;
	v8 =	vadd.f32 v8, v15;
	v15 =	vld [tilespmem:s10+$0x1A0];
	(erf) = vpow2.f32 v18;
	[tilespmem:s4+$0x200] =	vst v12  }
0x111: {  	v10 =	vsel vm1, v17, v10;
	vm1 =	vge.f32 v13, $0.0e+00;
	v12 =	vld [tilespmem:s29+$0x20];
	[tilespmem:s4+$0x210] =	vst v1  }
0x112: {  	v1 =	vld [tilespmem:s10+$0xFFFFFE40];
	vm2 =	vge.f32 v8, $0.0e+00;
	v17 =	vmul.f32 $2.000000030e-01, v8;
	v16 =	vadd.f32 v16, v20;
	[tilespmem:s4+$0xFFFFFE40] =	vst v7  }
0x113: {  	v10 =	vmul.f32 $1.442695020e+00, v10;
	v11 =	vsel vm1, v13, v11;
	v7 =	vld [tilespmem:s10+$0xFFFFFDC0];
	[tilespmem:s4+$0xFFFFFF60] =	vst v2  }
0x114: {  	v13 =	vld [tilespmem:s10+$0xFFFFFDD0];
	vm1 =	vge.f32 v16, $0.0e+00;
	v2 =	vmul.f32 $2.000000030e-01, v16;
	v9 =	vadd.f32 v9, v14;
	[tilespmem:s4+$0xFFFFFFF0] =	vst v3  }
0x115: {  	v3 =	vmul.f32 $1.442695020e+00, v11;
	v8 =	vsel vm2, v8, v17;
	v11 =	vld [tilespmem:s10+$0x220];
	(erf) = vpow2.f32 v10;
	[tilespmem:s4+$0x80] =	vst v4  }
0x116: {  	v10 =	vld [tilespmem:s10+$0xFFFFFDE0];
	vm2 =	vge.f32 v9, $0.0e+00;
	v4 =	vmul.f32 $2.000000030e-01, v9;
	v12 =	vadd.f32 v12, v15;
	[tilespmem:s4+$0x110] =	vst v5  }
0x117: {  	v8 =	vmul.f32 $1.442695020e+00, v8;
	v17 =	vsel vm1, v16, v2;
	v5 =	vadd.f32 v19, v1;
	v14 =	vld [tilespmem:s10+$0xFFFFFDF0];
	[tilespmem:s4+$0x1A0] =	vst v6;
	s4 =	smov.u32 s10  }
0x118: {  	v6 =	vld [tilespmem:s10+$0xFFFFFE00];
	v2 =	vsel vm2, v9, v4;
	vm1 =	vge.f32 v12, $0.0e+00;
	v4 =	vmul.f32 $2.000000030e-01, v12  }
0x119: {  	v16 =	vmul.f32 $1.442695020e+00, v17;
	vm2 =	vge.f32 v5, $0.0e+00;
	v9 =	vmul.f32 $2.000000030e-01, v5;
	v15 =	vld [tilespmem:s10+$0xFFFFFE10];
	v1 =	vpop (erf)  }
0x11a: {  	v2 =	vmul.f32 $1.442695020e+00, v2;
	v17 =	vld [tilespmem:s10+$0xFFFFFE20];
	v4 =	vsel vm1, v12, v4;
	v11 =	vmul.f32 v11, v1  }
0x11b: {  	v5 =	vsel vm2, v5, v9;
	v12 =	vld [tilespmem:s10+$0xFFFFFE30];
	v4 =	vmul.f32 $1.442695020e+00, v4;
	(erf) = vpow2.f32 v3  }
0x11c: {  	v9 =	vnsel vm0, $0x0, v1;
	v3 =	vmul.f32 $1.442695020e+00, v5;
	v5 =	vld [tilespmem:s10+$0xFFFFFE50];
	[tilespmem:s10+$0x220] =	vst v11;
	(erf) = vpow2.f32 v8  }
0x11d: {  	v8 =	vld [tilespmem:s10+$0xFFFFFE60];
	[tilespmem:s10+$0x230] =	vst v9;
	(erf) = vpow2.f32 v16  }
0x11e: {  	v9 =	vld [tilespmem:s10+$0xFFFFFE70];
	(erf) = vpow2.f32 v3;
	v11 =	vpop (erf)  }
0x11f: {  	v3 =	vld [tilespmem:s10+$0xFFFFFE80];
	v16 =	vnsel vm0, $0x0, v11;
	(erf) = vpow2.f32 v2  }
0x120: {  	v2 =	vld [tilespmem:s10+$0xFFFFFE90];
	[tilespmem:s10+$0xFFFFFED0] =	vst v16;
	(erf) = vpow2.f32 v4  }
0x121: {  	v4 =	vmul.f32 v11, v5;
	v5 =	vld [tilespmem:s10+$0xFFFFFEA0]  }
0x122: {  	v8 =	vmul.f32 v11, v8;
	v16 =	vld [tilespmem:s10+$0xFFFFFEB0]  }
0x123: {  	[tilespmem:s10+$0xFFFFFE50] =	vst v4;
	v4 =	vmul.f32 v11, v9;
	v18 =	vld [tilespmem:s10+$0xFFFFFEC0]  }
0x124: {  	[tilespmem:s10+$0xFFFFFE60] =	vst v8;
	v3 =	vmul.f32 v3, v11;
	v19 =	vld [tilespmem:s10+$0xFFFFFEE0];
	v20 =	vpop (erf)  }
0x125: {  	[tilespmem:s10+$0xFFFFFE70] =	vst v4;
	v4 =	vmul.f32 v2, v11;
	v21 =	vld [tilespmem:s10+$0xFFFFFEF0];
	v2 =	vnsel vm0, $0x0, v20;
	v22 =	vpop (erf)  }
0x126: {  	[tilespmem:s10+$0xFFFFFE80] =	vst v3;
	v5 =	vmul.f32 v5, v11;
	v23 =	vld [tilespmem:s10+$0xFFFFFF00];
	v3 =	vnsel vm0, $0x0, v22;
	v24 =	vpop (erf)  }
0x127: {  	[tilespmem:s10+$0xFFFFFE90] =	vst v4;
	v29 =	vmul.f32 v16, v11;
	v16 =	vld [tilespmem:s10+$0xFFFFFF10];
	v4 =	vnsel vm0, $0x0, v24;
	v25 =	vpop (erf)  }
0x128: {  	v26 =	vmul.f32 v25, v7;
	v13 =	vmul.f32 v25, v13;
	v7 =	vnsel vm0, $0x0, v25;
	[tilespmem:s10+$0xFFFFFEA0] =	vst v5;
	v27 =	vld [tilespmem:s10+$0xFFFFFF20];
	v9 =	vpop (erf)  }
0x129: {  	v10 =	vmul.f32 v25, v10;
	v14 =	vmul.f32 v14, v25;
	[tilespmem:s10+$0xFFFFFEB0] =	vst v29;
	v28 =	vld [tilespmem:s10+$0xFFFFFF30];
	v5 =	vnsel vm0, $0x0, v9;
	v8 =	vpop (erf)  }
0x12a: {  	v15 =	vmul.f32 v15, v25;
	[tilespmem:s10+$0xFFFFFDC0] =	vst v26;
	v26 =	vmul.f32 v6, v25;
	v29 =	vld [tilespmem:s10+$0xFFFFFF40];
	v6 =	vnsel vm0, $0x0, v8  }
0x12b: {  	v12 =	vmul.f32 v12, v25;
	[tilespmem:s10+$0xFFFFFDD0] =	vst v13;
	v13 =	vmul.f32 v17, v25;
	v17 =	vld [tilespmem:s10+$0xFFFFFF50]  }
0x12c: {  	[tilespmem:s10+$0xFFFFFDE0] =	vst v10;
	v10 =	vmul.f32 v18, v11;
	v11 =	vmul.f32 v20, v19;
	v18 =	vld [tilespmem:s10+$0xFFFFFF70]  }
0x12d: {  	v19 =	vmul.f32 v20, v23;
	[tilespmem:s10+$0xFFFFFDF0] =	vst v14;
	v14 =	vmul.f32 v20, v21;
	v21 =	vld [tilespmem:s10+$0xFFFFFF80]  }
0x12e: {  	v16 =	vmul.f32 v16, v20;
	v23 =	vmul.f32 v27, v20;
	[tilespmem:s10+$0xFFFFFE00] =	vst v26;
	v25 =	vld [tilespmem:s10+$0xFFFFFF90]  }
0x12f: {  	[tilespmem:s10+$0xFFFFFE10] =	vst v15;
	v15 =	vmul.f32 v28, v20;
	v26 =	vmul.f32 v29, v20;
	v27 =	vld [tilespmem:s10+$0xFFFFFFA0]  }
0x130: {  	[tilespmem:s10+$0xFFFFFE20] =	vst v13;
	v13 =	vmul.f32 v17, v20;
	v17 =	vld [tilespmem:s10+$0xFFFFFFB0]  }
0x131: {  	[tilespmem:s10+$0xFFFFFE30] =	vst v12;
	v12 =	vmul.f32 v22, v18;
	v18 =	vld [tilespmem:s10+$0xFFFFFFC0]  }
0x132: {  	[tilespmem:s10+$0xFFFFFEC0] =	vst v10;
	v10 =	vmul.f32 v22, v21;
	v20 =	vld [tilespmem:s10+$0xFFFFFFD0]  }
0x133: {  	[tilespmem:s10+$0xFFFFFEE0] =	vst v11;
	v11 =	vmul.f32 v22, v25;
	v21 =	vld [tilespmem:s10+$0xFFFFFFE0]  }
0x134: {  	[tilespmem:s10+$0xFFFFFEF0] =	vst v14;
	v14 =	vmul.f32 v27, v22;
	v25 =	vld [tilespmem:s10+$0x0]  }
0x135: {  	[tilespmem:s10+$0xFFFFFF00] =	vst v19;
	v17 =	vmul.f32 v17, v22;
	v19 =	vld [tilespmem:s10+$0x10]  }
0x136: {  	[tilespmem:s10+$0xFFFFFF10] =	vst v16;
	v16 =	vmul.f32 v18, v22;
	v18 =	vld [tilespmem:s10+$0x20]  }
0x137: {  	[tilespmem:s10+$0xFFFFFF20] =	vst v23;
	v20 =	vmul.f32 v20, v22;
	v23 =	vld [tilespmem:s10+$0x30]  }
0x138: {  	[tilespmem:s10+$0xFFFFFF30] =	vst v15;
	v15 =	vmul.f32 v21, v22;
	v21 =	vld [tilespmem:s10+$0x40]  }
0x139: {  	[tilespmem:s10+$0xFFFFFF40] =	vst v26;
	v22 =	vmul.f32 v24, v25;
	v25 =	vld [tilespmem:s10+$0x50]  }
0x13a: {  	[tilespmem:s10+$0xFFFFFF50] =	vst v13;
	v13 =	vmul.f32 v24, v19;
	v19 =	vld [tilespmem:s10+$0x60]  }
0x13b: {  	[tilespmem:s10+$0xFFFFFF70] =	vst v12;
	v12 =	vmul.f32 v24, v18;
	v18 =	vld [tilespmem:s10+$0x70]  }
0x13c: {  	[tilespmem:s10+$0xFFFFFF80] =	vst v10;
	v10 =	vmul.f32 v23, v24;
	v23 =	vld [tilespmem:s10+$0x90]  }
0x13d: {  	[tilespmem:s10+$0xFFFFFF90] =	vst v11;
	v11 =	vmul.f32 v21, v24;
	v21 =	vld [tilespmem:s10+$0xA0]  }
0x13e: {  	[tilespmem:s10+$0xFFFFFFA0] =	vst v14;
	v14 =	vmul.f32 v25, v24;
	v25 =	vld [tilespmem:s10+$0xB0]  }
0x13f: {  	[tilespmem:s10+$0xFFFFFFB0] =	vst v17;
	v17 =	vmul.f32 v19, v24;
	v19 =	vld [tilespmem:s10+$0xC0]  }
0x140: {  	[tilespmem:s10+$0xFFFFFFC0] =	vst v16;
	v16 =	vmul.f32 v18, v24;
	v18 =	vld [tilespmem:s10+$0xD0]  }
0x141: {  	[tilespmem:s10+$0xFFFFFFD0] =	vst v20;
	v20 =	vmul.f32 v9, v23;
	v23 =	vld [tilespmem:s10+$0xE0]  }
0x142: {  	[tilespmem:s10+$0xFFFFFFE0] =	vst v15;
	v15 =	vmul.f32 v9, v21;
	v21 =	vld [tilespmem:s10+$0xF0]  }
0x143: {  	[tilespmem:s10+$0x0] =	vst v22;
	v22 =	vmul.f32 v9, v25;
	v24 =	vld [tilespmem:s10+$0x100]  }
0x144: {  	[tilespmem:s10+$0x10] =	vst v13;
	v19 =	vmul.f32 v19, v9;
	v13 =	vld [tilespmem:s10+$0x120]  }
0x145: {  	[tilespmem:s10+$0x20] =	vst v12;
	v25 =	vmul.f32 v18, v9;
	v12 =	vld [tilespmem:s10+$0x130]  }
0x146: {  	[tilespmem:s10+$0x30] =	vst v10;
	v23 =	vmul.f32 v23, v9;
	v18 =	vld [tilespmem:s10+$0x140]  }
0x147: {  	[tilespmem:s10+$0x40] =	vst v11;
	v21 =	vmul.f32 v21, v9;
	v26 =	vld [tilespmem:s10+$0x150]  }
0x148: {  	[tilespmem:s10+$0x50] =	vst v14;
	v24 =	vmul.f32 v24, v9;
	v14 =	vld [tilespmem:s10+$0x160]  }
0x149: {  	[tilespmem:s10+$0x60] =	vst v17;
	v10 =	vmul.f32 v8, v13;
	v17 =	vld [tilespmem:s10+$0x170]  }
0x14a: {  	[tilespmem:s10+$0x70] =	vst v16;
	v9 =	vmul.f32 v8, v12;
	v16 =	vld [tilespmem:s10+$0x180]  }
0x14b: {  	[tilespmem:s10+$0x90] =	vst v20;
	v11 =	vmul.f32 v8, v18;
	v20 =	vld [tilespmem:s10+$0x190]  }
0x14c: {  	[tilespmem:s10+$0xA0] =	vst v15;
	v12 =	vmul.f32 v26, v8;
	v26 =	vld [tilespmem:s10+$0x1B0]  }
0x14d: {  	[tilespmem:s10+$0xB0] =	vst v22;
	v13 =	vmul.f32 v14, v8;
	v22 =	vld [tilespmem:s10+$0x1C0]  }
.Ltmp1:
0x14e: {  	[tilespmem:s10+$0xC0] =	vst v19;
	v14 =	vmul.f32 v17, v8;
	v18 =	vld [tilespmem:s10+$0x1D0];
	(pc) =	sbr.rel @p0 .LBB2_5-.Ltmp1, $4  }
0x14f: {  	[tilespmem:s10+$0xD0] =	vst v25;
	v15 =	vmul.f32 v16, v8;
	v19 =	vld [tilespmem:s10+$0x1E0]  }
0x150: {  	[tilespmem:s10+$0xE0] =	vst v23;
	v8 =	vmul.f32 v20, v8;
	v20 =	vld [tilespmem:s10+$0x1F0]  }
0x151: {  	[tilespmem:s10+$0xF0] =	vst v21;
	v17 =	vmul.f32 v1, v26;
	v21 =	vld [tilespmem:s10+$0x200]  }
0x152: {  	s10 =	sadd.s32 $0x480, s10;
	[tilespmem:s4+$0x100] =	vst v24;
	v16 =	vmul.f32 v1, v22;
	v22 =	vld [tilespmem:s4+$0x210]  }
0x153: {  	[tilespmem:s4+$0x120] =	vst v10  }
0x154: {  	[tilespmem:s4+$0x130] =	vst v9  }
0x155: {  	[tilespmem:s4+$0x140] =	vst v11  }
0x156: {  	[tilespmem:s4+$0x150] =	vst v12  }
0x157: {  	[tilespmem:s4+$0x160] =	vst v13  }
0x158: {  	[tilespmem:s4+$0x170] =	vst v14  }
0x159: {  	[tilespmem:s4+$0x180] =	vst v15  }
0x15a: {  	[tilespmem:s4+$0x190] =	vst v8  }
0x15b: {  	[tilespmem:s4+$0x1B0] =	vst v17  }
0x15c: {  	[tilespmem:s4+$0xFFFFFE40] =	vst v7  }
0x15d: {  	[tilespmem:s4+$0xFFFFFF60] =	vst v2  }
0x15e: {  	[tilespmem:s4+$0xFFFFFFF0] =	vst v3  }
0x15f: {  	[tilespmem:s4+$0x80] =	vst v4  }
0x160: {  	[tilespmem:s4+$0x110] =	vst v5  }
0x161: {  	v60 =	vmul.f32 v1, v18;
	[tilespmem:s4+$0x1A0] =	vst v6  }
0x162: {  	v61 =	vmul.f32 v19, v1;
	[tilespmem:s4+$0x1C0] =	vst v16  }
0x163: {  	v62 =	vmul.f32 v20, v1;
	[tilespmem:s4+$0x1D0] =	vst v60  }
0x164: {  	v63 =	vmul.f32 v21, v1;
	[tilespmem:s4+$0x1E0] =	vst v61  }
0x165: {  	v1 =	vmul.f32 v22, v1;
	[tilespmem:s4+$0x1F0] =	vst v62  }
0x166: {  	p0 =	sne.s32 s7, $0x0;
	[tilespmem:s4+$0x200] =	vst v63  }
.Ltmp2:
0x167: {  	s0 =	simm.s32 $0x180;
	[tilespmem:s4+$0x210] =	vst v1;
	(pc) =	sbr.rel @!p0 .LBB2_7-.Ltmp2, $4  }
0x168: {  	[spmem:s3] =	stream.indirect.scatter.add.f32 [tilespmem:s24], [sflag:$0x7], $0x90, s0, s26, $0xb8;
	[tilespmem:$0x1D9D0] =	vst v63  }
0x169: {  	_ =	swait.ge [sflag:s11], $0x80  }
0x16a: {  	[sflag:s11] =	ssyncset.done $0x0  }
0x16b: {  	[sflag:s11] =	ssyncadd.s32 $0xFFFFFF80  }
0x16c: {  	_ =	swait.ge [sflag:s17], $0x2400;
	p1 =	seq.s32 s7, $0x35  }
.Ltmp3:
0x16d: {  	[sflag:s17] =	ssyncset.done $0x0;
	(pc) =	sbr.rel @p1 .LBB2_10-.Ltmp3, $4  }
.Ltmp4:
0x16e: {  	[sflag:s17] =	ssyncadd.s32 $0xFFFFDC00;
	(pc) =	sbr.rel @!p1 .LBB2_9-.Ltmp4, $4  }
0x16f: {  	[tilespmem:s12], [sflag:$0x3] =	stream.indirect.gather [hbm4b:s5+s26], $0x90, s8, s26, $0xb8;
	[tilespmem:$0x1D9D0] =	vst v63  }
0x170: {  	p0 =	por $0x1, $0x1  }
0x171: {  	[tilespmem:s14], [sflag:$0x3] =	stream.indirect.gather [hbm4b:s6+s26], $0x10, s13, s26, $0xb8;
	[tilespmem:$0x1D9D0] =	vst v63  }
0x172: {  	_ = 	snop  }
.LBB2_7:
0x173: {  	[tilespmem:s12], [sflag:$0x3] =	stream.indirect.gather [hbm4b:s5+s26], $0x90, s8, s26, $0xb8;
	[tilespmem:$0x1D9D0] =	vst v63  }
0x174: {  	_ = 	snop  }
0x175: {  	[tilespmem:s14], [sflag:$0x3] =	stream.indirect.gather [hbm4b:s6+s26], $0x10, s13, s26, $0xb8;
	[tilespmem:$0x1D9D0] =	vst v63  }
.LBB2_9:
0x176: {  	s0 =	sadd.s32 s23, s20  }
0x177: {  	s0 =	sshrl.u32 s0, $0x3  }
0x178: {  	s4 =	simm.s32 $0x0;
	p0 =	por $0x0, $0x0;
	s0 =	sadd.s32 s2, s0  }
0x179: {  	[tilespmem:s4], [sflag:$0x4] =	stream.strided.gather [hbm4b:s0+s26], $0x80, s28, s26, $0x38;
	[tilespmem:$0x1D9D0] =	vst v63  }
.LBB2_10:
0x17a: {  	_ =	swait.ge [sflag:s15], $0x2400  }
0x17b: {  	[sflag:s15] =	ssyncset.done $0x0  }
0x17c: {  	[sflag:s15] =	ssyncadd.s32 $0xFFFFDC00  }
0x17d: {  	_ =	swait.ge [sflag:s15], $0x400  }
0x17e: {  	[sflag:s15] =	ssyncset.done $0x0  }
0x17f: {  	[sflag:s15] =	ssyncadd.s32 $0xFFFFFC00  }
0x180: {  	v1 =	vld [tilespmem:$0xC0]  }
0x181: {  	v2 =	vld [tilespmem:$0xD0]  }
0x182: {  	v3 =	vld [tilespmem:$0xE0]  }
0x183: {  	v4 =	vld [tilespmem:$0xF0];
	_ =	sdelay $0x1  }
0x184: {  	[tilespmem:$0x1C0] =	vst v1  }
0x185: {  	[tilespmem:$0x1D0] =	vst v2  }
0x186: {  	[tilespmem:$0x1E0] =	vst v3  }
0x187: {  	s4 =	simm.s32 $0x2880;
	[tilespmem:$0x1F0] =	vst v4  }
0x188: {  	s29 =	simm.s32 $0x7280;
	v1 =	vld [tilespmem:s4+$0x230]  }
0x189: {  	v2 =	vld [tilespmem:s29+$0x30]  }
0x18a: {  	v3 =	vld [tilespmem:s29+$0xFFFFFFC0]  }
0x18b: {  	v4 =	vld [tilespmem:s4+$0xFFFFFED0]  }
0x18c: {  	v5 =	vld [tilespmem:s29+$0xFFFFFFD0]  }
0x18d: {  	v6 =	vld [tilespmem:s4+$0xFFFFFF60]  }
0x18e: {  	v9 =	vld [tilespmem:s29+$0xFFFFFFE0]  }
0x18f: {  	v10 =	vld [tilespmem:s4+$0xFFFFFFF0]  }
0x190: {  	v11 =	vld [tilespmem:s29+$0xFFFFFFF0]  }
0x191: {  	v12 =	vld [tilespmem:s4+$0x80]  }
0x192: {  	v8 =	vld [tilespmem:s4+$0x110];
	v1 =	vadd.f32 v2, v1  }
0x193: {  	v13 =	vld [tilespmem:s29+$0x10];
	v4 =	vadd.f32 v5, v4  }
0x194: {  	v14 =	vld [tilespmem:s4+$0xFFFFFE40];
	v2 =	vmul.f32 $2.000000030e-01, v1  }
0x195: {  	v15 =	vld [tilespmem:s4+$0xFFFFFDC0];
	vm1 =	vge.f32 v1, $0.0e+00;
	v7 =	vmul.f32 $2.000000030e-01, v4  }
0x196: {  	v16 =	vld [tilespmem:s4+$0xFFFFFE00];
	v1 =	vsel vm1, v1, v2;
	vm1 =	vge.f32 v4, $0.0e+00  }
0x197: {  	v5 =	vld [tilespmem:s29+$0x0];
	v1 =	vmul.f32 $1.442695020e+00, v1;
	v4 =	vsel vm1, v4, v7  }
0x198: {  	v17 =	vld [tilespmem:s4+$0xFFFFFE10];
	v4 =	vmul.f32 $1.442695020e+00, v4  }
0x199: {  	v19 =	vld [tilespmem:s4+$0xFFFFFE90];
	(erf) = vpow2.f32 v1;
	v1 =	vadd.f32 v9, v6  }
0x19a: {  	v20 =	vld [tilespmem:s4+$0xFFFFFE20];
	(erf) = vpow2.f32 v4  }
0x19b: {  	v21 =	vld [tilespmem:s4+$0xFFFFFEB0];
	v4 =	vadd.f32 v11, v10;
	v10 =	vmul.f32 $2.000000030e-01, v1  }
0x19c: {  	v22 =	vld [tilespmem:s4+$0xFFFFFE30];
	v5 =	vadd.f32 v5, v12;
	vm1 =	vge.f32 v1, $0.0e+00  }
0x19d: {  	v23 =	vld [tilespmem:s4+$0xFFFFFEC0];
	v3 =	vadd.f32 v3, v14;
	v12 =	vmul.f32 $2.000000030e-01, v4;
	v1 =	vsel vm1, v1, v10  }
0x19e: {  	v24 =	vld [tilespmem:s4+$0xFFFFFF00];
	vm2 =	vge.f32 v4, $0.0e+00;
	v10 =	vmul.f32 $2.000000030e-01, v5;
	v1 =	vmul.f32 $1.442695020e+00, v1  }
0x19f: {  	v6 =	vld [tilespmem:s4+$0x220];
	vm1 =	vge.f32 v5, $0.0e+00;
	v4 =	vsel vm2, v4, v12;
	v12 =	vmul.f32 $2.000000030e-01, v3  }
0x1a0: {  	v25 =	vld [tilespmem:s4+$0xFFFFFF10];
	v4 =	vmul.f32 $1.442695020e+00, v4;
	v5 =	vsel vm1, v5, v10;
	vm1 =	vge.f32 v3, $0.0e+00  }
0x1a1: {  	v61 =	vld [tilespmem:s4+$0x20];
	v5 =	vmul.f32 $1.442695020e+00, v5;
	v3 =	vsel vm1, v3, v12;
	(erf) = vpow2.f32 v1  }
0x1a2: {  	v10 =	vld [tilespmem:s4+$0xFFFFFE50];
	v3 =	vmul.f32 $1.442695020e+00, v3;
	v1 =	vpop (erf);
	(erf) = vpow2.f32 v4  }
0x1a3: {  	v12 =	vld [tilespmem:s4+$0xFFFFFE60];
	(erf) = vpow2.f32 v5;
	v18 =	vpop (erf)  }
0x1a4: {  	v4 =	vld [tilespmem:s4+$0xFFFFFE70];
	v6 =	vmul.f32 v6, v1;
	(erf) = vpow2.f32 v3;
	v3 =	vnsel vm0, $0x0, v18  }
0x1a5: {  	v5 =	vld [tilespmem:s4+$0xFFFFFE80];
	[tilespmem:s4+$0xFFFFFED0] =	vst v3  }
0x1a6: {  	v26 =	vld [tilespmem:s4+$0x1B0];
	v21 =	vmul.f32 v21, v18;
	[tilespmem:s4+$0x220] =	vst v6;
	v6 =	vnsel vm0, $0x0, v1  }
0x1a7: {  	v3 =	vmul.f32 v18, v10;
	v10 =	vld [tilespmem:s4+$0xFFFFFEA0];
	[tilespmem:s4+$0x230] =	vst v6  }
0x1a8: {  	v29 =	vld [tilespmem:s4+$0x1C0];
	v12 =	vmul.f32 v18, v12;
	[tilespmem:s4+$0xFFFFFEB0] =	vst v21  }
0x1a9: {  	v14 =	vld [tilespmem:s4+$0xFFFFFDF0];
	[tilespmem:s4+$0xFFFFFE50] =	vst v3;
	v3 =	vmul.f32 v18, v4  }
0x1aa: {  	v8 =	vadd.f32 v13, v8;
	v13 =	vld [tilespmem:s4+$0x40];
	[tilespmem:s4+$0xFFFFFE60] =	vst v12;
	v4 =	vmul.f32 v5, v18  }
0x1ab: {  	v21 =	vld [tilespmem:s4+$0xFFFFFF30];
	v5 =	vmul.f32 v19, v18;
	[tilespmem:s4+$0xFFFFFE70] =	vst v3  }
0x1ac: {  	v12 =	vld [tilespmem:s4+$0xFFFFFEE0];
	[tilespmem:s4+$0xFFFFFE80] =	vst v4;
	v10 =	vmul.f32 v10, v18  }
0x1ad: {  	v19 =	vld [tilespmem:s4+$0xFFFFFEF0];
	v6 =	vpop (erf);
	[tilespmem:s4+$0xFFFFFE90] =	vst v5;
	v18 =	vmul.f32 v23, v18  }
0x1ae: {  	v2 =	vld [tilespmem:s4+$0x1A0];
	v23 =	vmul.f32 v6, v24;
	[tilespmem:s4+$0xFFFFFEA0] =	vst v10  }
0x1af: {  	v7 =	vld [tilespmem:s29+$0x20];
	v60 =	vmul.f32 v25, v6;
	[tilespmem:s4+$0xFFFFFEC0] =	vst v18  }
0x1b0: {  	v9 =	vld [tilespmem:s4+$0xFFFFFDD0];
	v21 =	vmul.f32 v21, v6;
	[tilespmem:s4+$0xFFFFFF00] =	vst v23  }
0x1b1: {  	v11 =	vld [tilespmem:s4+$0xFFFFFDE0];
	v3 =	vpop (erf);
	v12 =	vmul.f32 v6, v12;
	[tilespmem:s4+$0xFFFFFF10] =	vst v60  }
0x1b2: {  	v4 =	vpop (erf);
	v10 =	vld [tilespmem:s4+$0xFFFFFF20];
	v19 =	vmul.f32 v6, v19;
	[tilespmem:s4+$0xFFFFFF30] =	vst v21  }
0x1b3: {  	v18 =	vld [tilespmem:s4+$0xFFFFFFD0];
	v5 =	vpop (erf);
	v13 =	vmul.f32 v13, v4;
	[tilespmem:s4+$0xFFFFFEE0] =	vst v12  }
0x1b4: {  	v23 =	vld [tilespmem:s4+$0x10];
	v15 =	vmul.f32 v5, v15;
	[tilespmem:s4+$0xFFFFFEF0] =	vst v19  }
0x1b5: {  	v9 =	vmul.f32 v5, v9;
	v12 =	vld [tilespmem:s4+$0xFFFFFFE0];
	[tilespmem:s4+$0x40] =	vst v13  }
0x1b6: {  	v11 =	vmul.f32 v5, v11;
	v19 =	vld [tilespmem:s4+$0x0];
	[tilespmem:s4+$0xFFFFFDC0] =	vst v15  }
0x1b7: {  	v14 =	vmul.f32 v14, v5;
	v13 =	vld [tilespmem:s4+$0x150];
	[tilespmem:s4+$0xFFFFFDD0] =	vst v9  }
0x1b8: {  	v21 =	vmul.f32 $2.000000030e-01, v8;
	v16 =	vmul.f32 v16, v5;
	v15 =	vld [tilespmem:s4+$0xFFFFFF40];
	[tilespmem:s4+$0xFFFFFDE0] =	vst v11  }
0x1b9: {  	vm1 =	vge.f32 v8, $0.0e+00;
	v17 =	vmul.f32 v17, v5;
	v9 =	vld [tilespmem:s4+$0xFFFFFF50];
	[tilespmem:s4+$0xFFFFFDF0] =	vst v14  }
0x1ba: {  	v2 =	vadd.f32 v7, v2;
	v20 =	vmul.f32 v20, v5;
	v7 =	vsel vm1, v8, v21;
	v11 =	vld [tilespmem:s4+$0xFFFFFF70];
	[tilespmem:s4+$0xFFFFFE00] =	vst v16  }
0x1bb: {  	v22 =	vmul.f32 v22, v5;
	v14 =	vld [tilespmem:s4+$0xFFFFFF80];
	[tilespmem:s4+$0xFFFFFE10] =	vst v17;
	v7 =	vmul.f32 $1.442695020e+00, v7  }
0x1bc: {  	v16 =	vld [tilespmem:s4+$0xFFFFFF90];
	[tilespmem:s4+$0xFFFFFE20] =	vst v20;
	v10 =	vmul.f32 v10, v6  }
0x1bd: {  	v17 =	vld [tilespmem:s4+$0xFFFFFFA0];
	[tilespmem:s4+$0xFFFFFE30] =	vst v22;
	(erf) = vpow2.f32 v7;
	v7 =	vmul.f32 v18, v3  }
0x1be: {  	v20 =	vld [tilespmem:s4+$0xFFFFFFB0];
	[tilespmem:s4+$0xFFFFFF20] =	vst v10;
	v12 =	vmul.f32 v12, v3  }
0x1bf: {  	v22 =	vld [tilespmem:s4+$0xFFFFFFC0];
	v19 =	vmul.f32 v4, v19;
	[tilespmem:s4+$0xFFFFFFD0] =	vst v7  }
0x1c0: {  	v18 =	vld [tilespmem:s4+$0xD0];
	v15 =	vmul.f32 v15, v6;
	[tilespmem:s4+$0xFFFFFFE0] =	vst v12  }
0x1c1: {  	v10 =	vld [tilespmem:s4+$0x30];
	v9 =	vmul.f32 v9, v6;
	[tilespmem:s4+$0x0] =	vst v19  }
0x1c2: {  	v7 =	vld [tilespmem:s4+$0xE0];
	v11 =	vmul.f32 v3, v11;
	v14 =	vmul.f32 v3, v14;
	[tilespmem:s4+$0xFFFFFF40] =	vst v15  }
0x1c3: {  	v16 =	vmul.f32 v3, v16;
	v8 =	vmul.f32 v17, v3;
	v12 =	vld [tilespmem:s4+$0xF0];
	[tilespmem:s4+$0xFFFFFF50] =	vst v9  }
0x1c4: {  	v17 =	vmul.f32 v20, v3;
	v20 =	vmul.f32 $2.000000030e-01, v2;
	v19 =	vld [tilespmem:s4+$0x100];
	[tilespmem:s4+$0xFFFFFF70] =	vst v11  }
0x1c5: {  	vm1 =	vge.f32 v2, $0.0e+00;
	v15 =	vld [tilespmem:s4+$0x50];
	[tilespmem:s4+$0xFFFFFF80] =	vst v14  }
0x1c6: {  	v9 =	vld [tilespmem:s4+$0x60];
	[tilespmem:s4+$0xFFFFFF90] =	vst v16;
	v2 =	vsel vm1, v2, v20  }
0x1c7: {  	v21 =	vmul.f32 v22, v3;
	v11 =	vld [tilespmem:s4+$0x70];
	[tilespmem:s4+$0xFFFFFFA0] =	vst v8;
	v2 =	vmul.f32 $1.442695020e+00, v2  }
0x1c8: {  	v14 =	vld [tilespmem:s4+$0x90];
	[tilespmem:s4+$0xFFFFFFB0] =	vst v17;
	v20 =	vmul.f32 v4, v23  }
0x1c9: {  	v16 =	vld [tilespmem:s4+$0xA0];
	[tilespmem:s4+$0xFFFFFFC0] =	vst v21;
	v21 =	vmul.f32 v4, v61;
	(erf) = vpow2.f32 v2  }
0x1ca: {  	v8 =	vld [tilespmem:s4+$0xB0];
	[tilespmem:s4+$0x10] =	vst v20;
	v2 =	vmul.f32 v10, v4  }
0x1cb: {  	v17 =	vld [tilespmem:s4+$0xC0];
	[tilespmem:s4+$0x20] =	vst v21;
	v15 =	vmul.f32 v15, v4  }
0x1cc: {  	v20 =	vld [tilespmem:s4+$0x130];
	[tilespmem:s4+$0x30] =	vst v2;
	v2 =	vmul.f32 v9, v4  }
0x1cd: {  	v21 =	vld [tilespmem:s4+$0x140];
	v22 =	vpop (erf);
	v9 =	vmul.f32 v11, v4;
	[tilespmem:s4+$0x50] =	vst v15  }
0x1ce: {  	v10 =	vld [tilespmem:s4+$0x120];
	v11 =	vmul.f32 v22, v14;
	[tilespmem:s4+$0x60] =	vst v2  }
0x1cf: {  	v14 =	vld [tilespmem:s4+$0x170];
	v8 =	vmul.f32 v22, v8;
	[tilespmem:s4+$0x70] =	vst v9  }
0x1d0: {  	v17 =	vmul.f32 v17, v22;
	v15 =	vld [tilespmem:s4+$0x160];
	v2 =	vmul.f32 v22, v16;
	[tilespmem:s4+$0x90] =	vst v11  }
0x1d1: {  	v62 =	vmul.f32 v18, v22;
	v63 =	vmul.f32 v7, v22;
	v16 =	vld [tilespmem:s4+$0x180];
	[tilespmem:s4+$0xB0] =	vst v8  }
0x1d2: {  	v23 =	vld [tilespmem:s4+$0x190];
	v27 =	vmul.f32 v12, v22;
	v28 =	vmul.f32 v19, v22;
	[tilespmem:s4+$0xA0] =	vst v2;
	v2 =	vnsel vm0, $0x0, v6;
	v6 =	vpop (erf)  }
0x1d3: {  	v3 =	vnsel vm0, $0x0, v3;
	v18 =	vld [tilespmem:s4+$0x1D0];
	[tilespmem:s4+$0xC0] =	vst v17;
	v17 =	vmul.f32 v1, v26;
	v10 =	vmul.f32 v6, v10  }
0x1d4: {  	v4 =	vnsel vm0, $0x0, v4;
	v19 =	vld [tilespmem:s4+$0x1E0];
	[tilespmem:s4+$0xD0] =	vst v62;
	v9 =	vmul.f32 v6, v20;
	v11 =	vmul.f32 v6, v21  }
0x1d5: {  	v7 =	vnsel vm0, $0x0, v5;
	[tilespmem:s4+$0xE0] =	vst v63;
	v12 =	vmul.f32 v13, v6;
	v13 =	vmul.f32 v15, v6;
	v20 =	vld [tilespmem:s4+$0x1F0]  }
0x1d6: {  	v5 =	vnsel vm0, $0x0, v22;
	[tilespmem:s4+$0xF0] =	vst v27;
	v14 =	vmul.f32 v14, v6;
	v15 =	vmul.f32 v16, v6;
	v21 =	vld [tilespmem:s4+$0x200]  }
0x1d7: {  	s0 =	simm.s32 $0x0;
	s10 =	simm.s32 $0x2D00;
	[tilespmem:s4+$0x100] =	vst v28;
	v22 =	vld [tilespmem:s4+$0x210];
	v8 =	vmul.f32 v23, v6;
	v6 =	vnsel vm0, $0x0, v6;
	v16 =	vmul.f32 v1, v29  }
.LBB2_11:
0x1d8: {  	v23 =	vld [tilespmem:s10+$0x230];
	[tilespmem:s4+$0x120] =	vst v10;
	v10 =	vmul.f32 v1, v18;
	s29 =	sadd.s32 $0x80, s29  }
0x1d9: {  	s0 =	sadd.s32 $0x8, s0;
	v18 =	vld [tilespmem:s29+$0x30];
	[tilespmem:s4+$0x130] =	vst v9;
	v9 =	vmul.f32 v19, v1  }
0x1da: {  	p1 =	slt.u32 s0, $0x38;
	v19 =	vld [tilespmem:s29+$0xFFFFFFC0];
	[tilespmem:s4+$0x140] =	vst v11;
	v11 =	vmul.f32 v20, v1  }
0x1db: {  	v20 =	vld [tilespmem:s10+$0xFFFFFED0];
	[tilespmem:s4+$0x150] =	vst v12;
	v12 =	vmul.f32 v21, v1  }
0x1dc: {  	v21 =	vld [tilespmem:s29+$0xFFFFFFD0];
	[tilespmem:s4+$0x160] =	vst v13;
	v1 =	vmul.f32 v22, v1  }
0x1dd: {  	v13 =	vld [tilespmem:s10+$0xFFFFFF60];
	[tilespmem:s4+$0x170] =	vst v14  }
0x1de: {  	v14 =	vld [tilespmem:s29+$0xFFFFFFE0];
	v18 =	vadd.f32 v18, v23;
	[tilespmem:s4+$0x180] =	vst v15  }
0x1df: {  	v15 =	vld [tilespmem:s10+$0xFFFFFFF0];
	[tilespmem:s4+$0x190] =	vst v8  }
0x1e0: {  	v8 =	vld [tilespmem:s29+$0xFFFFFFF0];
	v22 =	vmul.f32 $2.000000030e-01, v18;
	[tilespmem:s4+$0x1B0] =	vst v17  }
0x1e1: {  	vm1 =	vge.f32 v18, $0.0e+00;
	v17 =	vadd.f32 v21, v20;
	v20 =	vld [tilespmem:s10+$0x80];
	[tilespmem:s4+$0x1C0] =	vst v16  }
0x1e2: {  	v16 =	vld [tilespmem:s29+$0x0];
	v18 =	vsel vm1, v18, v22;
	[tilespmem:s4+$0x1D0] =	vst v10  }
0x1e3: {  	v10 =	vmul.f32 $2.000000030e-01, v17;
	v13 =	vadd.f32 v14, v13;
	v14 =	vld [tilespmem:s10+$0x110];
	v18 =	vmul.f32 $1.442695020e+00, v18;
	[tilespmem:s4+$0x1E0] =	vst v9  }
0x1e4: {  	vm1 =	vge.f32 v17, $0.0e+00;
	v9 =	vld [tilespmem:s29+$0x10];
	[tilespmem:s4+$0x1F0] =	vst v11  }
0x1e5: {  	v11 =	vmul.f32 $2.000000030e-01, v13;
	v8 =	vadd.f32 v8, v15;
	v15 =	vld [tilespmem:s10+$0x1A0];
	(erf) = vpow2.f32 v18;
	[tilespmem:s4+$0x200] =	vst v12  }
0x1e6: {  	v10 =	vsel vm1, v17, v10;
	vm1 =	vge.f32 v13, $0.0e+00;
	v12 =	vld [tilespmem:s29+$0x20];
	[tilespmem:s4+$0x210] =	vst v1  }
0x1e7: {  	v1 =	vld [tilespmem:s10+$0xFFFFFE40];
	vm2 =	vge.f32 v8, $0.0e+00;
	v17 =	vmul.f32 $2.000000030e-01, v8;
	v16 =	vadd.f32 v16, v20;
	[tilespmem:s4+$0xFFFFFE40] =	vst v7  }
0x1e8: {  	v10 =	vmul.f32 $1.442695020e+00, v10;
	v11 =	vsel vm1, v13, v11;
	v7 =	vld [tilespmem:s10+$0xFFFFFDC0];
	[tilespmem:s4+$0xFFFFFF60] =	vst v2  }
0x1e9: {  	v13 =	vld [tilespmem:s10+$0xFFFFFDD0];
	vm1 =	vge.f32 v16, $0.0e+00;
	v2 =	vmul.f32 $2.000000030e-01, v16;
	v9 =	vadd.f32 v9, v14;
	[tilespmem:s4+$0xFFFFFFF0] =	vst v3  }
0x1ea: {  	v3 =	vmul.f32 $1.442695020e+00, v11;
	v8 =	vsel vm2, v8, v17;
	v11 =	vld [tilespmem:s10+$0x220];
	(erf) = vpow2.f32 v10;
	[tilespmem:s4+$0x80] =	vst v4  }
0x1eb: {  	v10 =	vld [tilespmem:s10+$0xFFFFFDE0];
	vm2 =	vge.f32 v9, $0.0e+00;
	v4 =	vmul.f32 $2.000000030e-01, v9;
	v12 =	vadd.f32 v12, v15;
	[tilespmem:s4+$0x110] =	vst v5  }
0x1ec: {  	v8 =	vmul.f32 $1.442695020e+00, v8;
	v17 =	vsel vm1, v16, v2;
	v5 =	vadd.f32 v19, v1;
	v14 =	vld [tilespmem:s10+$0xFFFFFDF0];
	[tilespmem:s4+$0x1A0] =	vst v6;
	s4 =	smov.u32 s10  }
0x1ed: {  	v6 =	vld [tilespmem:s10+$0xFFFFFE00];
	v2 =	vsel vm2, v9, v4;
	vm1 =	vge.f32 v12, $0.0e+00;
	v4 =	vmul.f32 $2.000000030e-01, v12  }
0x1ee: {  	v16 =	vmul.f32 $1.442695020e+00, v17;
	vm2 =	vge.f32 v5, $0.0e+00;
	v9 =	vmul.f32 $2.000000030e-01, v5;
	v15 =	vld [tilespmem:s10+$0xFFFFFE10];
	v1 =	vpop (erf)  }
0x1ef: {  	v2 =	vmul.f32 $1.442695020e+00, v2;
	v17 =	vld [tilespmem:s10+$0xFFFFFE20];
	v4 =	vsel vm1, v12, v4;
	v11 =	vmul.f32 v11, v1  }
0x1f0: {  	v5 =	vsel vm2, v5, v9;
	v12 =	vld [tilespmem:s10+$0xFFFFFE30];
	v4 =	vmul.f32 $1.442695020e+00, v4;
	(erf) = vpow2.f32 v3  }
0x1f1: {  	v9 =	vnsel vm0, $0x0, v1;
	v3 =	vmul.f32 $1.442695020e+00, v5;
	v5 =	vld [tilespmem:s10+$0xFFFFFE50];
	[tilespmem:s10+$0x220] =	vst v11;
	(erf) = vpow2.f32 v8  }
0x1f2: {  	v8 =	vld [tilespmem:s10+$0xFFFFFE60];
	[tilespmem:s10+$0x230] =	vst v9;
	(erf) = vpow2.f32 v16  }
0x1f3: {  	v9 =	vld [tilespmem:s10+$0xFFFFFE70];
	(erf) = vpow2.f32 v3;
	v11 =	vpop (erf)  }
0x1f4: {  	v3 =	vld [tilespmem:s10+$0xFFFFFE80];
	v16 =	vnsel vm0, $0x0, v11;
	(erf) = vpow2.f32 v2  }
0x1f5: {  	v2 =	vld [tilespmem:s10+$0xFFFFFE90];
	[tilespmem:s10+$0xFFFFFED0] =	vst v16;
	(erf) = vpow2.f32 v4  }
0x1f6: {  	v4 =	vmul.f32 v11, v5;
	v5 =	vld [tilespmem:s10+$0xFFFFFEA0]  }
0x1f7: {  	v8 =	vmul.f32 v11, v8;
	v16 =	vld [tilespmem:s10+$0xFFFFFEB0]  }
0x1f8: {  	[tilespmem:s10+$0xFFFFFE50] =	vst v4;
	v4 =	vmul.f32 v11, v9;
	v18 =	vld [tilespmem:s10+$0xFFFFFEC0]  }
0x1f9: {  	[tilespmem:s10+$0xFFFFFE60] =	vst v8;
	v3 =	vmul.f32 v3, v11;
	v19 =	vld [tilespmem:s10+$0xFFFFFEE0];
	v20 =	vpop (erf)  }
0x1fa: {  	[tilespmem:s10+$0xFFFFFE70] =	vst v4;
	v4 =	vmul.f32 v2, v11;
	v21 =	vld [tilespmem:s10+$0xFFFFFEF0];
	v2 =	vnsel vm0, $0x0, v20;
	v22 =	vpop (erf)  }
0x1fb: {  	[tilespmem:s10+$0xFFFFFE80] =	vst v3;
	v5 =	vmul.f32 v5, v11;
	v23 =	vld [tilespmem:s10+$0xFFFFFF00];
	v3 =	vnsel vm0, $0x0, v22;
	v24 =	vpop (erf)  }
0x1fc: {  	[tilespmem:s10+$0xFFFFFE90] =	vst v4;
	v29 =	vmul.f32 v16, v11;
	v16 =	vld [tilespmem:s10+$0xFFFFFF10];
	v4 =	vnsel vm0, $0x0, v24;
	v25 =	vpop (erf)  }
0x1fd: {  	v26 =	vmul.f32 v25, v7;
	v13 =	vmul.f32 v25, v13;
	v7 =	vnsel vm0, $0x0, v25;
	[tilespmem:s10+$0xFFFFFEA0] =	vst v5;
	v27 =	vld [tilespmem:s10+$0xFFFFFF20];
	v9 =	vpop (erf)  }
0x1fe: {  	v10 =	vmul.f32 v25, v10;
	v14 =	vmul.f32 v14, v25;
	[tilespmem:s10+$0xFFFFFEB0] =	vst v29;
	v28 =	vld [tilespmem:s10+$0xFFFFFF30];
	v5 =	vnsel vm0, $0x0, v9;
	v8 =	vpop (erf)  }
0x1ff: {  	v15 =	vmul.f32 v15, v25;
	[tilespmem:s10+$0xFFFFFDC0] =	vst v26;
	v26 =	vmul.f32 v6, v25;
	v29 =	vld [tilespmem:s10+$0xFFFFFF40];
	v6 =	vnsel vm0, $0x0, v8  }
0x200: {  	v12 =	vmul.f32 v12, v25;
	[tilespmem:s10+$0xFFFFFDD0] =	vst v13;
	v13 =	vmul.f32 v17, v25;
	v17 =	vld [tilespmem:s10+$0xFFFFFF50]  }
0x201: {  	[tilespmem:s10+$0xFFFFFDE0] =	vst v10;
	v10 =	vmul.f32 v18, v11;
	v11 =	vmul.f32 v20, v19;
	v18 =	vld [tilespmem:s10+$0xFFFFFF70]  }
0x202: {  	v19 =	vmul.f32 v20, v23;
	[tilespmem:s10+$0xFFFFFDF0] =	vst v14;
	v14 =	vmul.f32 v20, v21;
	v21 =	vld [tilespmem:s10+$0xFFFFFF80]  }
0x203: {  	v16 =	vmul.f32 v16, v20;
	v23 =	vmul.f32 v27, v20;
	[tilespmem:s10+$0xFFFFFE00] =	vst v26;
	v25 =	vld [tilespmem:s10+$0xFFFFFF90]  }
0x204: {  	[tilespmem:s10+$0xFFFFFE10] =	vst v15;
	v15 =	vmul.f32 v28, v20;
	v26 =	vmul.f32 v29, v20;
	v27 =	vld [tilespmem:s10+$0xFFFFFFA0]  }
0x205: {  	[tilespmem:s10+$0xFFFFFE20] =	vst v13;
	v13 =	vmul.f32 v17, v20;
	v17 =	vld [tilespmem:s10+$0xFFFFFFB0]  }
0x206: {  	[tilespmem:s10+$0xFFFFFE30] =	vst v12;
	v12 =	vmul.f32 v22, v18;
	v18 =	vld [tilespmem:s10+$0xFFFFFFC0]  }
0x207: {  	[tilespmem:s10+$0xFFFFFEC0] =	vst v10;
	v10 =	vmul.f32 v22, v21;
	v20 =	vld [tilespmem:s10+$0xFFFFFFD0]  }
0x208: {  	[tilespmem:s10+$0xFFFFFEE0] =	vst v11;
	v11 =	vmul.f32 v22, v25;
	v21 =	vld [tilespmem:s10+$0xFFFFFFE0]  }
0x209: {  	[tilespmem:s10+$0xFFFFFEF0] =	vst v14;
	v14 =	vmul.f32 v27, v22;
	v25 =	vld [tilespmem:s10+$0x0]  }
0x20a: {  	[tilespmem:s10+$0xFFFFFF00] =	vst v19;
	v17 =	vmul.f32 v17, v22;
	v19 =	vld [tilespmem:s10+$0x10]  }
0x20b: {  	[tilespmem:s10+$0xFFFFFF10] =	vst v16;
	v16 =	vmul.f32 v18, v22;
	v18 =	vld [tilespmem:s10+$0x20]  }
0x20c: {  	[tilespmem:s10+$0xFFFFFF20] =	vst v23;
	v20 =	vmul.f32 v20, v22;
	v23 =	vld [tilespmem:s10+$0x30]  }
0x20d: {  	[tilespmem:s10+$0xFFFFFF30] =	vst v15;
	v15 =	vmul.f32 v21, v22;
	v21 =	vld [tilespmem:s10+$0x40]  }
0x20e: {  	[tilespmem:s10+$0xFFFFFF40] =	vst v26;
	v22 =	vmul.f32 v24, v25;
	v25 =	vld [tilespmem:s10+$0x50]  }
0x20f: {  	[tilespmem:s10+$0xFFFFFF50] =	vst v13;
	v13 =	vmul.f32 v24, v19;
	v19 =	vld [tilespmem:s10+$0x60]  }
0x210: {  	[tilespmem:s10+$0xFFFFFF70] =	vst v12;
	v12 =	vmul.f32 v24, v18;
	v18 =	vld [tilespmem:s10+$0x70]  }
0x211: {  	[tilespmem:s10+$0xFFFFFF80] =	vst v10;
	v10 =	vmul.f32 v23, v24;
	v23 =	vld [tilespmem:s10+$0x90]  }
0x212: {  	[tilespmem:s10+$0xFFFFFF90] =	vst v11;
	v11 =	vmul.f32 v21, v24;
	v21 =	vld [tilespmem:s10+$0xA0]  }
0x213: {  	[tilespmem:s10+$0xFFFFFFA0] =	vst v14;
	v14 =	vmul.f32 v25, v24;
	v25 =	vld [tilespmem:s10+$0xB0]  }
0x214: {  	[tilespmem:s10+$0xFFFFFFB0] =	vst v17;
	v17 =	vmul.f32 v19, v24;
	v19 =	vld [tilespmem:s10+$0xC0]  }
0x215: {  	[tilespmem:s10+$0xFFFFFFC0] =	vst v16;
	v16 =	vmul.f32 v18, v24;
	v18 =	vld [tilespmem:s10+$0xD0]  }
0x216: {  	[tilespmem:s10+$0xFFFFFFD0] =	vst v20;
	v20 =	vmul.f32 v9, v23;
	v23 =	vld [tilespmem:s10+$0xE0]  }
0x217: {  	[tilespmem:s10+$0xFFFFFFE0] =	vst v15;
	v15 =	vmul.f32 v9, v21;
	v21 =	vld [tilespmem:s10+$0xF0]  }
0x218: {  	[tilespmem:s10+$0x0] =	vst v22;
	v22 =	vmul.f32 v9, v25;
	v24 =	vld [tilespmem:s10+$0x100]  }
0x219: {  	[tilespmem:s10+$0x10] =	vst v13;
	v19 =	vmul.f32 v19, v9;
	v13 =	vld [tilespmem:s10+$0x120]  }
0x21a: {  	[tilespmem:s10+$0x20] =	vst v12;
	v25 =	vmul.f32 v18, v9;
	v12 =	vld [tilespmem:s10+$0x130]  }
0x21b: {  	[tilespmem:s10+$0x30] =	vst v10;
	v23 =	vmul.f32 v23, v9;
	v18 =	vld [tilespmem:s10+$0x140]  }
0x21c: {  	[tilespmem:s10+$0x40] =	vst v11;
	v21 =	vmul.f32 v21, v9;
	v26 =	vld [tilespmem:s10+$0x150]  }
0x21d: {  	[tilespmem:s10+$0x50] =	vst v14;
	v24 =	vmul.f32 v24, v9;
	v14 =	vld [tilespmem:s10+$0x160]  }
0x21e: {  	[tilespmem:s10+$0x60] =	vst v17;
	v10 =	vmul.f32 v8, v13;
	v17 =	vld [tilespmem:s10+$0x170]  }
0x21f: {  	[tilespmem:s10+$0x70] =	vst v16;
	v9 =	vmul.f32 v8, v12;
	v16 =	vld [tilespmem:s10+$0x180]  }
0x220: {  	[tilespmem:s10+$0x90] =	vst v20;
	v11 =	vmul.f32 v8, v18;
	v20 =	vld [tilespmem:s10+$0x190]  }
0x221: {  	[tilespmem:s10+$0xA0] =	vst v15;
	v12 =	vmul.f32 v26, v8;
	v26 =	vld [tilespmem:s10+$0x1B0]  }
0x222: {  	[tilespmem:s10+$0xB0] =	vst v22;
	v13 =	vmul.f32 v14, v8;
	v22 =	vld [tilespmem:s10+$0x1C0]  }
.Ltmp5:
0x223: {  	[tilespmem:s10+$0xC0] =	vst v19;
	v14 =	vmul.f32 v17, v8;
	v18 =	vld [tilespmem:s10+$0x1D0];
	(pc) =	sbr.rel @p1 .LBB2_11-.Ltmp5, $4  }
0x224: {  	[tilespmem:s10+$0xD0] =	vst v25;
	v15 =	vmul.f32 v16, v8;
	v19 =	vld [tilespmem:s10+$0x1E0]  }
0x225: {  	[tilespmem:s10+$0xE0] =	vst v23;
	v8 =	vmul.f32 v20, v8;
	v20 =	vld [tilespmem:s10+$0x1F0]  }
0x226: {  	[tilespmem:s10+$0xF0] =	vst v21;
	v17 =	vmul.f32 v1, v26;
	v21 =	vld [tilespmem:s10+$0x200]  }
0x227: {  	s10 =	sadd.s32 $0x480, s10;
	[tilespmem:s4+$0x100] =	vst v24;
	v16 =	vmul.f32 v1, v22;
	v22 =	vld [tilespmem:s4+$0x210]  }
0x228: {  	[tilespmem:s4+$0x120] =	vst v10  }
0x229: {  	[tilespmem:s4+$0x130] =	vst v9  }
0x22a: {  	[tilespmem:s4+$0x140] =	vst v11  }
0x22b: {  	[tilespmem:s4+$0x150] =	vst v12  }
0x22c: {  	[tilespmem:s4+$0x160] =	vst v13  }
0x22d: {  	[tilespmem:s4+$0x170] =	vst v14  }
0x22e: {  	[tilespmem:s4+$0x180] =	vst v15  }
0x22f: {  	[tilespmem:s4+$0x190] =	vst v8  }
0x230: {  	[tilespmem:s4+$0x1B0] =	vst v17  }
0x231: {  	[tilespmem:s4+$0xFFFFFE40] =	vst v7  }
0x232: {  	[tilespmem:s4+$0xFFFFFF60] =	vst v2  }
0x233: {  	[tilespmem:s4+$0xFFFFFFF0] =	vst v3  }
0x234: {  	[tilespmem:s4+$0x80] =	vst v4  }
0x235: {  	[tilespmem:s4+$0x110] =	vst v5  }
0x236: {  	v8 =	vmul.f32 v1, v18;
	[tilespmem:s4+$0x1A0] =	vst v6  }
0x237: {  	v9 =	vmul.f32 v19, v1;
	[tilespmem:s4+$0x1C0] =	vst v16  }
0x238: {  	v10 =	vmul.f32 v20, v1;
	[tilespmem:s4+$0x1D0] =	vst v8  }
0x239: {  	v8 =	vmul.f32 v21, v1;
	[tilespmem:s4+$0x1E0] =	vst v9  }
0x23a: {  	v1 =	vmul.f32 v22, v1;
	[tilespmem:s4+$0x1F0] =	vst v10  }
0x23b: {  	[tilespmem:s4+$0x200] =	vst v8  }
0x23c: {  	s0 =	simm.s32 @p0 $0x7;
	[tilespmem:s4+$0x210] =	vst v1  }
0x23d: {  	[spmem:s3] =	stream.indirect.scatter.add.f32 [tilespmem:s1], [sflag:$0x8], $0x90, s16, s26, $0xb8;
	[tilespmem:$0x1D9D0] =	vst v63  }
0x23e: {  	_ =	swait.ge @p0 [sflag:s0], $0x2400  }
0x23f: {  	[sflag:s0] =	ssyncset.done @p0 $0x0  }
0x240: {  	[sflag:s0] =	ssyncadd.s32 @p0 $0xFFFFDC00;
	s0 =	simm.s32 @!p0 $0x4  }
0x241: {  	_ =	swait.ge @!p0 [sflag:s0], $0x80  }
0x242: {  	[sflag:s0] =	ssyncset.done @!p0 $0x0  }
0x243: {  	[sflag:s0] =	ssyncadd.s32 @!p0 $0xFFFFFF80;
	s0 =	simm.s32 @!p0 $0x7  }
0x244: {  	_ =	swait.ge @!p0 [sflag:s0], $0x2400  }
0x245: {  	s10 =	simm.s32 @!p0 $0x240;
	[sflag:s0] =	ssyncset.done @!p0 $0x0  }
0x246: {  	s4 =	simm.s32 @!p0 $0x0;
	[sflag:s0] =	ssyncadd.s32 @!p0 $0xFFFFDC00;
	s0 =	simm.s32 @!p0 $0x40  }
0x247: {  	[tilespmem:s10], [sflag:$0x1] =	stream.indirect.gather @!p0 [hbm4b:s5+s0], $0x90, s4, s0, $0xb8;
	[tilespmem:$0x1D9D0] =	vst v63  }
0x248: {  	s4 =	simm.s32 @!p0 $0x6E40  }
0x249: {  	[tilespmem:s4], [sflag:$0x1] =	stream.indirect.gather @!p0 [hbm4b:s6+s0], $0x10, s0, s0, $0xb8;
	[tilespmem:$0x1D9D0] =	vst v63  }
0x24a: {  	s4 =	sadd.s32 @!p0 s23, s21  }
0x24b: {  	s4 =	sshrl.u32 @!p0 s4, $0x3  }
0x24c: {  	s10 =	simm.s32 @!p0 $0x51000;
	s23 =	simm.s32 @!p0 $0x80;
	s4 =	sadd.s32 @!p0 s2, s4  }
0x24d: {  	[tilespmem:s23], [sflag:$0x5] =	stream.strided.gather @!p0 [hbm4b:s4+s0], $0x80, s10, s0, $0x38;
	[tilespmem:$0x1D9D0] =	vst v63  }
0x24e: {  	_ =	swait.ge [sflag:s18], $0x2400  }
0x24f: {  	[sflag:s18] =	ssyncset.done $0x0  }
0x250: {  	[sflag:s18] =	ssyncadd.s32 $0xFFFFDC00  }
0x251: {  	_ =	swait.ge [sflag:s18], $0x400  }
0x252: {  	[sflag:s18] =	ssyncset.done $0x0  }
0x253: {  	[sflag:s18] =	ssyncadd.s32 $0xFFFFFC00  }
0x254: {  	v1 =	vld [tilespmem:$0x140]  }
0x255: {  	v2 =	vld [tilespmem:$0x150]  }
0x256: {  	v3 =	vld [tilespmem:$0x160]  }
0x257: {  	v4 =	vld [tilespmem:$0x170];
	_ =	sdelay $0x1  }
0x258: {  	[tilespmem:$0x200] =	vst v1  }
0x259: {  	[tilespmem:$0x210] =	vst v2  }
0x25a: {  	[tilespmem:$0x220] =	vst v3  }
0x25b: {  	s4 =	simm.s32 $0x4C80;
	[tilespmem:$0x230] =	vst v4  }
0x25c: {  	s23 =	simm.s32 $0x7680;
	v1 =	vld [tilespmem:s4+$0x230]  }
0x25d: {  	v2 =	vld [tilespmem:s23+$0x30]  }
0x25e: {  	v3 =	vld [tilespmem:s23+$0xFFFFFFC0]  }
0x25f: {  	v4 =	vld [tilespmem:s4+$0xFFFFFED0]  }
0x260: {  	v5 =	vld [tilespmem:s23+$0xFFFFFFD0]  }
0x261: {  	v6 =	vld [tilespmem:s4+$0xFFFFFF60]  }
0x262: {  	v9 =	vld [tilespmem:s23+$0xFFFFFFE0]  }
0x263: {  	v10 =	vld [tilespmem:s4+$0xFFFFFFF0]  }
0x264: {  	v11 =	vld [tilespmem:s23+$0xFFFFFFF0]  }
0x265: {  	v12 =	vld [tilespmem:s4+$0x80]  }
0x266: {  	v8 =	vld [tilespmem:s4+$0x110];
	v1 =	vadd.f32 v2, v1  }
0x267: {  	v13 =	vld [tilespmem:s23+$0x10];
	v4 =	vadd.f32 v5, v4  }
0x268: {  	v14 =	vld [tilespmem:s4+$0xFFFFFE40];
	v2 =	vmul.f32 $2.000000030e-01, v1  }
0x269: {  	v15 =	vld [tilespmem:s4+$0xFFFFFDC0];
	vm1 =	vge.f32 v1, $0.0e+00;
	v7 =	vmul.f32 $2.000000030e-01, v4  }
0x26a: {  	v16 =	vld [tilespmem:s4+$0xFFFFFE00];
	v1 =	vsel vm1, v1, v2;
	vm1 =	vge.f32 v4, $0.0e+00  }
0x26b: {  	v5 =	vld [tilespmem:s23+$0x0];
	v1 =	vmul.f32 $1.442695020e+00, v1;
	v4 =	vsel vm1, v4, v7  }
0x26c: {  	v17 =	vld [tilespmem:s4+$0xFFFFFE10];
	v4 =	vmul.f32 $1.442695020e+00, v4  }
0x26d: {  	v19 =	vld [tilespmem:s4+$0xFFFFFE90];
	(erf) = vpow2.f32 v1;
	v1 =	vadd.f32 v9, v6  }
0x26e: {  	v20 =	vld [tilespmem:s4+$0xFFFFFE20];
	(erf) = vpow2.f32 v4  }
0x26f: {  	v21 =	vld [tilespmem:s4+$0xFFFFFEB0];
	v4 =	vadd.f32 v11, v10;
	v10 =	vmul.f32 $2.000000030e-01, v1  }
0x270: {  	v22 =	vld [tilespmem:s4+$0xFFFFFE30];
	v5 =	vadd.f32 v5, v12;
	vm1 =	vge.f32 v1, $0.0e+00  }
0x271: {  	v23 =	vld [tilespmem:s4+$0xFFFFFEC0];
	v3 =	vadd.f32 v3, v14;
	v12 =	vmul.f32 $2.000000030e-01, v4;
	v1 =	vsel vm1, v1, v10  }
0x272: {  	v24 =	vld [tilespmem:s4+$0xFFFFFF00];
	vm2 =	vge.f32 v4, $0.0e+00;
	v10 =	vmul.f32 $2.000000030e-01, v5;
	v1 =	vmul.f32 $1.442695020e+00, v1  }
0x273: {  	v6 =	vld [tilespmem:s4+$0x220];
	vm1 =	vge.f32 v5, $0.0e+00;
	v4 =	vsel vm2, v4, v12;
	v12 =	vmul.f32 $2.000000030e-01, v3  }
0x274: {  	v25 =	vld [tilespmem:s4+$0xFFFFFF10];
	v4 =	vmul.f32 $1.442695020e+00, v4;
	v5 =	vsel vm1, v5, v10;
	vm1 =	vge.f32 v3, $0.0e+00  }
0x275: {  	v61 =	vld [tilespmem:s4+$0x20];
	v5 =	vmul.f32 $1.442695020e+00, v5;
	v3 =	vsel vm1, v3, v12;
	(erf) = vpow2.f32 v1  }
0x276: {  	v10 =	vld [tilespmem:s4+$0xFFFFFE50];
	v3 =	vmul.f32 $1.442695020e+00, v3;
	v1 =	vpop (erf);
	(erf) = vpow2.f32 v4  }
0x277: {  	v12 =	vld [tilespmem:s4+$0xFFFFFE60];
	(erf) = vpow2.f32 v5;
	v18 =	vpop (erf)  }
0x278: {  	v4 =	vld [tilespmem:s4+$0xFFFFFE70];
	v6 =	vmul.f32 v6, v1;
	(erf) = vpow2.f32 v3;
	v3 =	vnsel vm0, $0x0, v18  }
0x279: {  	v5 =	vld [tilespmem:s4+$0xFFFFFE80];
	[tilespmem:s4+$0xFFFFFED0] =	vst v3  }
0x27a: {  	v26 =	vld [tilespmem:s4+$0x1B0];
	v21 =	vmul.f32 v21, v18;
	[tilespmem:s4+$0x220] =	vst v6;
	v6 =	vnsel vm0, $0x0, v1  }
0x27b: {  	v3 =	vmul.f32 v18, v10;
	v10 =	vld [tilespmem:s4+$0xFFFFFEA0];
	[tilespmem:s4+$0x230] =	vst v6  }
0x27c: {  	v29 =	vld [tilespmem:s4+$0x1C0];
	v12 =	vmul.f32 v18, v12;
	[tilespmem:s4+$0xFFFFFEB0] =	vst v21  }
0x27d: {  	v14 =	vld [tilespmem:s4+$0xFFFFFDF0];
	[tilespmem:s4+$0xFFFFFE50] =	vst v3;
	v3 =	vmul.f32 v18, v4  }
0x27e: {  	v8 =	vadd.f32 v13, v8;
	v13 =	vld [tilespmem:s4+$0x40];
	[tilespmem:s4+$0xFFFFFE60] =	vst v12;
	v4 =	vmul.f32 v5, v18  }
0x27f: {  	v21 =	vld [tilespmem:s4+$0xFFFFFF30];
	v5 =	vmul.f32 v19, v18;
	[tilespmem:s4+$0xFFFFFE70] =	vst v3  }
0x280: {  	v12 =	vld [tilespmem:s4+$0xFFFFFEE0];
	[tilespmem:s4+$0xFFFFFE80] =	vst v4;
	v10 =	vmul.f32 v10, v18  }
0x281: {  	v19 =	vld [tilespmem:s4+$0xFFFFFEF0];
	v6 =	vpop (erf);
	[tilespmem:s4+$0xFFFFFE90] =	vst v5;
	v18 =	vmul.f32 v23, v18  }
0x282: {  	v2 =	vld [tilespmem:s4+$0x1A0];
	v23 =	vmul.f32 v6, v24;
	[tilespmem:s4+$0xFFFFFEA0] =	vst v10  }
0x283: {  	v7 =	vld [tilespmem:s23+$0x20];
	v60 =	vmul.f32 v25, v6;
	[tilespmem:s4+$0xFFFFFEC0] =	vst v18  }
0x284: {  	v9 =	vld [tilespmem:s4+$0xFFFFFDD0];
	v21 =	vmul.f32 v21, v6;
	[tilespmem:s4+$0xFFFFFF00] =	vst v23  }
0x285: {  	v11 =	vld [tilespmem:s4+$0xFFFFFDE0];
	v3 =	vpop (erf);
	v12 =	vmul.f32 v6, v12;
	[tilespmem:s4+$0xFFFFFF10] =	vst v60  }
0x286: {  	v4 =	vpop (erf);
	v10 =	vld [tilespmem:s4+$0xFFFFFF20];
	v19 =	vmul.f32 v6, v19;
	[tilespmem:s4+$0xFFFFFF30] =	vst v21  }
0x287: {  	v18 =	vld [tilespmem:s4+$0xFFFFFFD0];
	v5 =	vpop (erf);
	v13 =	vmul.f32 v13, v4;
	[tilespmem:s4+$0xFFFFFEE0] =	vst v12  }
0x288: {  	v23 =	vld [tilespmem:s4+$0x10];
	v15 =	vmul.f32 v5, v15;
	[tilespmem:s4+$0xFFFFFEF0] =	vst v19  }
0x289: {  	v9 =	vmul.f32 v5, v9;
	v12 =	vld [tilespmem:s4+$0xFFFFFFE0];
	[tilespmem:s4+$0x40] =	vst v13  }
0x28a: {  	v11 =	vmul.f32 v5, v11;
	v19 =	vld [tilespmem:s4+$0x0];
	[tilespmem:s4+$0xFFFFFDC0] =	vst v15  }
0x28b: {  	v14 =	vmul.f32 v14, v5;
	v13 =	vld [tilespmem:s4+$0x150];
	[tilespmem:s4+$0xFFFFFDD0] =	vst v9  }
0x28c: {  	v21 =	vmul.f32 $2.000000030e-01, v8;
	v16 =	vmul.f32 v16, v5;
	v15 =	vld [tilespmem:s4+$0xFFFFFF40];
	[tilespmem:s4+$0xFFFFFDE0] =	vst v11  }
0x28d: {  	vm1 =	vge.f32 v8, $0.0e+00;
	v17 =	vmul.f32 v17, v5;
	v9 =	vld [tilespmem:s4+$0xFFFFFF50];
	[tilespmem:s4+$0xFFFFFDF0] =	vst v14  }
0x28e: {  	v2 =	vadd.f32 v7, v2;
	v20 =	vmul.f32 v20, v5;
	v7 =	vsel vm1, v8, v21;
	v11 =	vld [tilespmem:s4+$0xFFFFFF70];
	[tilespmem:s4+$0xFFFFFE00] =	vst v16  }
0x28f: {  	v22 =	vmul.f32 v22, v5;
	v14 =	vld [tilespmem:s4+$0xFFFFFF80];
	[tilespmem:s4+$0xFFFFFE10] =	vst v17;
	v7 =	vmul.f32 $1.442695020e+00, v7  }
0x290: {  	v16 =	vld [tilespmem:s4+$0xFFFFFF90];
	[tilespmem:s4+$0xFFFFFE20] =	vst v20;
	v10 =	vmul.f32 v10, v6  }
0x291: {  	v17 =	vld [tilespmem:s4+$0xFFFFFFA0];
	[tilespmem:s4+$0xFFFFFE30] =	vst v22;
	(erf) = vpow2.f32 v7;
	v7 =	vmul.f32 v18, v3  }
0x292: {  	v20 =	vld [tilespmem:s4+$0xFFFFFFB0];
	[tilespmem:s4+$0xFFFFFF20] =	vst v10;
	v12 =	vmul.f32 v12, v3  }
0x293: {  	v22 =	vld [tilespmem:s4+$0xFFFFFFC0];
	v19 =	vmul.f32 v4, v19;
	[tilespmem:s4+$0xFFFFFFD0] =	vst v7  }
0x294: {  	v18 =	vld [tilespmem:s4+$0xD0];
	v15 =	vmul.f32 v15, v6;
	[tilespmem:s4+$0xFFFFFFE0] =	vst v12  }
0x295: {  	v10 =	vld [tilespmem:s4+$0x30];
	v9 =	vmul.f32 v9, v6;
	[tilespmem:s4+$0x0] =	vst v19  }
0x296: {  	v7 =	vld [tilespmem:s4+$0xE0];
	v11 =	vmul.f32 v3, v11;
	v14 =	vmul.f32 v3, v14;
	[tilespmem:s4+$0xFFFFFF40] =	vst v15  }
0x297: {  	v16 =	vmul.f32 v3, v16;
	v8 =	vmul.f32 v17, v3;
	v12 =	vld [tilespmem:s4+$0xF0];
	[tilespmem:s4+$0xFFFFFF50] =	vst v9  }
0x298: {  	v17 =	vmul.f32 v20, v3;
	v20 =	vmul.f32 $2.000000030e-01, v2;
	v19 =	vld [tilespmem:s4+$0x100];
	[tilespmem:s4+$0xFFFFFF70] =	vst v11  }
0x299: {  	vm1 =	vge.f32 v2, $0.0e+00;
	v15 =	vld [tilespmem:s4+$0x50];
	[tilespmem:s4+$0xFFFFFF80] =	vst v14  }
0x29a: {  	v9 =	vld [tilespmem:s4+$0x60];
	[tilespmem:s4+$0xFFFFFF90] =	vst v16;
	v2 =	vsel vm1, v2, v20  }
0x29b: {  	v21 =	vmul.f32 v22, v3;
	v11 =	vld [tilespmem:s4+$0x70];
	[tilespmem:s4+$0xFFFFFFA0] =	vst v8;
	v2 =	vmul.f32 $1.442695020e+00, v2  }
0x29c: {  	v14 =	vld [tilespmem:s4+$0x90];
	[tilespmem:s4+$0xFFFFFFB0] =	vst v17;
	v20 =	vmul.f32 v4, v23  }
0x29d: {  	v16 =	vld [tilespmem:s4+$0xA0];
	[tilespmem:s4+$0xFFFFFFC0] =	vst v21;
	v21 =	vmul.f32 v4, v61;
	(erf) = vpow2.f32 v2  }
0x29e: {  	v8 =	vld [tilespmem:s4+$0xB0];
	[tilespmem:s4+$0x10] =	vst v20;
	v2 =	vmul.f32 v10, v4  }
0x29f: {  	v17 =	vld [tilespmem:s4+$0xC0];
	[tilespmem:s4+$0x20] =	vst v21;
	v15 =	vmul.f32 v15, v4  }
0x2a0: {  	v20 =	vld [tilespmem:s4+$0x130];
	[tilespmem:s4+$0x30] =	vst v2;
	v2 =	vmul.f32 v9, v4  }
0x2a1: {  	v21 =	vld [tilespmem:s4+$0x140];
	v22 =	vpop (erf);
	v9 =	vmul.f32 v11, v4;
	[tilespmem:s4+$0x50] =	vst v15  }
0x2a2: {  	v10 =	vld [tilespmem:s4+$0x120];
	v11 =	vmul.f32 v22, v14;
	[tilespmem:s4+$0x60] =	vst v2  }
0x2a3: {  	v14 =	vld [tilespmem:s4+$0x170];
	v8 =	vmul.f32 v22, v8;
	[tilespmem:s4+$0x70] =	vst v9  }
0x2a4: {  	v17 =	vmul.f32 v17, v22;
	v15 =	vld [tilespmem:s4+$0x160];
	v2 =	vmul.f32 v22, v16;
	[tilespmem:s4+$0x90] =	vst v11  }
0x2a5: {  	v62 =	vmul.f32 v18, v22;
	v63 =	vmul.f32 v7, v22;
	v16 =	vld [tilespmem:s4+$0x180];
	[tilespmem:s4+$0xB0] =	vst v8  }
0x2a6: {  	v23 =	vld [tilespmem:s4+$0x190];
	v27 =	vmul.f32 v12, v22;
	v28 =	vmul.f32 v19, v22;
	[tilespmem:s4+$0xA0] =	vst v2;
	v2 =	vnsel vm0, $0x0, v6;
	v6 =	vpop (erf)  }
0x2a7: {  	v3 =	vnsel vm0, $0x0, v3;
	v18 =	vld [tilespmem:s4+$0x1D0];
	[tilespmem:s4+$0xC0] =	vst v17;
	v17 =	vmul.f32 v1, v26;
	v10 =	vmul.f32 v6, v10  }
0x2a8: {  	v4 =	vnsel vm0, $0x0, v4;
	v19 =	vld [tilespmem:s4+$0x1E0];
	[tilespmem:s4+$0xD0] =	vst v62;
	v9 =	vmul.f32 v6, v20;
	v11 =	vmul.f32 v6, v21  }
0x2a9: {  	v7 =	vnsel vm0, $0x0, v5;
	[tilespmem:s4+$0xE0] =	vst v63;
	v12 =	vmul.f32 v13, v6;
	v13 =	vmul.f32 v15, v6;
	v20 =	vld [tilespmem:s4+$0x1F0]  }
0x2aa: {  	v5 =	vnsel vm0, $0x0, v22;
	[tilespmem:s4+$0xF0] =	vst v27;
	v14 =	vmul.f32 v14, v6;
	v15 =	vmul.f32 v16, v6;
	v21 =	vld [tilespmem:s4+$0x200]  }
0x2ab: {  	s0 =	simm.s32 $0x0;
	s10 =	simm.s32 $0x5100;
	[tilespmem:s4+$0x100] =	vst v28;
	v22 =	vld [tilespmem:s4+$0x210];
	v8 =	vmul.f32 v23, v6;
	v6 =	vnsel vm0, $0x0, v6;
	v16 =	vmul.f32 v1, v29  }
.LBB2_13:
0x2ac: {  	v23 =	vld [tilespmem:s10+$0x230];
	[tilespmem:s4+$0x120] =	vst v10;
	v10 =	vmul.f32 v1, v18;
	s23 =	sadd.s32 $0x80, s23  }
0x2ad: {  	s0 =	sadd.s32 $0x8, s0;
	v18 =	vld [tilespmem:s23+$0x30];
	[tilespmem:s4+$0x130] =	vst v9;
	v9 =	vmul.f32 v19, v1  }
0x2ae: {  	p0 =	slt.u32 s0, $0x38;
	v19 =	vld [tilespmem:s23+$0xFFFFFFC0];
	[tilespmem:s4+$0x140] =	vst v11;
	v11 =	vmul.f32 v20, v1  }
0x2af: {  	v20 =	vld [tilespmem:s10+$0xFFFFFED0];
	[tilespmem:s4+$0x150] =	vst v12;
	v12 =	vmul.f32 v21, v1  }
0x2b0: {  	v21 =	vld [tilespmem:s23+$0xFFFFFFD0];
	[tilespmem:s4+$0x160] =	vst v13;
	v1 =	vmul.f32 v22, v1  }
0x2b1: {  	v13 =	vld [tilespmem:s10+$0xFFFFFF60];
	[tilespmem:s4+$0x170] =	vst v14  }
0x2b2: {  	v14 =	vld [tilespmem:s23+$0xFFFFFFE0];
	v18 =	vadd.f32 v18, v23;
	[tilespmem:s4+$0x180] =	vst v15  }
0x2b3: {  	v15 =	vld [tilespmem:s10+$0xFFFFFFF0];
	[tilespmem:s4+$0x190] =	vst v8  }
0x2b4: {  	v8 =	vld [tilespmem:s23+$0xFFFFFFF0];
	v22 =	vmul.f32 $2.000000030e-01, v18;
	[tilespmem:s4+$0x1B0] =	vst v17  }
0x2b5: {  	vm1 =	vge.f32 v18, $0.0e+00;
	v17 =	vadd.f32 v21, v20;
	v20 =	vld [tilespmem:s10+$0x80];
	[tilespmem:s4+$0x1C0] =	vst v16  }
0x2b6: {  	v16 =	vld [tilespmem:s23+$0x0];
	v18 =	vsel vm1, v18, v22;
	[tilespmem:s4+$0x1D0] =	vst v10  }
0x2b7: {  	v10 =	vmul.f32 $2.000000030e-01, v17;
	v13 =	vadd.f32 v14, v13;
	v14 =	vld [tilespmem:s10+$0x110];
	v18 =	vmul.f32 $1.442695020e+00, v18;
	[tilespmem:s4+$0x1E0] =	vst v9  }
0x2b8: {  	vm1 =	vge.f32 v17, $0.0e+00;
	v9 =	vld [tilespmem:s23+$0x10];
	[tilespmem:s4+$0x1F0] =	vst v11  }
0x2b9: {  	v11 =	vmul.f32 $2.000000030e-01, v13;
	v8 =	vadd.f32 v8, v15;
	v15 =	vld [tilespmem:s10+$0x1A0];
	(erf) = vpow2.f32 v18;
	[tilespmem:s4+$0x200] =	vst v12  }
0x2ba: {  	v10 =	vsel vm1, v17, v10;
	vm1 =	vge.f32 v13, $0.0e+00;
	v12 =	vld [tilespmem:s23+$0x20];
	[tilespmem:s4+$0x210] =	vst v1  }
0x2bb: {  	v1 =	vld [tilespmem:s10+$0xFFFFFE40];
	vm2 =	vge.f32 v8, $0.0e+00;
	v17 =	vmul.f32 $2.000000030e-01, v8;
	v16 =	vadd.f32 v16, v20;
	[tilespmem:s4+$0xFFFFFE40] =	vst v7  }
0x2bc: {  	v10 =	vmul.f32 $1.442695020e+00, v10;
	v11 =	vsel vm1, v13, v11;
	v7 =	vld [tilespmem:s10+$0xFFFFFDC0];
	[tilespmem:s4+$0xFFFFFF60] =	vst v2  }
0x2bd: {  	v13 =	vld [tilespmem:s10+$0xFFFFFDD0];
	vm1 =	vge.f32 v16, $0.0e+00;
	v2 =	vmul.f32 $2.000000030e-01, v16;
	v9 =	vadd.f32 v9, v14;
	[tilespmem:s4+$0xFFFFFFF0] =	vst v3  }
0x2be: {  	v3 =	vmul.f32 $1.442695020e+00, v11;
	v8 =	vsel vm2, v8, v17;
	v11 =	vld [tilespmem:s10+$0x220];
	(erf) = vpow2.f32 v10;
	[tilespmem:s4+$0x80] =	vst v4  }
0x2bf: {  	v10 =	vld [tilespmem:s10+$0xFFFFFDE0];
	vm2 =	vge.f32 v9, $0.0e+00;
	v4 =	vmul.f32 $2.000000030e-01, v9;
	v12 =	vadd.f32 v12, v15;
	[tilespmem:s4+$0x110] =	vst v5  }
0x2c0: {  	v8 =	vmul.f32 $1.442695020e+00, v8;
	v17 =	vsel vm1, v16, v2;
	v5 =	vadd.f32 v19, v1;
	v14 =	vld [tilespmem:s10+$0xFFFFFDF0];
	[tilespmem:s4+$0x1A0] =	vst v6;
	s4 =	smov.u32 s10  }
0x2c1: {  	v6 =	vld [tilespmem:s10+$0xFFFFFE00];
	v2 =	vsel vm2, v9, v4;
	vm1 =	vge.f32 v12, $0.0e+00;
	v4 =	vmul.f32 $2.000000030e-01, v12  }
0x2c2: {  	v16 =	vmul.f32 $1.442695020e+00, v17;
	vm2 =	vge.f32 v5, $0.0e+00;
	v9 =	vmul.f32 $2.000000030e-01, v5;
	v15 =	vld [tilespmem:s10+$0xFFFFFE10];
	v1 =	vpop (erf)  }
0x2c3: {  	v2 =	vmul.f32 $1.442695020e+00, v2;
	v17 =	vld [tilespmem:s10+$0xFFFFFE20];
	v4 =	vsel vm1, v12, v4;
	v11 =	vmul.f32 v11, v1  }
0x2c4: {  	v5 =	vsel vm2, v5, v9;
	v12 =	vld [tilespmem:s10+$0xFFFFFE30];
	v4 =	vmul.f32 $1.442695020e+00, v4;
	(erf) = vpow2.f32 v3  }
0x2c5: {  	v9 =	vnsel vm0, $0x0, v1;
	v3 =	vmul.f32 $1.442695020e+00, v5;
	v5 =	vld [tilespmem:s10+$0xFFFFFE50];
	[tilespmem:s10+$0x220] =	vst v11;
	(erf) = vpow2.f32 v8  }
0x2c6: {  	v8 =	vld [tilespmem:s10+$0xFFFFFE60];
	[tilespmem:s10+$0x230] =	vst v9;
	(erf) = vpow2.f32 v16  }
0x2c7: {  	v9 =	vld [tilespmem:s10+$0xFFFFFE70];
	(erf) = vpow2.f32 v3;
	v11 =	vpop (erf)  }
0x2c8: {  	v3 =	vld [tilespmem:s10+$0xFFFFFE80];
	v16 =	vnsel vm0, $0x0, v11;
	(erf) = vpow2.f32 v2  }
0x2c9: {  	v2 =	vld [tilespmem:s10+$0xFFFFFE90];
	[tilespmem:s10+$0xFFFFFED0] =	vst v16;
	(erf) = vpow2.f32 v4  }
0x2ca: {  	v4 =	vmul.f32 v11, v5;
	v5 =	vld [tilespmem:s10+$0xFFFFFEA0]  }
0x2cb: {  	v8 =	vmul.f32 v11, v8;
	v16 =	vld [tilespmem:s10+$0xFFFFFEB0]  }
0x2cc: {  	[tilespmem:s10+$0xFFFFFE50] =	vst v4;
	v4 =	vmul.f32 v11, v9;
	v18 =	vld [tilespmem:s10+$0xFFFFFEC0]  }
0x2cd: {  	[tilespmem:s10+$0xFFFFFE60] =	vst v8;
	v3 =	vmul.f32 v3, v11;
	v19 =	vld [tilespmem:s10+$0xFFFFFEE0];
	v20 =	vpop (erf)  }
0x2ce: {  	[tilespmem:s10+$0xFFFFFE70] =	vst v4;
	v4 =	vmul.f32 v2, v11;
	v21 =	vld [tilespmem:s10+$0xFFFFFEF0];
	v2 =	vnsel vm0, $0x0, v20;
	v22 =	vpop (erf)  }
0x2cf: {  	[tilespmem:s10+$0xFFFFFE80] =	vst v3;
	v5 =	vmul.f32 v5, v11;
	v23 =	vld [tilespmem:s10+$0xFFFFFF00];
	v3 =	vnsel vm0, $0x0, v22;
	v24 =	vpop (erf)  }
0x2d0: {  	[tilespmem:s10+$0xFFFFFE90] =	vst v4;
	v29 =	vmul.f32 v16, v11;
	v16 =	vld [tilespmem:s10+$0xFFFFFF10];
	v4 =	vnsel vm0, $0x0, v24;
	v25 =	vpop (erf)  }
0x2d1: {  	v26 =	vmul.f32 v25, v7;
	v13 =	vmul.f32 v25, v13;
	v7 =	vnsel vm0, $0x0, v25;
	[tilespmem:s10+$0xFFFFFEA0] =	vst v5;
	v27 =	vld [tilespmem:s10+$0xFFFFFF20];
	v9 =	vpop (erf)  }
0x2d2: {  	v10 =	vmul.f32 v25, v10;
	v14 =	vmul.f32 v14, v25;
	[tilespmem:s10+$0xFFFFFEB0] =	vst v29;
	v28 =	vld [tilespmem:s10+$0xFFFFFF30];
	v5 =	vnsel vm0, $0x0, v9;
	v8 =	vpop (erf)  }
0x2d3: {  	v15 =	vmul.f32 v15, v25;
	[tilespmem:s10+$0xFFFFFDC0] =	vst v26;
	v26 =	vmul.f32 v6, v25;
	v29 =	vld [tilespmem:s10+$0xFFFFFF40];
	v6 =	vnsel vm0, $0x0, v8  }
0x2d4: {  	v12 =	vmul.f32 v12, v25;
	[tilespmem:s10+$0xFFFFFDD0] =	vst v13;
	v13 =	vmul.f32 v17, v25;
	v17 =	vld [tilespmem:s10+$0xFFFFFF50]  }
0x2d5: {  	[tilespmem:s10+$0xFFFFFDE0] =	vst v10;
	v10 =	vmul.f32 v18, v11;
	v11 =	vmul.f32 v20, v19;
	v18 =	vld [tilespmem:s10+$0xFFFFFF70]  }
0x2d6: {  	v19 =	vmul.f32 v20, v23;
	[tilespmem:s10+$0xFFFFFDF0] =	vst v14;
	v14 =	vmul.f32 v20, v21;
	v21 =	vld [tilespmem:s10+$0xFFFFFF80]  }
0x2d7: {  	v16 =	vmul.f32 v16, v20;
	v23 =	vmul.f32 v27, v20;
	[tilespmem:s10+$0xFFFFFE00] =	vst v26;
	v25 =	vld [tilespmem:s10+$0xFFFFFF90]  }
0x2d8: {  	[tilespmem:s10+$0xFFFFFE10] =	vst v15;
	v15 =	vmul.f32 v28, v20;
	v26 =	vmul.f32 v29, v20;
	v27 =	vld [tilespmem:s10+$0xFFFFFFA0]  }
0x2d9: {  	[tilespmem:s10+$0xFFFFFE20] =	vst v13;
	v13 =	vmul.f32 v17, v20;
	v17 =	vld [tilespmem:s10+$0xFFFFFFB0]  }
0x2da: {  	[tilespmem:s10+$0xFFFFFE30] =	vst v12;
	v12 =	vmul.f32 v22, v18;
	v18 =	vld [tilespmem:s10+$0xFFFFFFC0]  }
0x2db: {  	[tilespmem:s10+$0xFFFFFEC0] =	vst v10;
	v10 =	vmul.f32 v22, v21;
	v20 =	vld [tilespmem:s10+$0xFFFFFFD0]  }
0x2dc: {  	[tilespmem:s10+$0xFFFFFEE0] =	vst v11;
	v11 =	vmul.f32 v22, v25;
	v21 =	vld [tilespmem:s10+$0xFFFFFFE0]  }
0x2dd: {  	[tilespmem:s10+$0xFFFFFEF0] =	vst v14;
	v14 =	vmul.f32 v27, v22;
	v25 =	vld [tilespmem:s10+$0x0]  }
0x2de: {  	[tilespmem:s10+$0xFFFFFF00] =	vst v19;
	v17 =	vmul.f32 v17, v22;
	v19 =	vld [tilespmem:s10+$0x10]  }
0x2df: {  	[tilespmem:s10+$0xFFFFFF10] =	vst v16;
	v16 =	vmul.f32 v18, v22;
	v18 =	vld [tilespmem:s10+$0x20]  }
0x2e0: {  	[tilespmem:s10+$0xFFFFFF20] =	vst v23;
	v20 =	vmul.f32 v20, v22;
	v23 =	vld [tilespmem:s10+$0x30]  }
0x2e1: {  	[tilespmem:s10+$0xFFFFFF30] =	vst v15;
	v15 =	vmul.f32 v21, v22;
	v21 =	vld [tilespmem:s10+$0x40]  }
0x2e2: {  	[tilespmem:s10+$0xFFFFFF40] =	vst v26;
	v22 =	vmul.f32 v24, v25;
	v25 =	vld [tilespmem:s10+$0x50]  }
0x2e3: {  	[tilespmem:s10+$0xFFFFFF50] =	vst v13;
	v13 =	vmul.f32 v24, v19;
	v19 =	vld [tilespmem:s10+$0x60]  }
0x2e4: {  	[tilespmem:s10+$0xFFFFFF70] =	vst v12;
	v12 =	vmul.f32 v24, v18;
	v18 =	vld [tilespmem:s10+$0x70]  }
0x2e5: {  	[tilespmem:s10+$0xFFFFFF80] =	vst v10;
	v10 =	vmul.f32 v23, v24;
	v23 =	vld [tilespmem:s10+$0x90]  }
0x2e6: {  	[tilespmem:s10+$0xFFFFFF90] =	vst v11;
	v11 =	vmul.f32 v21, v24;
	v21 =	vld [tilespmem:s10+$0xA0]  }
0x2e7: {  	[tilespmem:s10+$0xFFFFFFA0] =	vst v14;
	v14 =	vmul.f32 v25, v24;
	v25 =	vld [tilespmem:s10+$0xB0]  }
0x2e8: {  	[tilespmem:s10+$0xFFFFFFB0] =	vst v17;
	v17 =	vmul.f32 v19, v24;
	v19 =	vld [tilespmem:s10+$0xC0]  }
0x2e9: {  	[tilespmem:s10+$0xFFFFFFC0] =	vst v16;
	v16 =	vmul.f32 v18, v24;
	v18 =	vld [tilespmem:s10+$0xD0]  }
0x2ea: {  	[tilespmem:s10+$0xFFFFFFD0] =	vst v20;
	v20 =	vmul.f32 v9, v23;
	v23 =	vld [tilespmem:s10+$0xE0]  }
0x2eb: {  	[tilespmem:s10+$0xFFFFFFE0] =	vst v15;
	v15 =	vmul.f32 v9, v21;
	v21 =	vld [tilespmem:s10+$0xF0]  }
0x2ec: {  	[tilespmem:s10+$0x0] =	vst v22;
	v22 =	vmul.f32 v9, v25;
	v24 =	vld [tilespmem:s10+$0x100]  }
0x2ed: {  	[tilespmem:s10+$0x10] =	vst v13;
	v19 =	vmul.f32 v19, v9;
	v13 =	vld [tilespmem:s10+$0x120]  }
0x2ee: {  	[tilespmem:s10+$0x20] =	vst v12;
	v25 =	vmul.f32 v18, v9;
	v12 =	vld [tilespmem:s10+$0x130]  }
0x2ef: {  	[tilespmem:s10+$0x30] =	vst v10;
	v23 =	vmul.f32 v23, v9;
	v18 =	vld [tilespmem:s10+$0x140]  }
0x2f0: {  	[tilespmem:s10+$0x40] =	vst v11;
	v21 =	vmul.f32 v21, v9;
	v26 =	vld [tilespmem:s10+$0x150]  }
0x2f1: {  	[tilespmem:s10+$0x50] =	vst v14;
	v24 =	vmul.f32 v24, v9;
	v14 =	vld [tilespmem:s10+$0x160]  }
0x2f2: {  	[tilespmem:s10+$0x60] =	vst v17;
	v10 =	vmul.f32 v8, v13;
	v17 =	vld [tilespmem:s10+$0x170]  }
0x2f3: {  	[tilespmem:s10+$0x70] =	vst v16;
	v9 =	vmul.f32 v8, v12;
	v16 =	vld [tilespmem:s10+$0x180]  }
0x2f4: {  	[tilespmem:s10+$0x90] =	vst v20;
	v11 =	vmul.f32 v8, v18;
	v20 =	vld [tilespmem:s10+$0x190]  }
0x2f5: {  	[tilespmem:s10+$0xA0] =	vst v15;
	v12 =	vmul.f32 v26, v8;
	v26 =	vld [tilespmem:s10+$0x1B0]  }
0x2f6: {  	[tilespmem:s10+$0xB0] =	vst v22;
	v13 =	vmul.f32 v14, v8;
	v22 =	vld [tilespmem:s10+$0x1C0]  }
.Ltmp6:
0x2f7: {  	[tilespmem:s10+$0xC0] =	vst v19;
	v14 =	vmul.f32 v17, v8;
	v18 =	vld [tilespmem:s10+$0x1D0];
	(pc) =	sbr.rel @p0 .LBB2_13-.Ltmp6, $4  }
0x2f8: {  	[tilespmem:s10+$0xD0] =	vst v25;
	v15 =	vmul.f32 v16, v8;
	v19 =	vld [tilespmem:s10+$0x1E0]  }
0x2f9: {  	[tilespmem:s10+$0xE0] =	vst v23;
	v8 =	vmul.f32 v20, v8;
	v20 =	vld [tilespmem:s10+$0x1F0]  }
0x2fa: {  	[tilespmem:s10+$0xF0] =	vst v21;
	v17 =	vmul.f32 v1, v26;
	v21 =	vld [tilespmem:s10+$0x200]  }
0x2fb: {  	s10 =	sadd.s32 $0x480, s10;
	[tilespmem:s4+$0x100] =	vst v24;
	v16 =	vmul.f32 v1, v22;
	v22 =	vld [tilespmem:s4+$0x210]  }
0x2fc: {  	[tilespmem:s4+$0x120] =	vst v10  }
0x2fd: {  	[tilespmem:s4+$0x130] =	vst v9  }
0x2fe: {  	[tilespmem:s4+$0x140] =	vst v11  }
0x2ff: {  	[tilespmem:s4+$0x150] =	vst v12  }
0x300: {  	[tilespmem:s4+$0x160] =	vst v13  }
0x301: {  	[tilespmem:s4+$0x170] =	vst v14  }
0x302: {  	[tilespmem:s4+$0x180] =	vst v15  }
0x303: {  	[tilespmem:s4+$0x190] =	vst v8  }
0x304: {  	[tilespmem:s4+$0x1B0] =	vst v17  }
0x305: {  	[tilespmem:s4+$0xFFFFFE40] =	vst v7  }
0x306: {  	[tilespmem:s4+$0xFFFFFF60] =	vst v2  }
0x307: {  	[tilespmem:s4+$0xFFFFFFF0] =	vst v3  }
0x308: {  	[tilespmem:s4+$0x80] =	vst v4  }
0x309: {  	[tilespmem:s4+$0x110] =	vst v5  }
0x30a: {  	v60 =	vmul.f32 v1, v18;
	[tilespmem:s4+$0x1A0] =	vst v6  }
0x30b: {  	s7 =	sadd.s32 $0x1, s7;
	v61 =	vmul.f32 v19, v1;
	[tilespmem:s4+$0x1C0] =	vst v16  }
0x30c: {  	p0 =	sne.s32 s7, $0x36;
	v62 =	vmul.f32 v20, v1;
	[tilespmem:s4+$0x1D0] =	vst v60  }
.Ltmp7:
0x30d: {  	v63 =	vmul.f32 v21, v1;
	[tilespmem:s4+$0x1E0] =	vst v61;
	(pc) =	sbr.rel @p0 .LBB2_4-.Ltmp7, $4  }
0x30e: {  	v1 =	vmul.f32 v22, v1;
	[tilespmem:s4+$0x1F0] =	vst v62  }
0x30f: {  	[tilespmem:s4+$0x200] =	vst v63  }
0x310: {  	[tilespmem:s4+$0x210] =	vst v1  }
0x311: {  	[spmem:s3] =	stream.indirect.scatter.add.f32 [tilespmem:s12], [sflag:$0x9], $0x90, s22, s26, $0xb8;
	[tilespmem:$0x1D9D0] =	vst v63  }
0x312: {  	s0 =	simm.s32 $0x8  }
0x313: {  	_ =	swait.ge [sflag:s0], $0x2400  }
0x314: {  	[sflag:s0] =	ssyncset.done $0x0  }
0x315: {  	[sflag:s0] =	ssyncadd.s32 $0xFFFFDC00  }
0x316: {  	_ =	swait.ge [sflag:s17], $0x2400  }
0x317: {  	[sflag:s17] =	ssyncset.done $0x0  }
0x318: {  	[sflag:s17] =	ssyncadd.s32 $0xFFFFDC00  }
0x319: {  	s7 =	stileid.u32;
	[bflag:$0x0] =	sbarrier.arrive $0xFFFF  }
0x31a: {  	s0 =	sshll.u32 s7, $0x6;
	s23 =	rddreg [dreg:$0x4]  }
0x31b: {  	s0 =	sor.u32 $0x1C0A, s0;
	s7 =	rddreg [dreg:$0x10];
	s4 =	sshrl.u32 s23, $0x3  }
0x31c: {  	[hbm:s7], [sflag:s0] =	dma.local [spmem:s4], $0x2BF2  }
0x31d: {  	_ =	swait.ge [sflag:s25], $0x2BF2  }
0x31e: {  	s10 =	rddreg [dreg:$0x12]  }
0x31f: {  	s29 =	rddreg [dreg:$0x11];
	s4 =	sadd.s32 $0x1, s10  }
0x320: {  	p0 =	sne.s32 s4, s29  }
.Ltmp8:
0x321: {  	_ = 	snop;
	(pc) =	sbr.rel @p0 .LBB2_1-.Ltmp8, $3  }
0x322: {  	_ =	sdelay $0x1  }
0x323: {  	[sflag:s25] =	ssyncset.done $0x0  }
0x324: {  	[sflag:s25] =	ssyncadd.s32 $0xFFFFD40E  }
0x325: {  	_ =	sfence.sel $0x180000  }
0x326: {  	[bflag:$0x0] =	sbarrier.arrive $0xFFFF  }
0x327: {  	_ =	strace $0x90000047  }
0x328: {  	s0 =	stileid.u32;
	[bflag:$0x2] =	sbarrier.arrive $0xFFFF  }
0x329: {  	p0 =	sne.s32 s0, $0x0;
	s0 =	rddreg [dreg:$0x3]  }
0x32a: {  	s0 =	sadd.s32 @!p0 $0x100000, s0  }
0x32b: {  	[sflag:s0] =	ssyncadd.tile.s32 @!p0 $0x1;
	_ =	shalt  }
.Lfunc_end2:
_tile_overlayer_lowered:
.L_overlay_start_2:
0x32c: {  	(tag) =	ssettag $0x2  }
0x32d: {  	s0 =	rddreg [dreg:$0x0];
	s2 =	stileid.u32  }
0x32e: {  	s1 =	rddreg [dreg:$0x1];
	p0 =	sne.s32 s2, $0x0  }
0x32f: {  	s3 =	rddreg [dreg:$0x2];
	[bflag:$0x3] =	sbarrier.arrive $0xFFFF;
	s2 =	simm.s32 @!p0 $0x1C0A  }
0x330: {  	[timem:s3], [sflag:s2] =	dma.local @!p0 [hbm:s0], s1  }
0x331: {  	s0 =	simm.s32 @!p0 $0xA  }
0x332: {  	_ =	swait.ge @!p0 [sflag:s0], s1  }
0x333: {  	s1 =	ssub.s32 @!p0 $0x0, s1;
	[sflag:s0] =	ssyncset.done @!p0 $0x0  }
0x334: {  	[sflag:s0] =	ssyncadd.s32 @!p0 s1  }
0x335: {  	[bflag:$0x3] =	sbarrier.arrive $0xFFFF  }
0x336: {  	_ =	shalt  }

</sc_bundles>
